<compile_context>
chip_gen: v7x
topology: tpu7x:2x2x1
jax: 0.10.2.dev20260603
libtpu: 0.0.44.dev20260713+nightly
codegen_flags: <defaults>
</compile_context>

<pallas_src>
import functools

import jax
import jax.numpy as jnp
from jax import lax
from jax.experimental import pallas as pl
from jax.experimental.pallas import tpu as pltpu
from jax.experimental.pallas import tpu_sc as plsc

_H = 512
_W = 512
_C = 192
_K = 500
_KPAD = 512
_NT = 128
_PLANE_HW = _H * _W
def _detect_body(planes_ref, scores_ref, kx_ref, ky_ref, pos_ref):
    r = lax.broadcasted_iota(jnp.int32, (_NT, _NT), 0)
    c = lax.broadcasted_iota(jnp.int32, (_NT, _NT), 1)
    best_v = jnp.full((_NT, _NT), -1.0, dtype=jnp.float32)
    best_k = jnp.zeros((_NT, _NT), dtype=jnp.int32)
    for p in range(16):
        dy, dx = p // 4, p % 4
        y = 4 * r + dy
        x = 4 * c + dx
        v = planes_ref[p]
        mask = (y >= 3) & (y <= _H - 4) & (x >= 3) & (x <= _W - 4)
        v = jnp.where(mask, v, 0.0)
        upd = v > best_v
        best_v = jnp.where(upd, v, best_v)
        best_k = jnp.where(upd, p, best_k)
    intmax = jnp.int32(2147483647)
    yy = 4 * r + best_k // 4
    xx = 4 * c + best_k % 4
    phys = ((yy // 8) * 4 + xx // 128) * 1024 + (yy % 8) * 128 + (xx % 128)
    flat = r * _NT + c
    packed = (flat - 8192) * (1 << 18) + phys

    def body(k, v):
        m = jnp.max(v)
        sel = jnp.min(jnp.where(v == m, packed, intmax))
        posv = sel & ((1 << 18) - 1)
        t = posv >> 10
        inr = posv & 1023
        yi = (t >> 2) * 8 + (inr >> 7)
        xi = (t & 3) * 128 + (inr & 127)
        scores_ref[k] = m
        kx_ref[k] = xi.astype(jnp.float32) / (_W - 1) * 2.0 - 1.0
        ky_ref[k] = yi.astype(jnp.float32) / (_H - 1) * 2.0 - 1.0
        pos_ref[k] = posv
        return jnp.where(packed == sel, -1.0, v)

    lax.fori_loop(0, _KPAD, body, best_v)


def _detect(planes):
    return pl.pallas_call(
        _detect_body,
        in_specs=[pl.BlockSpec(memory_space=pltpu.VMEM)],
        out_specs=[
            pl.BlockSpec(memory_space=pltpu.SMEM),
            pl.BlockSpec(memory_space=pltpu.SMEM),
            pl.BlockSpec(memory_space=pltpu.SMEM),
            pl.BlockSpec(memory_space=pltpu.SMEM),
        ],
        out_shape=[
            jax.ShapeDtypeStruct((_KPAD,), jnp.float32),
            jax.ShapeDtypeStruct((_KPAD,), jnp.float32),
            jax.ShapeDtypeStruct((_KPAD,), jnp.float32),
            jax.ShapeDtypeStruct((_KPAD,), jnp.int32),
        ],
    )(planes)


@functools.cache
def _make_gather_norm():
    mesh = plsc.VectorSubcoreMesh(core_axis_name="c", subcore_axis_name="s")
    n_per_w = 16 * _C

    @functools.partial(
        pl.kernel,
        mesh=mesh,
        out_type=jax.ShapeDtypeStruct((_KPAD * _C,), jnp.float32),
        scratch_types=[
            pltpu.VMEM((16,), jnp.int32),
            pltpu.VMEM((n_per_w,), jnp.int32),
            pltpu.VMEM((n_per_w,), jnp.float32),
            pltpu.SemaphoreType.DMA,
        ],
    )
    def gather_norm(pos_hbm, dm_hbm, out_hbm, pos_v, idx_v, rows_v, sem):
        wid = lax.axis_index("s") * 2 + lax.axis_index("c")
        base = wid * n_per_w
        pltpu.sync_copy(pos_hbm.at[pl.ds(wid * 16, 16)], pos_v)
        pos_vec = pos_v[...]
        for c in range(_C):
            idx_v[pl.ds(c * 16, 16)] = pos_vec + c * _PLANE_HW

        def chunk(j, carry):
            sl = pl.ds(j * 128, 128)
            pltpu.async_copy(dm_hbm.at[idx_v.at[sl]], rows_v.at[sl], sem).wait()
            return carry

        lax.fori_loop(0, n_per_w // 128, chunk, 0)

        pltpu.sync_copy(rows_v, out_hbm.at[pl.ds(base, n_per_w)])

    return gather_norm


def _norm_body(d_ref, out_ref):
    d = d_ref[...]
    n = jnp.sqrt(jnp.sum(d * d, axis=1, keepdims=True))
    out_ref[...] = d / n


def _normalize(desc):
    return pl.pallas_call(
        _norm_body,
        in_specs=[pl.BlockSpec(memory_space=pltpu.VMEM)],
        out_specs=pl.BlockSpec(memory_space=pltpu.VMEM),
        out_shape=jax.ShapeDtypeStruct((_KPAD, _C), jnp.float32),
    )(desc)


@jax.jit
def kernel(scores_map, descriptor_map):
    scores = scores_map[0, 0]
    planes = (
        scores.reshape(_NT, 4, _NT, 4).transpose(1, 3, 0, 2).reshape(16, _NT, _NT)
    )
    kptscores, kx, ky, pos = _detect(planes)
    keypoints = jnp.stack([kx, ky], axis=1)
    dm_flat = (
        descriptor_map.reshape(_C, _H // 8, 8, _W // 128, 128)
        .transpose(0, 1, 3, 2, 4)
        .reshape(-1)
    )
    desc = _make_gather_norm()(pos, dm_flat)
    desc = desc.reshape(32, _C, 16).transpose(0, 2, 1).reshape(_KPAD, _C)
    desc = _normalize(desc)
    return (keypoints[:_K], desc[:_K], kptscores[:_K])

# --- scband reference (transcript-rebuilt; emitter-appended) ---
"""Pipeline reference for scband-dkd-76304388981021 (READ-ONLY COPY).

The authoritative reference and input builder live on the scoring server;
editing this copy changes nothing except your own understanding.
"""

import jax, jax.numpy as jnp
import numpy as np

RADIUS = 2
TOP_K = 500
KERNEL = 4


def setup_inputs(seed: int = 0) -> dict:
    key = jax.random.key(seed)
    k1, k2 = jax.random.split(key)
    scores_map = jax.random.uniform(k1, (1, 1, 512, 512), dtype=jnp.float32)
    descriptor_map = jax.random.normal(k2, (1, 192, 512, 512), dtype=jnp.float32)
    return {"scores_map": scores_map, "descriptor_map": descriptor_map}


def reference(scores_map, descriptor_map):
    h, w = descriptor_map.shape[2], descriptor_map.shape[3]
    # --- tiled_detect_keypoints ---
    scores = scores_map[0, 0]
    r = RADIUS + 1
    scores = scores.at[:r, :].set(0.0)
    scores = scores.at[-r:, :].set(0.0)
    scores = scores.at[:, :r].set(0.0)
    scores = scores.at[:, -r:].set(0.0)
    num_tiles_h = h // KERNEL
    num_tiles_w = w // KERNEL
    reshaped = scores.reshape(num_tiles_h, KERNEL, num_tiles_w, KERNEL)
    reshaped = jnp.swapaxes(reshaped, 1, 2)
    reshaped = reshaped.reshape(num_tiles_h, num_tiles_w, -1)
    argmax_indices = jnp.argmax(reshaped, axis=2)
    values = jnp.take_along_axis(reshaped, argmax_indices[..., None], axis=2)[..., 0]
    row_indices = (jnp.arange(num_tiles_h) * KERNEL)[:, None] + argmax_indices // KERNEL
    col_indices = jnp.arange(num_tiles_w) * KERNEL + argmax_indices % KERNEL
    # original uses argpartition (unordered top-k set); top_k gives same set, sorted
    top_values, flat_indices = jax.lax.top_k(values.ravel(), TOP_K)
    top_row_indices = row_indices.ravel()[flat_indices]
    top_col_indices = col_indices.ravel()[flat_indices]
    keypoints_xy = jnp.stack([top_col_indices, top_row_indices], axis=1)  # [K, 2] int (x, y)
    kptscores = top_values
    # --- sample_descriptor (nearest, bilinear_interp=False) ---
    dm = descriptor_map[0]  # [C, H, W]
    descriptors = dm[:, keypoints_xy[:, 1], keypoints_xy[:, 0]]  # [C, K]
    descriptors = descriptors / jnp.linalg.norm(descriptors, axis=0)
    descriptors = descriptors.T  # [K, C]
    # --- normalize keypoints to [-1, 1] ---
    keypoints = keypoints_xy.astype(jnp.float32) / jnp.array([w - 1, h - 1], dtype=jnp.float32) * 2.0 - 1.0
    return (keypoints, descriptors, kptscores)

if __name__ == "__main__":
    import jax
    _d = setup_inputs()
    print(jax.jit(kernel)(*tuple(_d.values())))

</pallas_src>

<mosaic_0001>
#map = affine_map<(d0, d1) -> (0)>
module attributes {stable_mosaic.version = 14 : i64} {
  func.func @gather_norm(%arg0: i32, %arg1: i32, %arg2: memref<512xi32, #tpu.memory_space<hbm>>, %arg3: memref<50331648xf32, #tpu.memory_space<hbm>>, %arg4: memref<98304xf32, #tpu.memory_space<hbm>>, %arg5: memref<16xi32, #tpu.memory_space<vmem>>, %arg6: memref<3072xi32, #tpu.memory_space<vmem>>, %arg7: memref<3072xf32, #tpu.memory_space<vmem>>, %arg8: memref<!tpu.dma_semaphore, #tpu.memory_space<semaphore_mem>>) attributes {dimension_semantics = [#tpu.dimension_semantics<core_parallel>, #tpu.dimension_semantics<subcore_parallel>], iteration_bounds = array<i64: 2, 16>, scalar_prefetch = 0 : i64, scratch_operands = 4 : i64, tpu.core_type = #tpu.core_type<sc_vector_subcore>, window_params = [{transform_indices = #map}, {transform_indices = #map}, {transform_indices = #map}]} {
    %mul3A = arith.constant 2 : i32
    %mul3A_0 = arith.muli %arg1, %mul3A : i32
    %add3A = arith.addi %mul3A_0, %arg0 : i32
    %mul3A_1 = arith.constant 3072 : i32
    %mul3A_2 = arith.muli %add3A, %mul3A_1 : i32
    %mul3A_3 = arith.constant 16 : i32
    %mul3A_4 = arith.muli %add3A, %mul3A_3 : i32
    "tpu.region"() ({
      %run_scoped3A = tpu.sem_alloc : memref<!tpu.dma_semaphore, #tpu.memory_space<semaphore_mem>>
      %dma_start3A = tpu.memref_slice %arg2[%mul3A_4] : memref<512xi32, #tpu.memory_space<hbm>> -> memref<16xi32, #tpu.memory_space<hbm>>
      %dma_start3A_1355 = tpu.memref_slice %arg2[%mul3A_4] : memref<512xi32, #tpu.memory_space<hbm>> -> memref<16xi32, #tpu.memory_space<hbm>>
      tpu.enqueue_dma source(%dma_start3A_1355 : memref<16xi32, #tpu.memory_space<hbm>>) target(%arg5 : memref<16xi32, #tpu.memory_space<vmem>>) target_semaphore(%run_scoped3A : memref<!tpu.dma_semaphore, #tpu.memory_space<semaphore_mem>>)
      %dma_wait3A = tpu.memref_slice %arg2[%mul3A_4] : memref<512xi32, #tpu.memory_space<hbm>> -> memref<16xi32, #tpu.memory_space<hbm>>
      %dma_wait3A_1356 = tpu.memref_slice %arg2[%mul3A_4] : memref<512xi32, #tpu.memory_space<hbm>> -> memref<16xi32, #tpu.memory_space<hbm>>
      tpu.wait_dma2 semaphore(%run_scoped3A : memref<!tpu.dma_semaphore, #tpu.memory_space<semaphore_mem>>) src(%dma_wait3A_1356 : memref<16xi32, #tpu.memory_space<hbm>>) dst(%arg5 : memref<16xi32, #tpu.memory_space<vmem>>)
      tpu.yield
    }) : () -> ()
    %get3A = arith.constant 0 : index
    %get3A_5 = tpu.vector_load %arg5[%get3A] {strides = array<i32>} : memref<16xi32, #tpu.memory_space<vmem>>, vector<16xi32>,
    %get3A_6 = vector.shape_cast %get3A_5 : vector<16xi32> to vector<16xi32>
    %add3A_7 = arith.constant 0 : i32
    %add3A_8 = vector.broadcast %add3A_7 : i32 to vector<16xi32>
    %add3A_9 = arith.addi %get3A_6, %add3A_8 : vector<16xi32>
    %swap3A = arith.constant 0 : index
    %swap3A_10 = tpu.vector_load %arg6[%swap3A] {strides = array<i32>} : memref<3072xi32, #tpu.memory_space<vmem>>, vector<16xi32>,
    %swap3A_11 = vector.shape_cast %swap3A_10 : vector<16xi32> to vector<16xi32>
    %swap3A_12 = vector.shape_cast %add3A_9 : vector<16xi32> to vector<16xi32>
    tpu.vector_store %arg6[%swap3A], %swap3A_12 {strides = array<i32>} : memref<3072xi32, #tpu.memory_space<vmem>>, vector<16xi32>,
    %add3A_13 = arith.constant 262144 : i32
    %add3A_14 = vector.broadcast %add3A_13 : i32 to vector<16xi32>
    %add3A_15 = arith.addi %get3A_6, %add3A_14 : vector<16xi32>
    %swap3A_16 = arith.constant 16 : index
    %swap3A_17 = tpu.vector_load %arg6[%swap3A_16] {strides = array<i32>} : memref<3072xi32, #tpu.memory_space<vmem>>, vector<16xi32>,
    %swap3A_18 = vector.shape_cast %swap3A_17 : vector<16xi32> to vector<16xi32>
    %swap3A_19 = vector.shape_cast %add3A_15 : vector<16xi32> to vector<16xi32>
    tpu.vector_store %arg6[%swap3A_16], %swap3A_19 {strides = array<i32>} : memref<3072xi32, #tpu.memory_space<vmem>>, vector<16xi32>,
    %add3A_20 = arith.constant 524288 : i32
    %add3A_21 = vector.broadcast %add3A_20 : i32 to vector<16xi32>
    %add3A_22 = arith.addi %get3A_6, %add3A_21 : vector<16xi32>
    %swap3A_23 = arith.constant 32 : index
    %swap3A_24 = tpu.vector_load %arg6[%swap3A_23] {strides = array<i32>} : memref<3072xi32, #tpu.memory_space<vmem>>, vector<16xi32>,
    %swap3A_25 = vector.shape_cast %swap3A_24 : vector<16xi32> to vector<16xi32>
    %swap3A_26 = vector.shape_cast %add3A_22 : vector<16xi32> to vector<16xi32>
    tpu.vector_store %arg6[%swap3A_23], %swap3A_26 {strides = array<i32>} : memref<3072xi32, #tpu.memory_space<vmem>>, vector<16xi32>,
    %add3A_27 = arith.constant 786432 : i32
    %add3A_28 = vector.broadcast %add3A_27 : i32 to vector<16xi32>
    %add3A_29 = arith.addi %get3A_6, %add3A_28 : vector<16xi32>
    %swap3A_30 = arith.constant 48 : index
    %swap3A_31 = tpu.vector_load %arg6[%swap3A_30] {strides = array<i32>} : memref<3072xi32, #tpu.memory_space<vmem>>, vector<16xi32>,
    %swap3A_32 = vector.shape_cast %swap3A_31 : vector<16xi32> to vector<16xi32>
    %swap3A_33 = vector.shape_cast %add3A_29 : vector<16xi32> to vector<16xi32>
    tpu.vector_store %arg6[%swap3A_30], %swap3A_33 {strides = array<i32>} : memref<3072xi32, #tpu.memory_space<vmem>>, vector<16xi32>,
    %add3A_34 = arith.constant 1048576 : i32
    %add3A_35 = vector.broadcast %add3A_34 : i32 to vector<16xi32>
    %add3A_36 = arith.addi %get3A_6, %add3A_35 : vector<16xi32>
    %swap3A_37 = arith.constant 64 : index
    %swap3A_38 = tpu.vector_load %arg6[%swap3A_37] {strides = array<i32>} : memref<3072xi32, #tpu.memory_space<vmem>>, vector<16xi32>,
    %swap3A_39 = vector.shape_cast %swap3A_38 : vector<16xi32> to vector<16xi32>
    %swap3A_40 = vector.shape_cast %add3A_36 : vector<16xi32> to vector<16xi32>
    tpu.vector_store %arg6[%swap3A_37], %swap3A_40 {strides = array<i32>} : memref<3072xi32, #tpu.memory_space<vmem>>, vector<16xi32>,
    %add3A_41 = arith.constant 1310720 : i32
    %add3A_42 = vector.broadcast %add3A_41 : i32 to vector<16xi32>
    %add3A_43 = arith.addi %get3A_6, %add3A_42 : vector<16xi32>
    %swap3A_44 = arith.constant 80 : index
    %swap3A_45 = tpu.vector_load %arg6[%swap3A_44] {strides = array<i32>} : memref<3072xi32, #tpu.memory_space<vmem>>, vector<16xi32>,
    %swap3A_46 = vector.shape_cast %swap3A_45 : vector<16xi32> to vector<16xi32>
    %swap3A_47 = vector.shape_cast %add3A_43 : vector<16xi32> to vector<16xi32>
    tpu.vector_store %arg6[%swap3A_44], %swap3A_47 {strides = array<i32>} : memref<3072xi32, #tpu.memory_space<vmem>>, vector<16xi32>,
    %add3A_48 = arith.constant 1572864 : i32
    %add3A_49 = vector.broadcast %add3A_48 : i32 to vector<16xi32>
    %add3A_50 = arith.addi %get3A_6, %add3A_49 : vector<16xi32>
    %swap3A_51 = arith.constant 96 : index
    %swap3A_52 = tpu.vector_load %arg6[%swap3A_51] {strides = array<i32>} : memref<3072xi32, #tpu.memory_space<vmem>>, vector<16xi32>,
    %swap3A_53 = vector.shape_cast %swap3A_52 : vector<16xi32> to vector<16xi32>
    %swap3A_54 = vector.shape_cast %add3A_50 : vector<16xi32> to vector<16xi32>
    tpu.vector_store %arg6[%swap3A_51], %swap3A_54 {strides = array<i32>} : memref<3072xi32, #tpu.memory_space<vmem>>, vector<16xi32>,
    %add3A_55 = arith.constant 1835008 : i32
    %add3A_56 = vector.broadcast %add3A_55 : i32 to vector<16xi32>
    %add3A_57 = arith.addi %get3A_6, %add3A_56 : vector<16xi32>
    %swap3A_58 = arith.constant 112 : index
    %swap3A_59 = tpu.vector_load %arg6[%swap3A_58] {strides = array<i32>} : memref<3072xi32, #tpu.memory_space<vmem>>, vector<16xi32>,
    %swap3A_60 = vector.shape_cast %swap3A_59 : vector<16xi32> to vector<16xi32>
    %swap3A_61 = vector.shape_cast %add3A_57 : vector<16xi32> to vector<16xi32>
    tpu.vector_store %arg6[%swap3A_58], %swap3A_61 {strides = array<i32>} : memref<3072xi32, #tpu.memory_space<vmem>>, vector<16xi32>,
    %add3A_62 = arith.constant 2097152 : i32
    %add3A_63 = vector.broadcast %add3A_62 : i32 to vector<16xi32>
    %add3A_64 = arith.addi %get3A_6, %add3A_63 : vector<16xi32>
    %swap3A_65 = arith.constant 128 : index
    %swap3A_66 = tpu.vector_load %arg6[%swap3A_65] {strides = array<i32>} : memref<3072xi32, #tpu.memory_space<vmem>>, vector<16xi32>,
    %swap3A_67 = vector.shape_cast %swap3A_66 : vector<16xi32> to vector<16xi32>
    %swap3A_68 = vector.shape_cast %add3A_64 : vector<16xi32> to vector<16xi32>
    tpu.vector_store %arg6[%swap3A_65], %swap3A_68 {strides = array<i32>} : memref<3072xi32, #tpu.memory_space<vmem>>, vector<16xi32>,
    %add3A_69 = arith.constant 2359296 : i32
    %add3A_70 = vector.broadcast %add3A_69 : i32 to vector<16xi32>
    %add3A_71 = arith.addi %get3A_6, %add3A_70 : vector<16xi32>
    %swap3A_72 = arith.constant 144 : index
    %swap3A_73 = tpu.vector_load %arg6[%swap3A_72] {strides = array<i32>} : memref<3072xi32, #tpu.memory_space<vmem>>, vector<16xi32>,
    %swap3A_74 = vector.shape_cast %swap3A_73 : vector<16xi32> to vector<16xi32>
    %swap3A_75 = vector.shape_cast %add3A_71 : vector<16xi32> to vector<16xi32>
    tpu.vector_store %arg6[%swap3A_72], %swap3A_75 {strides = array<i32>} : memref<3072xi32, #tpu.memory_space<vmem>>, vector<16xi32>,
    %add3A_76 = arith.constant 2621440 : i32
    %add3A_77 = vector.broadcast %add3A_76 : i32 to vector<16xi32>
    %add3A_78 = arith.addi %get3A_6, %add3A_77 : vector<16xi32>
    %swap3A_79 = arith.constant 160 : index
    %swap3A_80 = tpu.vector_load %arg6[%swap3A_79] {strides = array<i32>} : memref<3072xi32, #tpu.memory_space<vmem>>, vector<16xi32>,
    %swap3A_81 = vector.shape_cast %swap3A_80 : vector<16xi32> to vector<16xi32>
    %swap3A_82 = vector.shape_cast %add3A_78 : vector<16xi32> to vector<16xi32>
    tpu.vector_store %arg6[%swap3A_79], %swap3A_82 {strides = array<i32>} : memref<3072xi32, #tpu.memory_space<vmem>>, vector<16xi32>,
    %add3A_83 = arith.constant 2883584 : i32
    %add3A_84 = vector.broadcast %add3A_83 : i32 to vector<16xi32>
    %add3A_85 = arith.addi %get3A_6, %add3A_84 : vector<16xi32>
    %swap3A_86 = arith.constant 176 : index
    %swap3A_87 = tpu.vector_load %arg6[%swap3A_86] {strides = array<i32>} : memref<3072xi32, #tpu.memory_space<vmem>>, vector<16xi32>,
    %swap3A_88 = vector.shape_cast %swap3A_87 : vector<16xi32> to vector<16xi32>
    %swap3A_89 = vector.shape_cast %add3A_85 : vector<16xi32> to vector<16xi32>
    tpu.vector_store %arg6[%swap3A_86], %swap3A_89 {strides = array<i32>} : memref<3072xi32, #tpu.memory_space<vmem>>, vector<16xi32>,
    %add3A_90 = arith.constant 3145728 : i32
    %add3A_91 = vector.broadcast %add3A_90 : i32 to vector<16xi32>
    %add3A_92 = arith.addi %get3A_6, %add3A_91 : vector<16xi32>
    %swap3A_93 = arith.constant 192 : index
    %swap3A_94 = tpu.vector_load %arg6[%swap3A_93] {strides = array<i32>} : memref<3072xi32, #tpu.memory_space<vmem>>, vector<16xi32>,
    %swap3A_95 = vector.shape_cast %swap3A_94 : vector<16xi32> to vector<16xi32>
    %swap3A_96 = vector.shape_cast %add3A_92 : vector<16xi32> to vector<16xi32>
    tpu.vector_store %arg6[%swap3A_93], %swap3A_96 {strides = array<i32>} : memref<3072xi32, #tpu.memory_space<vmem>>, vector<16xi32>,
    %add3A_97 = arith.constant 3407872 : i32
    %add3A_98 = vector.broadcast %add3A_97 : i32 to vector<16xi32>
    %add3A_99 = arith.addi %get3A_6, %add3A_98 : vector<16xi32>
    %swap3A_100 = arith.constant 208 : index
    %swap3A_101 = tpu.vector_load %arg6[%swap3A_100] {strides = array<i32>} : memref<3072xi32, #tpu.memory_space<vmem>>, vector<16xi32>,
    %swap3A_102 = vector.shape_cast %swap3A_101 : vector<16xi32> to vector<16xi32>
    %swap3A_103 = vector.shape_cast %add3A_99 : vector<16xi32> to vector<16xi32>
    tpu.vector_store %arg6[%swap3A_100], %swap3A_103 {strides = array<i32>} : memref<3072xi32, #tpu.memory_space<vmem>>, vector<16xi32>,
    %add3A_104 = arith.constant 3670016 : i32
    %add3A_105 = vector.broadcast %add3A_104 : i32 to vector<16xi32>
    %add3A_106 = arith.addi %get3A_6, %add3A_105 : vector<16xi32>
    %swap3A_107 = arith.constant 224 : index
    %swap3A_108 = tpu.vector_load %arg6[%swap3A_107] {strides = array<i32>} : memref<3072xi32, #tpu.memory_space<vmem>>, vector<16xi32>,
    %swap3A_109 = vector.shape_cast %swap3A_108 : vector<16xi32> to vector<16xi32>
    %swap3A_110 = vector.shape_cast %add3A_106 : vector<16xi32> to vector<16xi32>
    tpu.vector_store %arg6[%swap3A_107], %swap3A_110 {strides = array<i32>} : memref<3072xi32, #tpu.memory_space<vmem>>, vector<16xi32>,
    %add3A_111 = arith.constant 3932160 : i32
    %add3A_112 = vector.broadcast %add3A_111 : i32 to vector<16xi32>
    %add3A_113 = arith.addi %get3A_6, %add3A_112 : vector<16xi32>
    %swap3A_114 = arith.constant 240 : index
    %swap3A_115 = tpu.vector_load %arg6[%swap3A_114] {strides = array<i32>} : memref<3072xi32, #tpu.memory_space<vmem>>, vector<16xi32>,
    %swap3A_116 = vector.shape_cast %swap3A_115 : vector<16xi32> to vector<16xi32>
    %swap3A_117 = vector.shape_cast %add3A_113 : vector<16xi32> to vector<16xi32>
    tpu.vector_store %arg6[%swap3A_114], %swap3A_117 {strides = array<i32>} : memref<3072xi32, #tpu.memory_space<vmem>>, vector<16xi32>,
    %add3A_118 = arith.constant 4194304 : i32
    %add3A_119 = vector.broadcast %add3A_118 : i32 to vector<16xi32>
    %add3A_120 = arith.addi %get3A_6, %add3A_119 : vector<16xi32>
    %swap3A_121 = arith.constant 256 : index
    %swap3A_122 = tpu.vector_load %arg6[%swap3A_121] {strides = array<i32>} : memref<3072xi32, #tpu.memory_space<vmem>>, vector<16xi32>,
    %swap3A_123 = vector.shape_cast %swap3A_122 : vector<16xi32> to vector<16xi32>
    %swap3A_124 = vector.shape_cast %add3A_120 : vector<16xi32> to vector<16xi32>
    tpu.vector_store %arg6[%swap3A_121], %swap3A_124 {strides = array<i32>} : memref<3072xi32, #tpu.memory_space<vmem>>, vector<16xi32>,
    %add3A_125 = arith.constant 4456448 : i32
    %add3A_126 = vector.broadcast %add3A_125 : i32 to vector<16xi32>
    %add3A_127 = arith.addi %get3A_6, %add3A_126 : vector<16xi32>
    %swap3A_128 = arith.constant 272 : index
    %swap3A_129 = tpu.vector_load %arg6[%swap3A_128] {strides = array<i32>} : memref<3072xi32, #tpu.memory_space<vmem>>, vector<16xi32>,
    %swap3A_130 = vector.shape_cast %swap3A_129 : vector<16xi32> to vector<16xi32>
    %swap3A_131 = vector.shape_cast %add3A_127 : vector<16xi32> to vector<16xi32>
    tpu.vector_store %arg6[%swap3A_128], %swap3A_131 {strides = array<i32>} : memref<3072xi32, #tpu.memory_space<vmem>>, vector<16xi32>,
    %add3A_132 = arith.constant 4718592 : i32
    %add3A_133 = vector.broadcast %add3A_132 : i32 to vector<16xi32>
    %add3A_134 = arith.addi %get3A_6, %add3A_133 : vector<16xi32>
    %swap3A_135 = arith.constant 288 : index
    %swap3A_136 = tpu.vector_load %arg6[%swap3A_135] {strides = array<i32>} : memref<3072xi32, #tpu.memory_space<vmem>>, vector<16xi32>,
    %swap3A_137 = vector.shape_cast %swap3A_136 : vector<16xi32> to vector<16xi32>
    %swap3A_138 = vector.shape_cast %add3A_134 : vector<16xi32> to vector<16xi32>
    tpu.vector_store %arg6[%swap3A_135], %swap3A_138 {strides = array<i32>} : memref<3072xi32, #tpu.memory_space<vmem>>, vector<16xi32>,
    %add3A_139 = arith.constant 4980736 : i32
    %add3A_140 = vector.broadcast %add3A_139 : i32 to vector<16xi32>
    %add3A_141 = arith.addi %get3A_6, %add3A_140 : vector<16xi32>
    %swap3A_142 = arith.constant 304 : index
    %swap3A_143 = tpu.vector_load %arg6[%swap3A_142] {strides = array<i32>} : memref<3072xi32, #tpu.memory_space<vmem>>, vector<16xi32>,
    %swap3A_144 = vector.shape_cast %swap3A_143 : vector<16xi32> to vector<16xi32>
    %swap3A_145 = vector.shape_cast %add3A_141 : vector<16xi32> to vector<16xi32>
    tpu.vector_store %arg6[%swap3A_142], %swap3A_145 {strides = array<i32>} : memref<3072xi32, #tpu.memory_space<vmem>>, vector<16xi32>,
    %add3A_146 = arith.constant 5242880 : i32
    %add3A_147 = vector.broadcast %add3A_146 : i32 to vector<16xi32>
    %add3A_148 = arith.addi %get3A_6, %add3A_147 : vector<16xi32>
    %swap3A_149 = arith.constant 320 : index
    %swap3A_150 = tpu.vector_load %arg6[%swap3A_149] {strides = array<i32>} : memref<3072xi32, #tpu.memory_space<vmem>>, vector<16xi32>,
    %swap3A_151 = vector.shape_cast %swap3A_150 : vector<16xi32> to vector<16xi32>
    %swap3A_152 = vector.shape_cast %add3A_148 : vector<16xi32> to vector<16xi32>
    tpu.vector_store %arg6[%swap3A_149], %swap3A_152 {strides = array<i32>} : memref<3072xi32, #tpu.memory_space<vmem>>, vector<16xi32>,
    %add3A_153 = arith.constant 5505024 : i32
    %add3A_154 = vector.broadcast %add3A_153 : i32 to vector<16xi32>
    %add3A_155 = arith.addi %get3A_6, %add3A_154 : vector<16xi32>
    %swap3A_156 = arith.constant 336 : index
    %swap3A_157 = tpu.vector_load %arg6[%swap3A_156] {strides = array<i32>} : memref<3072xi32, #tpu.memory_space<vmem>>, vector<16xi32>,
    %swap3A_158 = vector.shape_cast %swap3A_157 : vector<16xi32> to vector<16xi32>
    %swap3A_159 = vector.shape_cast %add3A_155 : vector<16xi32> to vector<16xi32>
    tpu.vector_store %arg6[%swap3A_156], %swap3A_159 {strides = array<i32>} : memref<3072xi32, #tpu.memory_space<vmem>>, vector<16xi32>,
    %add3A_160 = arith.constant 5767168 : i32
    %add3A_161 = vector.broadcast %add3A_160 : i32 to vector<16xi32>
    %add3A_162 = arith.addi %get3A_6, %add3A_161 : vector<16xi32>
    %swap3A_163 = arith.constant 352 : index
    %swap3A_164 = tpu.vector_load %arg6[%swap3A_163] {strides = array<i32>} : memref<3072xi32, #tpu.memory_space<vmem>>, vector<16xi32>,
    %swap3A_165 = vector.shape_cast %swap3A_164 : vector<16xi32> to vector<16xi32>
    %swap3A_166 = vector.shape_cast %add3A_162 : vector<16xi32> to vector<16xi32>
    tpu.vector_store %arg6[%swap3A_163], %swap3A_166 {strides = array<i32>} : memref<3072xi32, #tpu.memory_space<vmem>>, vector<16xi32>,
    %add3A_167 = arith.constant 6029312 : i32
    %add3A_168 = vector.broadcast %add3A_167 : i32 to vector<16xi32>
    %add3A_169 = arith.addi %get3A_6, %add3A_168 : vector<16xi32>
    %swap3A_170 = arith.constant 368 : index
    %swap3A_171 = tpu.vector_load %arg6[%swap3A_170] {strides = array<i32>} : memref<3072xi32, #tpu.memory_space<vmem>>, vector<16xi32>,
    %swap3A_172 = vector.shape_cast %swap3A_171 : vector<16xi32> to vector<16xi32>
    %swap3A_173 = vector.shape_cast %add3A_169 : vector<16xi32> to vector<16xi32>
    tpu.vector_store %arg6[%swap3A_170], %swap3A_173 {strides = array<i32>} : memref<3072xi32, #tpu.memory_space<vmem>>, vector<16xi32>,
    %add3A_174 = arith.constant 6291456 : i32
    %add3A_175 = vector.broadcast %add3A_174 : i32 to vector<16xi32>
    %add3A_176 = arith.addi %get3A_6, %add3A_175 : vector<16xi32>
    %swap3A_177 = arith.constant 384 : index
    %swap3A_178 = tpu.vector_load %arg6[%swap3A_177] {strides = array<i32>} : memref<3072xi32, #tpu.memory_space<vmem>>, vector<16xi32>,
    %swap3A_179 = vector.shape_cast %swap3A_178 : vector<16xi32> to vector<16xi32>
    %swap3A_180 = vector.shape_cast %add3A_176 : vector<16xi32> to vector<16xi32>
    tpu.vector_store %arg6[%swap3A_177], %swap3A_180 {strides = array<i32>} : memref<3072xi32, #tpu.memory_space<vmem>>, vector<16xi32>,
    %add3A_181 = arith.constant 6553600 : i32
    %add3A_182 = vector.broadcast %add3A_181 : i32 to vector<16xi32>
    %add3A_183 = arith.addi %get3A_6, %add3A_182 : vector<16xi32>
    %swap3A_184 = arith.constant 400 : index
    %swap3A_185 = tpu.vector_load %arg6[%swap3A_184] {strides = array<i32>} : memref<3072xi32, #tpu.memory_space<vmem>>, vector<16xi32>,
    %swap3A_186 = vector.shape_cast %swap3A_185 : vector<16xi32> to vector<16xi32>
    %swap3A_187 = vector.shape_cast %add3A_183 : vector<16xi32> to vector<16xi32>
    tpu.vector_store %arg6[%swap3A_184], %swap3A_187 {strides = array<i32>} : memref<3072xi32, #tpu.memory_space<vmem>>, vector<16xi32>,
    %add3A_188 = arith.constant 6815744 : i32
    %add3A_189 = vector.broadcast %add3A_188 : i32 to vector<16xi32>
    %add3A_190 = arith.addi %get3A_6, %add3A_189 : vector<16xi32>
    %swap3A_191 = arith.constant 416 : index
    %swap3A_192 = tpu.vector_load %arg6[%swap3A_191] {strides = array<i32>} : memref<3072xi32, #tpu.memory_space<vmem>>, vector<16xi32>,
    %swap3A_193 = vector.shape_cast %swap3A_192 : vector<16xi32> to vector<16xi32>
    %swap3A_194 = vector.shape_cast %add3A_190 : vector<16xi32> to vector<16xi32>
    tpu.vector_store %arg6[%swap3A_191], %swap3A_194 {strides = array<i32>} : memref<3072xi32, #tpu.memory_space<vmem>>, vector<16xi32>,
    %add3A_195 = arith.constant 7077888 : i32
    %add3A_196 = vector.broadcast %add3A_195 : i32 to vector<16xi32>
    %add3A_197 = arith.addi %get3A_6, %add3A_196 : vector<16xi32>
    %swap3A_198 = arith.constant 432 : index
    %swap3A_199 = tpu.vector_load %arg6[%swap3A_198] {strides = array<i32>} : memref<3072xi32, #tpu.memory_space<vmem>>, vector<16xi32>,
    %swap3A_200 = vector.shape_cast %swap3A_199 : vector<16xi32> to vector<16xi32>
    %swap3A_201 = vector.shape_cast %add3A_197 : vector<16xi32> to vector<16xi32>
    tpu.vector_store %arg6[%swap3A_198], %swap3A_201 {strides = array<i32>} : memref<3072xi32, #tpu.memory_space<vmem>>, vector<16xi32>,
    %add3A_202 = arith.constant 7340032 : i32
    %add3A_203 = vector.broadcast %add3A_202 : i32 to vector<16xi32>
    %add3A_204 = arith.addi %get3A_6, %add3A_203 : vector<16xi32>
    %swap3A_205 = arith.constant 448 : index
    %swap3A_206 = tpu.vector_load %arg6[%swap3A_205] {strides = array<i32>} : memref<3072xi32, #tpu.memory_space<vmem>>, vector<16xi32>,
    %swap3A_207 = vector.shape_cast %swap3A_206 : vector<16xi32> to vector<16xi32>
    %swap3A_208 = vector.shape_cast %add3A_204 : vector<16xi32> to vector<16xi32>
    tpu.vector_store %arg6[%swap3A_205], %swap3A_208 {strides = array<i32>} : memref<3072xi32, #tpu.memory_space<vmem>>, vector<16xi32>,
    %add3A_209 = arith.constant 7602176 : i32
    %add3A_210 = vector.broadcast %add3A_209 : i32 to vector<16xi32>
    %add3A_211 = arith.addi %get3A_6, %add3A_210 : vector<16xi32>
    %swap3A_212 = arith.constant 464 : index
    %swap3A_213 = tpu.vector_load %arg6[%swap3A_212] {strides = array<i32>} : memref<3072xi32, #tpu.memory_space<vmem>>, vector<16xi32>,
    %swap3A_214 = vector.shape_cast %swap3A_213 : vector<16xi32> to vector<16xi32>
    %swap3A_215 = vector.shape_cast %add3A_211 : vector<16xi32> to vector<16xi32>
    tpu.vector_store %arg6[%swap3A_212], %swap3A_215 {strides = array<i32>} : memref<3072xi32, #tpu.memory_space<vmem>>, vector<16xi32>,
    %add3A_216 = arith.constant 7864320 : i32
    %add3A_217 = vector.broadcast %add3A_216 : i32 to vector<16xi32>
    %add3A_218 = arith.addi %get3A_6, %add3A_217 : vector<16xi32>
    %swap3A_219 = arith.constant 480 : index
    %swap3A_220 = tpu.vector_load %arg6[%swap3A_219] {strides = array<i32>} : memref<3072xi32, #tpu.memory_space<vmem>>, vector<16xi32>,
    %swap3A_221 = vector.shape_cast %swap3A_220 : vector<16xi32> to vector<16xi32>
    %swap3A_222 = vector.shape_cast %add3A_218 : vector<16xi32> to vector<16xi32>
    tpu.vector_store %arg6[%swap3A_219], %swap3A_222 {strides = array<i32>} : memref<3072xi32, #tpu.memory_space<vmem>>, vector<16xi32>,
    %add3A_223 = arith.constant 8126464 : i32
    %add3A_224 = vector.broadcast %add3A_223 : i32 to vector<16xi32>
    %add3A_225 = arith.addi %get3A_6, %add3A_224 : vector<16xi32>
    %swap3A_226 = arith.constant 496 : index
    %swap3A_227 = tpu.vector_load %arg6[%swap3A_226] {strides = array<i32>} : memref<3072xi32, #tpu.memory_space<vmem>>, vector<16xi32>,
    %swap3A_228 = vector.shape_cast %swap3A_227 : vector<16xi32> to vector<16xi32>
    %swap3A_229 = vector.shape_cast %add3A_225 : vector<16xi32> to vector<16xi32>
    tpu.vector_store %arg6[%swap3A_226], %swap3A_229 {strides = array<i32>} : memref<3072xi32, #tpu.memory_space<vmem>>, vector<16xi32>,
    %add3A_230 = arith.constant 8388608 : i32
    %add3A_231 = vector.broadcast %add3A_230 : i32 to vector<16xi32>
    %add3A_232 = arith.addi %get3A_6, %add3A_231 : vector<16xi32>
    %swap3A_233 = arith.constant 512 : index
    %swap3A_234 = tpu.vector_load %arg6[%swap3A_233] {strides = array<i32>} : memref<3072xi32, #tpu.memory_space<vmem>>, vector<16xi32>,
    %swap3A_235 = vector.shape_cast %swap3A_234 : vector<16xi32> to vector<16xi32>
    %swap3A_236 = vector.shape_cast %add3A_232 : vector<16xi32> to vector<16xi32>
    tpu.vector_store %arg6[%swap3A_233], %swap3A_236 {strides = array<i32>} : memref<3072xi32, #tpu.memory_space<vmem>>, vector<16xi32>,
    %add3A_237 = arith.constant 8650752 : i32
    %add3A_238 = vector.broadcast %add3A_237 : i32 to vector<16xi32>
    %add3A_239 = arith.addi %get3A_6, %add3A_238 : vector<16xi32>
    %swap3A_240 = arith.constant 528 : index
    %swap3A_241 = tpu.vector_load %arg6[%swap3A_240] {strides = array<i32>} : memref<3072xi32, #tpu.memory_space<vmem>>, vector<16xi32>,
    %swap3A_242 = vector.shape_cast %swap3A_241 : vector<16xi32> to vector<16xi32>
    %swap3A_243 = vector.shape_cast %add3A_239 : vector<16xi32> to vector<16xi32>
    tpu.vector_store %arg6[%swap3A_240], %swap3A_243 {strides = array<i32>} : memref<3072xi32, #tpu.memory_space<vmem>>, vector<16xi32>,
    %add3A_244 = arith.constant 8912896 : i32
    %add3A_245 = vector.broadcast %add3A_244 : i32 to vector<16xi32>
    %add3A_246 = arith.addi %get3A_6, %add3A_245 : vector<16xi32>
    %swap3A_247 = arith.constant 544 : index
    %swap3A_248 = tpu.vector_load %arg6[%swap3A_247] {strides = array<i32>} : memref<3072xi32, #tpu.memory_space<vmem>>, vector<16xi32>,
    %swap3A_249 = vector.shape_cast %swap3A_248 : vector<16xi32> to vector<16xi32>
    %swap3A_250 = vector.shape_cast %add3A_246 : vector<16xi32> to vector<16xi32>
    tpu.vector_store %arg6[%swap3A_247], %swap3A_250 {strides = array<i32>} : memref<3072xi32, #tpu.memory_space<vmem>>, vector<16xi32>,
    %add3A_251 = arith.constant 9175040 : i32
    %add3A_252 = vector.broadcast %add3A_251 : i32 to vector<16xi32>
    %add3A_253 = arith.addi %get3A_6, %add3A_252 : vector<16xi32>
    %swap3A_254 = arith.constant 560 : index
    %swap3A_255 = tpu.vector_load %arg6[%swap3A_254] {strides = array<i32>} : memref<3072xi32, #tpu.memory_space<vmem>>, vector<16xi32>,
    %swap3A_256 = vector.shape_cast %swap3A_255 : vector<16xi32> to vector<16xi32>
    %swap3A_257 = vector.shape_cast %add3A_253 : vector<16xi32> to vector<16xi32>
    tpu.vector_store %arg6[%swap3A_254], %swap3A_257 {strides = array<i32>} : memref<3072xi32, #tpu.memory_space<vmem>>, vector<16xi32>,
    %add3A_258 = arith.constant 9437184 : i32
    %add3A_259 = vector.broadcast %add3A_258 : i32 to vector<16xi32>
    %add3A_260 = arith.addi %get3A_6, %add3A_259 : vector<16xi32>
    %swap3A_261 = arith.constant 576 : index
    %swap3A_262 = tpu.vector_load %arg6[%swap3A_261] {strides = array<i32>} : memref<3072xi32, #tpu.memory_space<vmem>>, vector<16xi32>,
    %swap3A_263 = vector.shape_cast %swap3A_262 : vector<16xi32> to vector<16xi32>
    %swap3A_264 = vector.shape_cast %add3A_260 : vector<16xi32> to vector<16xi32>
    tpu.vector_store %arg6[%swap3A_261], %swap3A_264 {strides = array<i32>} : memref<3072xi32, #tpu.memory_space<vmem>>, vector<16xi32>,
    %add3A_265 = arith.constant 9699328 : i32
    %add3A_266 = vector.broadcast %add3A_265 : i32 to vector<16xi32>
    %add3A_267 = arith.addi %get3A_6, %add3A_266 : vector<16xi32>
    %swap3A_268 = arith.constant 592 : index
    %swap3A_269 = tpu.vector_load %arg6[%swap3A_268] {strides = array<i32>} : memref<3072xi32, #tpu.memory_space<vmem>>, vector<16xi32>,
    %swap3A_270 = vector.shape_cast %swap3A_269 : vector<16xi32> to vector<16xi32>
    %swap3A_271 = vector.shape_cast %add3A_267 : vector<16xi32> to vector<16xi32>
    tpu.vector_store %arg6[%swap3A_268], %swap3A_271 {strides = array<i32>} : memref<3072xi32, #tpu.memory_space<vmem>>, vector<16xi32>,
    %add3A_272 = arith.constant 9961472 : i32
    %add3A_273 = vector.broadcast %add3A_272 : i32 to vector<16xi32>
    %add3A_274 = arith.addi %get3A_6, %add3A_273 : vector<16xi32>
    %swap3A_275 = arith.constant 608 : index
    %swap3A_276 = tpu.vector_load %arg6[%swap3A_275] {strides = array<i32>} : memref<3072xi32, #tpu.memory_space<vmem>>, vector<16xi32>,
    %swap3A_277 = vector.shape_cast %swap3A_276 : vector<16xi32> to vector<16xi32>
    %swap3A_278 = vector.shape_cast %add3A_274 : vector<16xi32> to vector<16xi32>
    tpu.vector_store %arg6[%swap3A_275], %swap3A_278 {strides = array<i32>} : memref<3072xi32, #tpu.memory_space<vmem>>, vector<16xi32>,
    %add3A_279 = arith.constant 10223616 : i32
    %add3A_280 = vector.broadcast %add3A_279 : i32 to vector<16xi32>
    %add3A_281 = arith.addi %get3A_6, %add3A_280 : vector<16xi32>
    %swap3A_282 = arith.constant 624 : index
    %swap3A_283 = tpu.vector_load %arg6[%swap3A_282] {strides = array<i32>} : memref<3072xi32, #tpu.memory_space<vmem>>, vector<16xi32>,
    %swap3A_284 = vector.shape_cast %swap3A_283 : vector<16xi32> to vector<16xi32>
    %swap3A_285 = vector.shape_cast %add3A_281 : vector<16xi32> to vector<16xi32>
    tpu.vector_store %arg6[%swap3A_282], %swap3A_285 {strides = array<i32>} : memref<3072xi32, #tpu.memory_space<vmem>>, vector<16xi32>,
    %add3A_286 = arith.constant 10485760 : i32
    %add3A_287 = vector.broadcast %add3A_286 : i32 to vector<16xi32>
    %add3A_288 = arith.addi %get3A_6, %add3A_287 : vector<16xi32>
    %swap3A_289 = arith.constant 640 : index
    %swap3A_290 = tpu.vector_load %arg6[%swap3A_289] {strides = array<i32>} : memref<3072xi32, #tpu.memory_space<vmem>>, vector<16xi32>,
    %swap3A_291 = vector.shape_cast %swap3A_290 : vector<16xi32> to vector<16xi32>
    %swap3A_292 = vector.shape_cast %add3A_288 : vector<16xi32> to vector<16xi32>
    tpu.vector_store %arg6[%swap3A_289], %swap3A_292 {strides = array<i32>} : memref<3072xi32, #tpu.memory_space<vmem>>, vector<16xi32>,
    %add3A_293 = arith.constant 10747904 : i32
    %add3A_294 = vector.broadcast %add3A_293 : i32 to vector<16xi32>
    %add3A_295 = arith.addi %get3A_6, %add3A_294 : vector<16xi32>
    %swap3A_296 = arith.constant 656 : index
    %swap3A_297 = tpu.vector_load %arg6[%swap3A_296] {strides = array<i32>} : memref<3072xi32, #tpu.memory_space<vmem>>, vector<16xi32>,
    %swap3A_298 = vector.shape_cast %swap3A_297 : vector<16xi32> to vector<16xi32>
    %swap3A_299 = vector.shape_cast %add3A_295 : vector<16xi32> to vector<16xi32>
    tpu.vector_store %arg6[%swap3A_296], %swap3A_299 {strides = array<i32>} : memref<3072xi32, #tpu.memory_space<vmem>>, vector<16xi32>,
    %add3A_300 = arith.constant 11010048 : i32
    %add3A_301 = vector.broadcast %add3A_300 : i32 to vector<16xi32>
    %add3A_302 = arith.addi %get3A_6, %add3A_301 : vector<16xi32>
    %swap3A_303 = arith.constant 672 : index
    %swap3A_304 = tpu.vector_load %arg6[%swap3A_303] {strides = array<i32>} : memref<3072xi32, #tpu.memory_space<vmem>>, vector<16xi32>,
    %swap3A_305 = vector.shape_cast %swap3A_304 : vector<16xi32> to vector<16xi32>
    %swap3A_306 = vector.shape_cast %add3A_302 : vector<16xi32> to vector<16xi32>
    tpu.vector_store %arg6[%swap3A_303], %swap3A_306 {strides = array<i32>} : memref<3072xi32, #tpu.memory_space<vmem>>, vector<16xi32>,
    %add3A_307 = arith.constant 11272192 : i32
    %add3A_308 = vector.broadcast %add3A_307 : i32 to vector<16xi32>
    %add3A_309 = arith.addi %get3A_6, %add3A_308 : vector<16xi32>
    %swap3A_310 = arith.constant 688 : index
    %swap3A_311 = tpu.vector_load %arg6[%swap3A_310] {strides = array<i32>} : memref<3072xi32, #tpu.memory_space<vmem>>, vector<16xi32>,
    %swap3A_312 = vector.shape_cast %swap3A_311 : vector<16xi32> to vector<16xi32>
    %swap3A_313 = vector.shape_cast %add3A_309 : vector<16xi32> to vector<16xi32>
    tpu.vector_store %arg6[%swap3A_310], %swap3A_313 {strides = array<i32>} : memref<3072xi32, #tpu.memory_space<vmem>>, vector<16xi32>,
    %add3A_314 = arith.constant 11534336 : i32
    %add3A_315 = vector.broadcast %add3A_314 : i32 to vector<16xi32>
    %add3A_316 = arith.addi %get3A_6, %add3A_315 : vector<16xi32>
    %swap3A_317 = arith.constant 704 : index
    %swap3A_318 = tpu.vector_load %arg6[%swap3A_317] {strides = array<i32>} : memref<3072xi32, #tpu.memory_space<vmem>>, vector<16xi32>,
    %swap3A_319 = vector.shape_cast %swap3A_318 : vector<16xi32> to vector<16xi32>
    %swap3A_320 = vector.shape_cast %add3A_316 : vector<16xi32> to vector<16xi32>
    tpu.vector_store %arg6[%swap3A_317], %swap3A_320 {strides = array<i32>} : memref<3072xi32, #tpu.memory_space<vmem>>, vector<16xi32>,
    %add3A_321 = arith.constant 11796480 : i32
    %add3A_322 = vector.broadcast %add3A_321 : i32 to vector<16xi32>
    %add3A_323 = arith.addi %get3A_6, %add3A_322 : vector<16xi32>
    %swap3A_324 = arith.constant 720 : index
    %swap3A_325 = tpu.vector_load %arg6[%swap3A_324] {strides = array<i32>} : memref<3072xi32, #tpu.memory_space<vmem>>, vector<16xi32>,
    %swap3A_326 = vector.shape_cast %swap3A_325 : vector<16xi32> to vector<16xi32>
    %swap3A_327 = vector.shape_cast %add3A_323 : vector<16xi32> to vector<16xi32>
    tpu.vector_store %arg6[%swap3A_324], %swap3A_327 {strides = array<i32>} : memref<3072xi32, #tpu.memory_space<vmem>>, vector<16xi32>,
    %add3A_328 = arith.constant 12058624 : i32
    %add3A_329 = vector.broadcast %add3A_328 : i32 to vector<16xi32>
    %add3A_330 = arith.addi %get3A_6, %add3A_329 : vector<16xi32>
    %swap3A_331 = arith.constant 736 : index
    %swap3A_332 = tpu.vector_load %arg6[%swap3A_331] {strides = array<i32>} : memref<3072xi32, #tpu.memory_space<vmem>>, vector<16xi32>,
    %swap3A_333 = vector.shape_cast %swap3A_332 : vector<16xi32> to vector<16xi32>
    %swap3A_334 = vector.shape_cast %add3A_330 : vector<16xi32> to vector<16xi32>
    tpu.vector_store %arg6[%swap3A_331], %swap3A_334 {strides = array<i32>} : memref<3072xi32, #tpu.memory_space<vmem>>, vector<16xi32>,
    %add3A_335 = arith.constant 12320768 : i32
    %add3A_336 = vector.broadcast %add3A_335 : i32 to vector<16xi32>
    %add3A_337 = arith.addi %get3A_6, %add3A_336 : vector<16xi32>
    %swap3A_338 = arith.constant 752 : index
    %swap3A_339 = tpu.vector_load %arg6[%swap3A_338] {strides = array<i32>} : memref<3072xi32, #tpu.memory_space<vmem>>, vector<16xi32>,
    %swap3A_340 = vector.shape_cast %swap3A_339 : vector<16xi32> to vector<16xi32>
    %swap3A_341 = vector.shape_cast %add3A_337 : vector<16xi32> to vector<16xi32>
    tpu.vector_store %arg6[%swap3A_338], %swap3A_341 {strides = array<i32>} : memref<3072xi32, #tpu.memory_space<vmem>>, vector<16xi32>,
    %add3A_342 = arith.constant 12582912 : i32
    %add3A_343 = vector.broadcast %add3A_342 : i32 to vector<16xi32>
    %add3A_344 = arith.addi %get3A_6, %add3A_343 : vector<16xi32>
    %swap3A_345 = arith.constant 768 : index
    %swap3A_346 = tpu.vector_load %arg6[%swap3A_345] {strides = array<i32>} : memref<3072xi32, #tpu.memory_space<vmem>>, vector<16xi32>,
    %swap3A_347 = vector.shape_cast %swap3A_346 : vector<16xi32> to vector<16xi32>
    %swap3A_348 = vector.shape_cast %add3A_344 : vector<16xi32> to vector<16xi32>
    tpu.vector_store %arg6[%swap3A_345], %swap3A_348 {strides = array<i32>} : memref<3072xi32, #tpu.memory_space<vmem>>, vector<16xi32>,
    %add3A_349 = arith.constant 12845056 : i32
    %add3A_350 = vector.broadcast %add3A_349 : i32 to vector<16xi32>
    %add3A_351 = arith.addi %get3A_6, %add3A_350 : vector<16xi32>
    %swap3A_352 = arith.constant 784 : index
    %swap3A_353 = tpu.vector_load %arg6[%swap3A_352] {strides = array<i32>} : memref<3072xi32, #tpu.memory_space<vmem>>, vector<16xi32>,
    %swap3A_354 = vector.shape_cast %swap3A_353 : vector<16xi32> to vector<16xi32>
    %swap3A_355 = vector.shape_cast %add3A_351 : vector<16xi32> to vector<16xi32>
    tpu.vector_store %arg6[%swap3A_352], %swap3A_355 {strides = array<i32>} : memref<3072xi32, #tpu.memory_space<vmem>>, vector<16xi32>,
    %add3A_356 = arith.constant 13107200 : i32
    %add3A_357 = vector.broadcast %add3A_356 : i32 to vector<16xi32>
    %add3A_358 = arith.addi %get3A_6, %add3A_357 : vector<16xi32>
    %swap3A_359 = arith.constant 800 : index
    %swap3A_360 = tpu.vector_load %arg6[%swap3A_359] {strides = array<i32>} : memref<3072xi32, #tpu.memory_space<vmem>>, vector<16xi32>,
    %swap3A_361 = vector.shape_cast %swap3A_360 : vector<16xi32> to vector<16xi32>
    %swap3A_362 = vector.shape_cast %add3A_358 : vector<16xi32> to vector<16xi32>
    tpu.vector_store %arg6[%swap3A_359], %swap3A_362 {strides = array<i32>} : memref<3072xi32, #tpu.memory_space<vmem>>, vector<16xi32>,
    %add3A_363 = arith.constant 13369344 : i32
    %add3A_364 = vector.broadcast %add3A_363 : i32 to vector<16xi32>
    %add3A_365 = arith.addi %get3A_6, %add3A_364 : vector<16xi32>
    %swap3A_366 = arith.constant 816 : index
    %swap3A_367 = tpu.vector_load %arg6[%swap3A_366] {strides = array<i32>} : memref<3072xi32, #tpu.memory_space<vmem>>, vector<16xi32>,
    %swap3A_368 = vector.shape_cast %swap3A_367 : vector<16xi32> to vector<16xi32>
    %swap3A_369 = vector.shape_cast %add3A_365 : vector<16xi32> to vector<16xi32>
    tpu.vector_store %arg6[%swap3A_366], %swap3A_369 {strides = array<i32>} : memref<3072xi32, #tpu.memory_space<vmem>>, vector<16xi32>,
    %add3A_370 = arith.constant 13631488 : i32
    %add3A_371 = vector.broadcast %add3A_370 : i32 to vector<16xi32>
    %add3A_372 = arith.addi %get3A_6, %add3A_371 : vector<16xi32>
    %swap3A_373 = arith.constant 832 : index
    %swap3A_374 = tpu.vector_load %arg6[%swap3A_373] {strides = array<i32>} : memref<3072xi32, #tpu.memory_space<vmem>>, vector<16xi32>,
    %swap3A_375 = vector.shape_cast %swap3A_374 : vector<16xi32> to vector<16xi32>
    %swap3A_376 = vector.shape_cast %add3A_372 : vector<16xi32> to vector<16xi32>
    tpu.vector_store %arg6[%swap3A_373], %swap3A_376 {strides = array<i32>} : memref<3072xi32, #tpu.memory_space<vmem>>, vector<16xi32>,
    %add3A_377 = arith.constant 13893632 : i32
    %add3A_378 = vector.broadcast %add3A_377 : i32 to vector<16xi32>
    %add3A_379 = arith.addi %get3A_6, %add3A_378 : vector<16xi32>
    %swap3A_380 = arith.constant 848 : index
    %swap3A_381 = tpu.vector_load %arg6[%swap3A_380] {strides = array<i32>} : memref<3072xi32, #tpu.memory_space<vmem>>, vector<16xi32>,
    %swap3A_382 = vector.shape_cast %swap3A_381 : vector<16xi32> to vector<16xi32>
    %swap3A_383 = vector.shape_cast %add3A_379 : vector<16xi32> to vector<16xi32>
    tpu.vector_store %arg6[%swap3A_380], %swap3A_383 {strides = array<i32>} : memref<3072xi32, #tpu.memory_space<vmem>>, vector<16xi32>,
    %add3A_384 = arith.constant 14155776 : i32
    %add3A_385 = vector.broadcast %add3A_384 : i32 to vector<16xi32>
    %add3A_386 = arith.addi %get3A_6, %add3A_385 : vector<16xi32>
    %swap3A_387 = arith.constant 864 : index
    %swap3A_388 = tpu.vector_load %arg6[%swap3A_387] {strides = array<i32>} : memref<3072xi32, #tpu.memory_space<vmem>>, vector<16xi32>,
    %swap3A_389 = vector.shape_cast %swap3A_388 : vector<16xi32> to vector<16xi32>
    %swap3A_390 = vector.shape_cast %add3A_386 : vector<16xi32> to vector<16xi32>
    tpu.vector_store %arg6[%swap3A_387], %swap3A_390 {strides = array<i32>} : memref<3072xi32, #tpu.memory_space<vmem>>, vector<16xi32>,
    %add3A_391 = arith.constant 14417920 : i32
    %add3A_392 = vector.broadcast %add3A_391 : i32 to vector<16xi32>
    %add3A_393 = arith.addi %get3A_6, %add3A_392 : vector<16xi32>
    %swap3A_394 = arith.constant 880 : index
    %swap3A_395 = tpu.vector_load %arg6[%swap3A_394] {strides = array<i32>} : memref<3072xi32, #tpu.memory_space<vmem>>, vector<16xi32>,
    %swap3A_396 = vector.shape_cast %swap3A_395 : vector<16xi32> to vector<16xi32>
    %swap3A_397 = vector.shape_cast %add3A_393 : vector<16xi32> to vector<16xi32>
    tpu.vector_store %arg6[%swap3A_394], %swap3A_397 {strides = array<i32>} : memref<3072xi32, #tpu.memory_space<vmem>>, vector<16xi32>,
    %add3A_398 = arith.constant 14680064 : i32
    %add3A_399 = vector.broadcast %add3A_398 : i32 to vector<16xi32>
    %add3A_400 = arith.addi %get3A_6, %add3A_399 : vector<16xi32>
    %swap3A_401 = arith.constant 896 : index
    %swap3A_402 = tpu.vector_load %arg6[%swap3A_401] {strides = array<i32>} : memref<3072xi32, #tpu.memory_space<vmem>>, vector<16xi32>,
    %swap3A_403 = vector.shape_cast %swap3A_402 : vector<16xi32> to vector<16xi32>
    %swap3A_404 = vector.shape_cast %add3A_400 : vector<16xi32> to vector<16xi32>
    tpu.vector_store %arg6[%swap3A_401], %swap3A_404 {strides = array<i32>} : memref<3072xi32, #tpu.memory_space<vmem>>, vector<16xi32>,
    %add3A_405 = arith.constant 14942208 : i32
    %add3A_406 = vector.broadcast %add3A_405 : i32 to vector<16xi32>
    %add3A_407 = arith.addi %get3A_6, %add3A_406 : vector<16xi32>
    %swap3A_408 = arith.constant 912 : index
    %swap3A_409 = tpu.vector_load %arg6[%swap3A_408] {strides = array<i32>} : memref<3072xi32, #tpu.memory_space<vmem>>, vector<16xi32>,
    %swap3A_410 = vector.shape_cast %swap3A_409 : vector<16xi32> to vector<16xi32>
    %swap3A_411 = vector.shape_cast %add3A_407 : vector<16xi32> to vector<16xi32>
    tpu.vector_store %arg6[%swap3A_408], %swap3A_411 {strides = array<i32>} : memref<3072xi32, #tpu.memory_space<vmem>>, vector<16xi32>,
    %add3A_412 = arith.constant 15204352 : i32
    %add3A_413 = vector.broadcast %add3A_412 : i32 to vector<16xi32>
    %add3A_414 = arith.addi %get3A_6, %add3A_413 : vector<16xi32>
    %swap3A_415 = arith.constant 928 : index
    %swap3A_416 = tpu.vector_load %arg6[%swap3A_415] {strides = array<i32>} : memref<3072xi32, #tpu.memory_space<vmem>>, vector<16xi32>,
    %swap3A_417 = vector.shape_cast %swap3A_416 : vector<16xi32> to vector<16xi32>
    %swap3A_418 = vector.shape_cast %add3A_414 : vector<16xi32> to vector<16xi32>
    tpu.vector_store %arg6[%swap3A_415], %swap3A_418 {strides = array<i32>} : memref<3072xi32, #tpu.memory_space<vmem>>, vector<16xi32>,
    %add3A_419 = arith.constant 15466496 : i32
    %add3A_420 = vector.broadcast %add3A_419 : i32 to vector<16xi32>
    %add3A_421 = arith.addi %get3A_6, %add3A_420 : vector<16xi32>
    %swap3A_422 = arith.constant 944 : index
    %swap3A_423 = tpu.vector_load %arg6[%swap3A_422] {strides = array<i32>} : memref<3072xi32, #tpu.memory_space<vmem>>, vector<16xi32>,
    %swap3A_424 = vector.shape_cast %swap3A_423 : vector<16xi32> to vector<16xi32>
    %swap3A_425 = vector.shape_cast %add3A_421 : vector<16xi32> to vector<16xi32>
    tpu.vector_store %arg6[%swap3A_422], %swap3A_425 {strides = array<i32>} : memref<3072xi32, #tpu.memory_space<vmem>>, vector<16xi32>,
    %add3A_426 = arith.constant 15728640 : i32
    %add3A_427 = vector.broadcast %add3A_426 : i32 to vector<16xi32>
    %add3A_428 = arith.addi %get3A_6, %add3A_427 : vector<16xi32>
    %swap3A_429 = arith.constant 960 : index
    %swap3A_430 = tpu.vector_load %arg6[%swap3A_429] {strides = array<i32>} : memref<3072xi32, #tpu.memory_space<vmem>>, vector<16xi32>,
    %swap3A_431 = vector.shape_cast %swap3A_430 : vector<16xi32> to vector<16xi32>
    %swap3A_432 = vector.shape_cast %add3A_428 : vector<16xi32> to vector<16xi32>
    tpu.vector_store %arg6[%swap3A_429], %swap3A_432 {strides = array<i32>} : memref<3072xi32, #tpu.memory_space<vmem>>, vector<16xi32>,
    %add3A_433 = arith.constant 15990784 : i32
    %add3A_434 = vector.broadcast %add3A_433 : i32 to vector<16xi32>
    %add3A_435 = arith.addi %get3A_6, %add3A_434 : vector<16xi32>
    %swap3A_436 = arith.constant 976 : index
    %swap3A_437 = tpu.vector_load %arg6[%swap3A_436] {strides = array<i32>} : memref<3072xi32, #tpu.memory_space<vmem>>, vector<16xi32>,
    %swap3A_438 = vector.shape_cast %swap3A_437 : vector<16xi32> to vector<16xi32>
    %swap3A_439 = vector.shape_cast %add3A_435 : vector<16xi32> to vector<16xi32>
    tpu.vector_store %arg6[%swap3A_436], %swap3A_439 {strides = array<i32>} : memref<3072xi32, #tpu.memory_space<vmem>>, vector<16xi32>,
    %add3A_440 = arith.constant 16252928 : i32
    %add3A_441 = vector.broadcast %add3A_440 : i32 to vector<16xi32>
    %add3A_442 = arith.addi %get3A_6, %add3A_441 : vector<16xi32>
    %swap3A_443 = arith.constant 992 : index
    %swap3A_444 = tpu.vector_load %arg6[%swap3A_443] {strides = array<i32>} : memref<3072xi32, #tpu.memory_space<vmem>>, vector<16xi32>,
    %swap3A_445 = vector.shape_cast %swap3A_444 : vector<16xi32> to vector<16xi32>
    %swap3A_446 = vector.shape_cast %add3A_442 : vector<16xi32> to vector<16xi32>
    tpu.vector_store %arg6[%swap3A_443], %swap3A_446 {strides = array<i32>} : memref<3072xi32, #tpu.memory_space<vmem>>, vector<16xi32>,
    %add3A_447 = arith.constant 16515072 : i32
    %add3A_448 = vector.broadcast %add3A_447 : i32 to vector<16xi32>
    %add3A_449 = arith.addi %get3A_6, %add3A_448 : vector<16xi32>
    %swap3A_450 = arith.constant 1008 : index
    %swap3A_451 = tpu.vector_load %arg6[%swap3A_450] {strides = array<i32>} : memref<3072xi32, #tpu.memory_space<vmem>>, vector<16xi32>,
    %swap3A_452 = vector.shape_cast %swap3A_451 : vector<16xi32> to vector<16xi32>
    %swap3A_453 = vector.shape_cast %add3A_449 : vector<16xi32> to vector<16xi32>
    tpu.vector_store %arg6[%swap3A_450], %swap3A_453 {strides = array<i32>} : memref<3072xi32, #tpu.memory_space<vmem>>, vector<16xi32>,
    %add3A_454 = arith.constant 16777216 : i32
    %add3A_455 = vector.broadcast %add3A_454 : i32 to vector<16xi32>
    %add3A_456 = arith.addi %get3A_6, %add3A_455 : vector<16xi32>
    %swap3A_457 = arith.constant 1024 : index
    %swap3A_458 = tpu.vector_load %arg6[%swap3A_457] {strides = array<i32>} : memref<3072xi32, #tpu.memory_space<vmem>>, vector<16xi32>,
    %swap3A_459 = vector.shape_cast %swap3A_458 : vector<16xi32> to vector<16xi32>
    %swap3A_460 = vector.shape_cast %add3A_456 : vector<16xi32> to vector<16xi32>
    tpu.vector_store %arg6[%swap3A_457], %swap3A_460 {strides = array<i32>} : memref<3072xi32, #tpu.memory_space<vmem>>, vector<16xi32>,
    %add3A_461 = arith.constant 17039360 : i32
    %add3A_462 = vector.broadcast %add3A_461 : i32 to vector<16xi32>
    %add3A_463 = arith.addi %get3A_6, %add3A_462 : vector<16xi32>
    %swap3A_464 = arith.constant 1040 : index
    %swap3A_465 = tpu.vector_load %arg6[%swap3A_464] {strides = array<i32>} : memref<3072xi32, #tpu.memory_space<vmem>>, vector<16xi32>,
    %swap3A_466 = vector.shape_cast %swap3A_465 : vector<16xi32> to vector<16xi32>
    %swap3A_467 = vector.shape_cast %add3A_463 : vector<16xi32> to vector<16xi32>
    tpu.vector_store %arg6[%swap3A_464], %swap3A_467 {strides = array<i32>} : memref<3072xi32, #tpu.memory_space<vmem>>, vector<16xi32>,
    %add3A_468 = arith.constant 17301504 : i32
    %add3A_469 = vector.broadcast %add3A_468 : i32 to vector<16xi32>
    %add3A_470 = arith.addi %get3A_6, %add3A_469 : vector<16xi32>
    %swap3A_471 = arith.constant 1056 : index
    %swap3A_472 = tpu.vector_load %arg6[%swap3A_471] {strides = array<i32>} : memref<3072xi32, #tpu.memory_space<vmem>>, vector<16xi32>,
    %swap3A_473 = vector.shape_cast %swap3A_472 : vector<16xi32> to vector<16xi32>
    %swap3A_474 = vector.shape_cast %add3A_470 : vector<16xi32> to vector<16xi32>
    tpu.vector_store %arg6[%swap3A_471], %swap3A_474 {strides = array<i32>} : memref<3072xi32, #tpu.memory_space<vmem>>, vector<16xi32>,
    %add3A_475 = arith.constant 17563648 : i32
    %add3A_476 = vector.broadcast %add3A_475 : i32 to vector<16xi32>
    %add3A_477 = arith.addi %get3A_6, %add3A_476 : vector<16xi32>
    %swap3A_478 = arith.constant 1072 : index
    %swap3A_479 = tpu.vector_load %arg6[%swap3A_478] {strides = array<i32>} : memref<3072xi32, #tpu.memory_space<vmem>>, vector<16xi32>,
    %swap3A_480 = vector.shape_cast %swap3A_479 : vector<16xi32> to vector<16xi32>
    %swap3A_481 = vector.shape_cast %add3A_477 : vector<16xi32> to vector<16xi32>
    tpu.vector_store %arg6[%swap3A_478], %swap3A_481 {strides = array<i32>} : memref<3072xi32, #tpu.memory_space<vmem>>, vector<16xi32>,
    %add3A_482 = arith.constant 17825792 : i32
    %add3A_483 = vector.broadcast %add3A_482 : i32 to vector<16xi32>
    %add3A_484 = arith.addi %get3A_6, %add3A_483 : vector<16xi32>
    %swap3A_485 = arith.constant 1088 : index
    %swap3A_486 = tpu.vector_load %arg6[%swap3A_485] {strides = array<i32>} : memref<3072xi32, #tpu.memory_space<vmem>>, vector<16xi32>,
    %swap3A_487 = vector.shape_cast %swap3A_486 : vector<16xi32> to vector<16xi32>
    %swap3A_488 = vector.shape_cast %add3A_484 : vector<16xi32> to vector<16xi32>
    tpu.vector_store %arg6[%swap3A_485], %swap3A_488 {strides = array<i32>} : memref<3072xi32, #tpu.memory_space<vmem>>, vector<16xi32>,
    %add3A_489 = arith.constant 18087936 : i32
    %add3A_490 = vector.broadcast %add3A_489 : i32 to vector<16xi32>
    %add3A_491 = arith.addi %get3A_6, %add3A_490 : vector<16xi32>
    %swap3A_492 = arith.constant 1104 : index
    %swap3A_493 = tpu.vector_load %arg6[%swap3A_492] {strides = array<i32>} : memref<3072xi32, #tpu.memory_space<vmem>>, vector<16xi32>,
    %swap3A_494 = vector.shape_cast %swap3A_493 : vector<16xi32> to vector<16xi32>
    %swap3A_495 = vector.shape_cast %add3A_491 : vector<16xi32> to vector<16xi32>
    tpu.vector_store %arg6[%swap3A_492], %swap3A_495 {strides = array<i32>} : memref<3072xi32, #tpu.memory_space<vmem>>, vector<16xi32>,
    %add3A_496 = arith.constant 18350080 : i32
    %add3A_497 = vector.broadcast %add3A_496 : i32 to vector<16xi32>
    %add3A_498 = arith.addi %get3A_6, %add3A_497 : vector<16xi32>
    %swap3A_499 = arith.constant 1120 : index
    %swap3A_500 = tpu.vector_load %arg6[%swap3A_499] {strides = array<i32>} : memref<3072xi32, #tpu.memory_space<vmem>>, vector<16xi32>,
    %swap3A_501 = vector.shape_cast %swap3A_500 : vector<16xi32> to vector<16xi32>
    %swap3A_502 = vector.shape_cast %add3A_498 : vector<16xi32> to vector<16xi32>
    tpu.vector_store %arg6[%swap3A_499], %swap3A_502 {strides = array<i32>} : memref<3072xi32, #tpu.memory_space<vmem>>, vector<16xi32>,
    %add3A_503 = arith.constant 18612224 : i32
    %add3A_504 = vector.broadcast %add3A_503 : i32 to vector<16xi32>
    %add3A_505 = arith.addi %get3A_6, %add3A_504 : vector<16xi32>
    %swap3A_506 = arith.constant 1136 : index
    %swap3A_507 = tpu.vector_load %arg6[%swap3A_506] {strides = array<i32>} : memref<3072xi32, #tpu.memory_space<vmem>>, vector<16xi32>,
    %swap3A_508 = vector.shape_cast %swap3A_507 : vector<16xi32> to vector<16xi32>
    %swap3A_509 = vector.shape_cast %add3A_505 : vector<16xi32> to vector<16xi32>
    tpu.vector_store %arg6[%swap3A_506], %swap3A_509 {strides = array<i32>} : memref<3072xi32, #tpu.memory_space<vmem>>, vector<16xi32>,
    %add3A_510 = arith.constant 18874368 : i32
    %add3A_511 = vector.broadcast %add3A_510 : i32 to vector<16xi32>
    %add3A_512 = arith.addi %get3A_6, %add3A_511 : vector<16xi32>
    %swap3A_513 = arith.constant 1152 : index
    %swap3A_514 = tpu.vector_load %arg6[%swap3A_513] {strides = array<i32>} : memref<3072xi32, #tpu.memory_space<vmem>>, vector<16xi32>,
    %swap3A_515 = vector.shape_cast %swap3A_514 : vector<16xi32> to vector<16xi32>
    %swap3A_516 = vector.shape_cast %add3A_512 : vector<16xi32> to vector<16xi32>
    tpu.vector_store %arg6[%swap3A_513], %swap3A_516 {strides = array<i32>} : memref<3072xi32, #tpu.memory_space<vmem>>, vector<16xi32>,
    %add3A_517 = arith.constant 19136512 : i32
    %add3A_518 = vector.broadcast %add3A_517 : i32 to vector<16xi32>
    %add3A_519 = arith.addi %get3A_6, %add3A_518 : vector<16xi32>
    %swap3A_520 = arith.constant 1168 : index
    %swap3A_521 = tpu.vector_load %arg6[%swap3A_520] {strides = array<i32>} : memref<3072xi32, #tpu.memory_space<vmem>>, vector<16xi32>,
    %swap3A_522 = vector.shape_cast %swap3A_521 : vector<16xi32> to vector<16xi32>
    %swap3A_523 = vector.shape_cast %add3A_519 : vector<16xi32> to vector<16xi32>
    tpu.vector_store %arg6[%swap3A_520], %swap3A_523 {strides = array<i32>} : memref<3072xi32, #tpu.memory_space<vmem>>, vector<16xi32>,
    %add3A_524 = arith.constant 19398656 : i32
    %add3A_525 = vector.broadcast %add3A_524 : i32 to vector<16xi32>
    %add3A_526 = arith.addi %get3A_6, %add3A_525 : vector<16xi32>
    %swap3A_527 = arith.constant 1184 : index
    %swap3A_528 = tpu.vector_load %arg6[%swap3A_527] {strides = array<i32>} : memref<3072xi32, #tpu.memory_space<vmem>>, vector<16xi32>,
    %swap3A_529 = vector.shape_cast %swap3A_528 : vector<16xi32> to vector<16xi32>
    %swap3A_530 = vector.shape_cast %add3A_526 : vector<16xi32> to vector<16xi32>
    tpu.vector_store %arg6[%swap3A_527], %swap3A_530 {strides = array<i32>} : memref<3072xi32, #tpu.memory_space<vmem>>, vector<16xi32>,
    %add3A_531 = arith.constant 19660800 : i32
    %add3A_532 = vector.broadcast %add3A_531 : i32 to vector<16xi32>
    %add3A_533 = arith.addi %get3A_6, %add3A_532 : vector<16xi32>
    %swap3A_534 = arith.constant 1200 : index
    %swap3A_535 = tpu.vector_load %arg6[%swap3A_534] {strides = array<i32>} : memref<3072xi32, #tpu.memory_space<vmem>>, vector<16xi32>,
    %swap3A_536 = vector.shape_cast %swap3A_535 : vector<16xi32> to vector<16xi32>
    %swap3A_537 = vector.shape_cast %add3A_533 : vector<16xi32> to vector<16xi32>
    tpu.vector_store %arg6[%swap3A_534], %swap3A_537 {strides = array<i32>} : memref<3072xi32, #tpu.memory_space<vmem>>, vector<16xi32>,
    %add3A_538 = arith.constant 19922944 : i32
    %add3A_539 = vector.broadcast %add3A_538 : i32 to vector<16xi32>
    %add3A_540 = arith.addi %get3A_6, %add3A_539 : vector<16xi32>
    %swap3A_541 = arith.constant 1216 : index
    %swap3A_542 = tpu.vector_load %arg6[%swap3A_541] {strides = array<i32>} : memref<3072xi32, #tpu.memory_space<vmem>>, vector<16xi32>,
    %swap3A_543 = vector.shape_cast %swap3A_542 : vector<16xi32> to vector<16xi32>
    %swap3A_544 = vector.shape_cast %add3A_540 : vector<16xi32> to vector<16xi32>
    tpu.vector_store %arg6[%swap3A_541], %swap3A_544 {strides = array<i32>} : memref<3072xi32, #tpu.memory_space<vmem>>, vector<16xi32>,
    %add3A_545 = arith.constant 20185088 : i32
    %add3A_546 = vector.broadcast %add3A_545 : i32 to vector<16xi32>
    %add3A_547 = arith.addi %get3A_6, %add3A_546 : vector<16xi32>
    %swap3A_548 = arith.constant 1232 : index
    %swap3A_549 = tpu.vector_load %arg6[%swap3A_548] {strides = array<i32>} : memref<3072xi32, #tpu.memory_space<vmem>>, vector<16xi32>,
    %swap3A_550 = vector.shape_cast %swap3A_549 : vector<16xi32> to vector<16xi32>
    %swap3A_551 = vector.shape_cast %add3A_547 : vector<16xi32> to vector<16xi32>
    tpu.vector_store %arg6[%swap3A_548], %swap3A_551 {strides = array<i32>} : memref<3072xi32, #tpu.memory_space<vmem>>, vector<16xi32>,
    %add3A_552 = arith.constant 20447232 : i32
    %add3A_553 = vector.broadcast %add3A_552 : i32 to vector<16xi32>
    %add3A_554 = arith.addi %get3A_6, %add3A_553 : vector<16xi32>
    %swap3A_555 = arith.constant 1248 : index
    %swap3A_556 = tpu.vector_load %arg6[%swap3A_555] {strides = array<i32>} : memref<3072xi32, #tpu.memory_space<vmem>>, vector<16xi32>,
    %swap3A_557 = vector.shape_cast %swap3A_556 : vector<16xi32> to vector<16xi32>
    %swap3A_558 = vector.shape_cast %add3A_554 : vector<16xi32> to vector<16xi32>
    tpu.vector_store %arg6[%swap3A_555], %swap3A_558 {strides = array<i32>} : memref<3072xi32, #tpu.memory_space<vmem>>, vector<16xi32>,
    %add3A_559 = arith.constant 20709376 : i32
    %add3A_560 = vector.broadcast %add3A_559 : i32 to vector<16xi32>
    %add3A_561 = arith.addi %get3A_6, %add3A_560 : vector<16xi32>
    %swap3A_562 = arith.constant 1264 : index
    %swap3A_563 = tpu.vector_load %arg6[%swap3A_562] {strides = array<i32>} : memref<3072xi32, #tpu.memory_space<vmem>>, vector<16xi32>,
    %swap3A_564 = vector.shape_cast %swap3A_563 : vector<16xi32> to vector<16xi32>
    %swap3A_565 = vector.shape_cast %add3A_561 : vector<16xi32> to vector<16xi32>
    tpu.vector_store %arg6[%swap3A_562], %swap3A_565 {strides = array<i32>} : memref<3072xi32, #tpu.memory_space<vmem>>, vector<16xi32>,
    %add3A_566 = arith.constant 20971520 : i32
    %add3A_567 = vector.broadcast %add3A_566 : i32 to vector<16xi32>
    %add3A_568 = arith.addi %get3A_6, %add3A_567 : vector<16xi32>
    %swap3A_569 = arith.constant 1280 : index
    %swap3A_570 = tpu.vector_load %arg6[%swap3A_569] {strides = array<i32>} : memref<3072xi32, #tpu.memory_space<vmem>>, vector<16xi32>,
    %swap3A_571 = vector.shape_cast %swap3A_570 : vector<16xi32> to vector<16xi32>
    %swap3A_572 = vector.shape_cast %add3A_568 : vector<16xi32> to vector<16xi32>
    tpu.vector_store %arg6[%swap3A_569], %swap3A_572 {strides = array<i32>} : memref<3072xi32, #tpu.memory_space<vmem>>, vector<16xi32>,
    %add3A_573 = arith.constant 21233664 : i32
    %add3A_574 = vector.broadcast %add3A_573 : i32 to vector<16xi32>
    %add3A_575 = arith.addi %get3A_6, %add3A_574 : vector<16xi32>
    %swap3A_576 = arith.constant 1296 : index
    %swap3A_577 = tpu.vector_load %arg6[%swap3A_576] {strides = array<i32>} : memref<3072xi32, #tpu.memory_space<vmem>>, vector<16xi32>,
    %swap3A_578 = vector.shape_cast %swap3A_577 : vector<16xi32> to vector<16xi32>
    %swap3A_579 = vector.shape_cast %add3A_575 : vector<16xi32> to vector<16xi32>
    tpu.vector_store %arg6[%swap3A_576], %swap3A_579 {strides = array<i32>} : memref<3072xi32, #tpu.memory_space<vmem>>, vector<16xi32>,
    %add3A_580 = arith.constant 21495808 : i32
    %add3A_581 = vector.broadcast %add3A_580 : i32 to vector<16xi32>
    %add3A_582 = arith.addi %get3A_6, %add3A_581 : vector<16xi32>
    %swap3A_583 = arith.constant 1312 : index
    %swap3A_584 = tpu.vector_load %arg6[%swap3A_583] {strides = array<i32>} : memref<3072xi32, #tpu.memory_space<vmem>>, vector<16xi32>,
    %swap3A_585 = vector.shape_cast %swap3A_584 : vector<16xi32> to vector<16xi32>
    %swap3A_586 = vector.shape_cast %add3A_582 : vector<16xi32> to vector<16xi32>
    tpu.vector_store %arg6[%swap3A_583], %swap3A_586 {strides = array<i32>} : memref<3072xi32, #tpu.memory_space<vmem>>, vector<16xi32>,
    %add3A_587 = arith.constant 21757952 : i32
    %add3A_588 = vector.broadcast %add3A_587 : i32 to vector<16xi32>
    %add3A_589 = arith.addi %get3A_6, %add3A_588 : vector<16xi32>
    %swap3A_590 = arith.constant 1328 : index
    %swap3A_591 = tpu.vector_load %arg6[%swap3A_590] {strides = array<i32>} : memref<3072xi32, #tpu.memory_space<vmem>>, vector<16xi32>,
    %swap3A_592 = vector.shape_cast %swap3A_591 : vector<16xi32> to vector<16xi32>
    %swap3A_593 = vector.shape_cast %add3A_589 : vector<16xi32> to vector<16xi32>
    tpu.vector_store %arg6[%swap3A_590], %swap3A_593 {strides = array<i32>} : memref<3072xi32, #tpu.memory_space<vmem>>, vector<16xi32>,
    %add3A_594 = arith.constant 22020096 : i32
    %add3A_595 = vector.broadcast %add3A_594 : i32 to vector<16xi32>
    %add3A_596 = arith.addi %get3A_6, %add3A_595 : vector<16xi32>
    %swap3A_597 = arith.constant 1344 : index
    %swap3A_598 = tpu.vector_load %arg6[%swap3A_597] {strides = array<i32>} : memref<3072xi32, #tpu.memory_space<vmem>>, vector<16xi32>,
    %swap3A_599 = vector.shape_cast %swap3A_598 : vector<16xi32> to vector<16xi32>
    %swap3A_600 = vector.shape_cast %add3A_596 : vector<16xi32> to vector<16xi32>
    tpu.vector_store %arg6[%swap3A_597], %swap3A_600 {strides = array<i32>} : memref<3072xi32, #tpu.memory_space<vmem>>, vector<16xi32>,
    %add3A_601 = arith.constant 22282240 : i32
    %add3A_602 = vector.broadcast %add3A_601 : i32 to vector<16xi32>
    %add3A_603 = arith.addi %get3A_6, %add3A_602 : vector<16xi32>
    %swap3A_604 = arith.constant 1360 : index
    %swap3A_605 = tpu.vector_load %arg6[%swap3A_604] {strides = array<i32>} : memref<3072xi32, #tpu.memory_space<vmem>>, vector<16xi32>,
    %swap3A_606 = vector.shape_cast %swap3A_605 : vector<16xi32> to vector<16xi32>
    %swap3A_607 = vector.shape_cast %add3A_603 : vector<16xi32> to vector<16xi32>
    tpu.vector_store %arg6[%swap3A_604], %swap3A_607 {strides = array<i32>} : memref<3072xi32, #tpu.memory_space<vmem>>, vector<16xi32>,
    %add3A_608 = arith.constant 22544384 : i32
    %add3A_609 = vector.broadcast %add3A_608 : i32 to vector<16xi32>
    %add3A_610 = arith.addi %get3A_6, %add3A_609 : vector<16xi32>
    %swap3A_611 = arith.constant 1376 : index
    %swap3A_612 = tpu.vector_load %arg6[%swap3A_611] {strides = array<i32>} : memref<3072xi32, #tpu.memory_space<vmem>>, vector<16xi32>,
    %swap3A_613 = vector.shape_cast %swap3A_612 : vector<16xi32> to vector<16xi32>
    %swap3A_614 = vector.shape_cast %add3A_610 : vector<16xi32> to vector<16xi32>
    tpu.vector_store %arg6[%swap3A_611], %swap3A_614 {strides = array<i32>} : memref<3072xi32, #tpu.memory_space<vmem>>, vector<16xi32>,
    %add3A_615 = arith.constant 22806528 : i32
    %add3A_616 = vector.broadcast %add3A_615 : i32 to vector<16xi32>
    %add3A_617 = arith.addi %get3A_6, %add3A_616 : vector<16xi32>
    %swap3A_618 = arith.constant 1392 : index
    %swap3A_619 = tpu.vector_load %arg6[%swap3A_618] {strides = array<i32>} : memref<3072xi32, #tpu.memory_space<vmem>>, vector<16xi32>,
    %swap3A_620 = vector.shape_cast %swap3A_619 : vector<16xi32> to vector<16xi32>
    %swap3A_621 = vector.shape_cast %add3A_617 : vector<16xi32> to vector<16xi32>
    tpu.vector_store %arg6[%swap3A_618], %swap3A_621 {strides = array<i32>} : memref<3072xi32, #tpu.memory_space<vmem>>, vector<16xi32>,
    %add3A_622 = arith.constant 23068672 : i32
    %add3A_623 = vector.broadcast %add3A_622 : i32 to vector<16xi32>
    %add3A_624 = arith.addi %get3A_6, %add3A_623 : vector<16xi32>
    %swap3A_625 = arith.constant 1408 : index
    %swap3A_626 = tpu.vector_load %arg6[%swap3A_625] {strides = array<i32>} : memref<3072xi32, #tpu.memory_space<vmem>>, vector<16xi32>,
    %swap3A_627 = vector.shape_cast %swap3A_626 : vector<16xi32> to vector<16xi32>
    %swap3A_628 = vector.shape_cast %add3A_624 : vector<16xi32> to vector<16xi32>
    tpu.vector_store %arg6[%swap3A_625], %swap3A_628 {strides = array<i32>} : memref<3072xi32, #tpu.memory_space<vmem>>, vector<16xi32>,
    %add3A_629 = arith.constant 23330816 : i32
    %add3A_630 = vector.broadcast %add3A_629 : i32 to vector<16xi32>
    %add3A_631 = arith.addi %get3A_6, %add3A_630 : vector<16xi32>
    %swap3A_632 = arith.constant 1424 : index
    %swap3A_633 = tpu.vector_load %arg6[%swap3A_632] {strides = array<i32>} : memref<3072xi32, #tpu.memory_space<vmem>>, vector<16xi32>,
    %swap3A_634 = vector.shape_cast %swap3A_633 : vector<16xi32> to vector<16xi32>
    %swap3A_635 = vector.shape_cast %add3A_631 : vector<16xi32> to vector<16xi32>
    tpu.vector_store %arg6[%swap3A_632], %swap3A_635 {strides = array<i32>} : memref<3072xi32, #tpu.memory_space<vmem>>, vector<16xi32>,
    %add3A_636 = arith.constant 23592960 : i32
    %add3A_637 = vector.broadcast %add3A_636 : i32 to vector<16xi32>
    %add3A_638 = arith.addi %get3A_6, %add3A_637 : vector<16xi32>
    %swap3A_639 = arith.constant 1440 : index
    %swap3A_640 = tpu.vector_load %arg6[%swap3A_639] {strides = array<i32>} : memref<3072xi32, #tpu.memory_space<vmem>>, vector<16xi32>,
    %swap3A_641 = vector.shape_cast %swap3A_640 : vector<16xi32> to vector<16xi32>
    %swap3A_642 = vector.shape_cast %add3A_638 : vector<16xi32> to vector<16xi32>
    tpu.vector_store %arg6[%swap3A_639], %swap3A_642 {strides = array<i32>} : memref<3072xi32, #tpu.memory_space<vmem>>, vector<16xi32>,
    %add3A_643 = arith.constant 23855104 : i32
    %add3A_644 = vector.broadcast %add3A_643 : i32 to vector<16xi32>
    %add3A_645 = arith.addi %get3A_6, %add3A_644 : vector<16xi32>
    %swap3A_646 = arith.constant 1456 : index
    %swap3A_647 = tpu.vector_load %arg6[%swap3A_646] {strides = array<i32>} : memref<3072xi32, #tpu.memory_space<vmem>>, vector<16xi32>,
    %swap3A_648 = vector.shape_cast %swap3A_647 : vector<16xi32> to vector<16xi32>
    %swap3A_649 = vector.shape_cast %add3A_645 : vector<16xi32> to vector<16xi32>
    tpu.vector_store %arg6[%swap3A_646], %swap3A_649 {strides = array<i32>} : memref<3072xi32, #tpu.memory_space<vmem>>, vector<16xi32>,
    %add3A_650 = arith.constant 24117248 : i32
    %add3A_651 = vector.broadcast %add3A_650 : i32 to vector<16xi32>
    %add3A_652 = arith.addi %get3A_6, %add3A_651 : vector<16xi32>
    %swap3A_653 = arith.constant 1472 : index
    %swap3A_654 = tpu.vector_load %arg6[%swap3A_653] {strides = array<i32>} : memref<3072xi32, #tpu.memory_space<vmem>>, vector<16xi32>,
    %swap3A_655 = vector.shape_cast %swap3A_654 : vector<16xi32> to vector<16xi32>
    %swap3A_656 = vector.shape_cast %add3A_652 : vector<16xi32> to vector<16xi32>
    tpu.vector_store %arg6[%swap3A_653], %swap3A_656 {strides = array<i32>} : memref<3072xi32, #tpu.memory_space<vmem>>, vector<16xi32>,
    %add3A_657 = arith.constant 24379392 : i32
    %add3A_658 = vector.broadcast %add3A_657 : i32 to vector<16xi32>
    %add3A_659 = arith.addi %get3A_6, %add3A_658 : vector<16xi32>
    %swap3A_660 = arith.constant 1488 : index
    %swap3A_661 = tpu.vector_load %arg6[%swap3A_660] {strides = array<i32>} : memref<3072xi32, #tpu.memory_space<vmem>>, vector<16xi32>,
    %swap3A_662 = vector.shape_cast %swap3A_661 : vector<16xi32> to vector<16xi32>
    %swap3A_663 = vector.shape_cast %add3A_659 : vector<16xi32> to vector<16xi32>
    tpu.vector_store %arg6[%swap3A_660], %swap3A_663 {strides = array<i32>} : memref<3072xi32, #tpu.memory_space<vmem>>, vector<16xi32>,
    %add3A_664 = arith.constant 24641536 : i32
    %add3A_665 = vector.broadcast %add3A_664 : i32 to vector<16xi32>
    %add3A_666 = arith.addi %get3A_6, %add3A_665 : vector<16xi32>
    %swap3A_667 = arith.constant 1504 : index
    %swap3A_668 = tpu.vector_load %arg6[%swap3A_667] {strides = array<i32>} : memref<3072xi32, #tpu.memory_space<vmem>>, vector<16xi32>,
    %swap3A_669 = vector.shape_cast %swap3A_668 : vector<16xi32> to vector<16xi32>
    %swap3A_670 = vector.shape_cast %add3A_666 : vector<16xi32> to vector<16xi32>
    tpu.vector_store %arg6[%swap3A_667], %swap3A_670 {strides = array<i32>} : memref<3072xi32, #tpu.memory_space<vmem>>, vector<16xi32>,
    %add3A_671 = arith.constant 24903680 : i32
    %add3A_672 = vector.broadcast %add3A_671 : i32 to vector<16xi32>
    %add3A_673 = arith.addi %get3A_6, %add3A_672 : vector<16xi32>
    %swap3A_674 = arith.constant 1520 : index
    %swap3A_675 = tpu.vector_load %arg6[%swap3A_674] {strides = array<i32>} : memref<3072xi32, #tpu.memory_space<vmem>>, vector<16xi32>,
    %swap3A_676 = vector.shape_cast %swap3A_675 : vector<16xi32> to vector<16xi32>
    %swap3A_677 = vector.shape_cast %add3A_673 : vector<16xi32> to vector<16xi32>
    tpu.vector_store %arg6[%swap3A_674], %swap3A_677 {strides = array<i32>} : memref<3072xi32, #tpu.memory_space<vmem>>, vector<16xi32>,
    %add3A_678 = arith.constant 25165824 : i32
    %add3A_679 = vector.broadcast %add3A_678 : i32 to vector<16xi32>
    %add3A_680 = arith.addi %get3A_6, %add3A_679 : vector<16xi32>
    %swap3A_681 = arith.constant 1536 : index
    %swap3A_682 = tpu.vector_load %arg6[%swap3A_681] {strides = array<i32>} : memref<3072xi32, #tpu.memory_space<vmem>>, vector<16xi32>,
    %swap3A_683 = vector.shape_cast %swap3A_682 : vector<16xi32> to vector<16xi32>
    %swap3A_684 = vector.shape_cast %add3A_680 : vector<16xi32> to vector<16xi32>
    tpu.vector_store %arg6[%swap3A_681], %swap3A_684 {strides = array<i32>} : memref<3072xi32, #tpu.memory_space<vmem>>, vector<16xi32>,
    %add3A_685 = arith.constant 25427968 : i32
    %add3A_686 = vector.broadcast %add3A_685 : i32 to vector<16xi32>
    %add3A_687 = arith.addi %get3A_6, %add3A_686 : vector<16xi32>
    %swap3A_688 = arith.constant 1552 : index
    %swap3A_689 = tpu.vector_load %arg6[%swap3A_688] {strides = array<i32>} : memref<3072xi32, #tpu.memory_space<vmem>>, vector<16xi32>,
    %swap3A_690 = vector.shape_cast %swap3A_689 : vector<16xi32> to vector<16xi32>
    %swap3A_691 = vector.shape_cast %add3A_687 : vector<16xi32> to vector<16xi32>
    tpu.vector_store %arg6[%swap3A_688], %swap3A_691 {strides = array<i32>} : memref<3072xi32, #tpu.memory_space<vmem>>, vector<16xi32>,
    %add3A_692 = arith.constant 25690112 : i32
    %add3A_693 = vector.broadcast %add3A_692 : i32 to vector<16xi32>
    %add3A_694 = arith.addi %get3A_6, %add3A_693 : vector<16xi32>
    %swap3A_695 = arith.constant 1568 : index
    %swap3A_696 = tpu.vector_load %arg6[%swap3A_695] {strides = array<i32>} : memref<3072xi32, #tpu.memory_space<vmem>>, vector<16xi32>,
    %swap3A_697 = vector.shape_cast %swap3A_696 : vector<16xi32> to vector<16xi32>
    %swap3A_698 = vector.shape_cast %add3A_694 : vector<16xi32> to vector<16xi32>
    tpu.vector_store %arg6[%swap3A_695], %swap3A_698 {strides = array<i32>} : memref<3072xi32, #tpu.memory_space<vmem>>, vector<16xi32>,
    %add3A_699 = arith.constant 25952256 : i32
    %add3A_700 = vector.broadcast %add3A_699 : i32 to vector<16xi32>
    %add3A_701 = arith.addi %get3A_6, %add3A_700 : vector<16xi32>
    %swap3A_702 = arith.constant 1584 : index
    %swap3A_703 = tpu.vector_load %arg6[%swap3A_702] {strides = array<i32>} : memref<3072xi32, #tpu.memory_space<vmem>>, vector<16xi32>,
    %swap3A_704 = vector.shape_cast %swap3A_703 : vector<16xi32> to vector<16xi32>
    %swap3A_705 = vector.shape_cast %add3A_701 : vector<16xi32> to vector<16xi32>
    tpu.vector_store %arg6[%swap3A_702], %swap3A_705 {strides = array<i32>} : memref<3072xi32, #tpu.memory_space<vmem>>, vector<16xi32>,
    %add3A_706 = arith.constant 26214400 : i32
    %add3A_707 = vector.broadcast %add3A_706 : i32 to vector<16xi32>
    %add3A_708 = arith.addi %get3A_6, %add3A_707 : vector<16xi32>
    %swap3A_709 = arith.constant 1600 : index
    %swap3A_710 = tpu.vector_load %arg6[%swap3A_709] {strides = array<i32>} : memref<3072xi32, #tpu.memory_space<vmem>>, vector<16xi32>,
    %swap3A_711 = vector.shape_cast %swap3A_710 : vector<16xi32> to vector<16xi32>
    %swap3A_712 = vector.shape_cast %add3A_708 : vector<16xi32> to vector<16xi32>
    tpu.vector_store %arg6[%swap3A_709], %swap3A_712 {strides = array<i32>} : memref<3072xi32, #tpu.memory_space<vmem>>, vector<16xi32>,
    %add3A_713 = arith.constant 26476544 : i32
    %add3A_714 = vector.broadcast %add3A_713 : i32 to vector<16xi32>
    %add3A_715 = arith.addi %get3A_6, %add3A_714 : vector<16xi32>
    %swap3A_716 = arith.constant 1616 : index
    %swap3A_717 = tpu.vector_load %arg6[%swap3A_716] {strides = array<i32>} : memref<3072xi32, #tpu.memory_space<vmem>>, vector<16xi32>,
    %swap3A_718 = vector.shape_cast %swap3A_717 : vector<16xi32> to vector<16xi32>
    %swap3A_719 = vector.shape_cast %add3A_715 : vector<16xi32> to vector<16xi32>
    tpu.vector_store %arg6[%swap3A_716], %swap3A_719 {strides = array<i32>} : memref<3072xi32, #tpu.memory_space<vmem>>, vector<16xi32>,
    %add3A_720 = arith.constant 26738688 : i32
    %add3A_721 = vector.broadcast %add3A_720 : i32 to vector<16xi32>
    %add3A_722 = arith.addi %get3A_6, %add3A_721 : vector<16xi32>
    %swap3A_723 = arith.constant 1632 : index
    %swap3A_724 = tpu.vector_load %arg6[%swap3A_723] {strides = array<i32>} : memref<3072xi32, #tpu.memory_space<vmem>>, vector<16xi32>,
    %swap3A_725 = vector.shape_cast %swap3A_724 : vector<16xi32> to vector<16xi32>
    %swap3A_726 = vector.shape_cast %add3A_722 : vector<16xi32> to vector<16xi32>
    tpu.vector_store %arg6[%swap3A_723], %swap3A_726 {strides = array<i32>} : memref<3072xi32, #tpu.memory_space<vmem>>, vector<16xi32>,
    %add3A_727 = arith.constant 27000832 : i32
    %add3A_728 = vector.broadcast %add3A_727 : i32 to vector<16xi32>
    %add3A_729 = arith.addi %get3A_6, %add3A_728 : vector<16xi32>
    %swap3A_730 = arith.constant 1648 : index
    %swap3A_731 = tpu.vector_load %arg6[%swap3A_730] {strides = array<i32>} : memref<3072xi32, #tpu.memory_space<vmem>>, vector<16xi32>,
    %swap3A_732 = vector.shape_cast %swap3A_731 : vector<16xi32> to vector<16xi32>
    %swap3A_733 = vector.shape_cast %add3A_729 : vector<16xi32> to vector<16xi32>
    tpu.vector_store %arg6[%swap3A_730], %swap3A_733 {strides = array<i32>} : memref<3072xi32, #tpu.memory_space<vmem>>, vector<16xi32>,
    %add3A_734 = arith.constant 27262976 : i32
    %add3A_735 = vector.broadcast %add3A_734 : i32 to vector<16xi32>
    %add3A_736 = arith.addi %get3A_6, %add3A_735 : vector<16xi32>
    %swap3A_737 = arith.constant 1664 : index
    %swap3A_738 = tpu.vector_load %arg6[%swap3A_737] {strides = array<i32>} : memref<3072xi32, #tpu.memory_space<vmem>>, vector<16xi32>,
    %swap3A_739 = vector.shape_cast %swap3A_738 : vector<16xi32> to vector<16xi32>
    %swap3A_740 = vector.shape_cast %add3A_736 : vector<16xi32> to vector<16xi32>
    tpu.vector_store %arg6[%swap3A_737], %swap3A_740 {strides = array<i32>} : memref<3072xi32, #tpu.memory_space<vmem>>, vector<16xi32>,
    %add3A_741 = arith.constant 27525120 : i32
    %add3A_742 = vector.broadcast %add3A_741 : i32 to vector<16xi32>
    %add3A_743 = arith.addi %get3A_6, %add3A_742 : vector<16xi32>
    %swap3A_744 = arith.constant 1680 : index
    %swap3A_745 = tpu.vector_load %arg6[%swap3A_744] {strides = array<i32>} : memref<3072xi32, #tpu.memory_space<vmem>>, vector<16xi32>,
    %swap3A_746 = vector.shape_cast %swap3A_745 : vector<16xi32> to vector<16xi32>
    %swap3A_747 = vector.shape_cast %add3A_743 : vector<16xi32> to vector<16xi32>
    tpu.vector_store %arg6[%swap3A_744], %swap3A_747 {strides = array<i32>} : memref<3072xi32, #tpu.memory_space<vmem>>, vector<16xi32>,
    %add3A_748 = arith.constant 27787264 : i32
    %add3A_749 = vector.broadcast %add3A_748 : i32 to vector<16xi32>
    %add3A_750 = arith.addi %get3A_6, %add3A_749 : vector<16xi32>
    %swap3A_751 = arith.constant 1696 : index
    %swap3A_752 = tpu.vector_load %arg6[%swap3A_751] {strides = array<i32>} : memref<3072xi32, #tpu.memory_space<vmem>>, vector<16xi32>,
    %swap3A_753 = vector.shape_cast %swap3A_752 : vector<16xi32> to vector<16xi32>
    %swap3A_754 = vector.shape_cast %add3A_750 : vector<16xi32> to vector<16xi32>
    tpu.vector_store %arg6[%swap3A_751], %swap3A_754 {strides = array<i32>} : memref<3072xi32, #tpu.memory_space<vmem>>, vector<16xi32>,
    %add3A_755 = arith.constant 28049408 : i32
    %add3A_756 = vector.broadcast %add3A_755 : i32 to vector<16xi32>
    %add3A_757 = arith.addi %get3A_6, %add3A_756 : vector<16xi32>
    %swap3A_758 = arith.constant 1712 : index
    %swap3A_759 = tpu.vector_load %arg6[%swap3A_758] {strides = array<i32>} : memref<3072xi32, #tpu.memory_space<vmem>>, vector<16xi32>,
    %swap3A_760 = vector.shape_cast %swap3A_759 : vector<16xi32> to vector<16xi32>
    %swap3A_761 = vector.shape_cast %add3A_757 : vector<16xi32> to vector<16xi32>
    tpu.vector_store %arg6[%swap3A_758], %swap3A_761 {strides = array<i32>} : memref<3072xi32, #tpu.memory_space<vmem>>, vector<16xi32>,
    %add3A_762 = arith.constant 28311552 : i32
    %add3A_763 = vector.broadcast %add3A_762 : i32 to vector<16xi32>
    %add3A_764 = arith.addi %get3A_6, %add3A_763 : vector<16xi32>
    %swap3A_765 = arith.constant 1728 : index
    %swap3A_766 = tpu.vector_load %arg6[%swap3A_765] {strides = array<i32>} : memref<3072xi32, #tpu.memory_space<vmem>>, vector<16xi32>,
    %swap3A_767 = vector.shape_cast %swap3A_766 : vector<16xi32> to vector<16xi32>
    %swap3A_768 = vector.shape_cast %add3A_764 : vector<16xi32> to vector<16xi32>
    tpu.vector_store %arg6[%swap3A_765], %swap3A_768 {strides = array<i32>} : memref<3072xi32, #tpu.memory_space<vmem>>, vector<16xi32>,
    %add3A_769 = arith.constant 28573696 : i32
    %add3A_770 = vector.broadcast %add3A_769 : i32 to vector<16xi32>
    %add3A_771 = arith.addi %get3A_6, %add3A_770 : vector<16xi32>
    %swap3A_772 = arith.constant 1744 : index
    %swap3A_773 = tpu.vector_load %arg6[%swap3A_772] {strides = array<i32>} : memref<3072xi32, #tpu.memory_space<vmem>>, vector<16xi32>,
    %swap3A_774 = vector.shape_cast %swap3A_773 : vector<16xi32> to vector<16xi32>
    %swap3A_775 = vector.shape_cast %add3A_771 : vector<16xi32> to vector<16xi32>
    tpu.vector_store %arg6[%swap3A_772], %swap3A_775 {strides = array<i32>} : memref<3072xi32, #tpu.memory_space<vmem>>, vector<16xi32>,
    %add3A_776 = arith.constant 28835840 : i32
    %add3A_777 = vector.broadcast %add3A_776 : i32 to vector<16xi32>
    %add3A_778 = arith.addi %get3A_6, %add3A_777 : vector<16xi32>
    %swap3A_779 = arith.constant 1760 : index
    %swap3A_780 = tpu.vector_load %arg6[%swap3A_779] {strides = array<i32>} : memref<3072xi32, #tpu.memory_space<vmem>>, vector<16xi32>,
    %swap3A_781 = vector.shape_cast %swap3A_780 : vector<16xi32> to vector<16xi32>
    %swap3A_782 = vector.shape_cast %add3A_778 : vector<16xi32> to vector<16xi32>
    tpu.vector_store %arg6[%swap3A_779], %swap3A_782 {strides = array<i32>} : memref<3072xi32, #tpu.memory_space<vmem>>, vector<16xi32>,
    %add3A_783 = arith.constant 29097984 : i32
    %add3A_784 = vector.broadcast %add3A_783 : i32 to vector<16xi32>
    %add3A_785 = arith.addi %get3A_6, %add3A_784 : vector<16xi32>
    %swap3A_786 = arith.constant 1776 : index
    %swap3A_787 = tpu.vector_load %arg6[%swap3A_786] {strides = array<i32>} : memref<3072xi32, #tpu.memory_space<vmem>>, vector<16xi32>,
    %swap3A_788 = vector.shape_cast %swap3A_787 : vector<16xi32> to vector<16xi32>
    %swap3A_789 = vector.shape_cast %add3A_785 : vector<16xi32> to vector<16xi32>
    tpu.vector_store %arg6[%swap3A_786], %swap3A_789 {strides = array<i32>} : memref<3072xi32, #tpu.memory_space<vmem>>, vector<16xi32>,
    %add3A_790 = arith.constant 29360128 : i32
    %add3A_791 = vector.broadcast %add3A_790 : i32 to vector<16xi32>
    %add3A_792 = arith.addi %get3A_6, %add3A_791 : vector<16xi32>
    %swap3A_793 = arith.constant 1792 : index
    %swap3A_794 = tpu.vector_load %arg6[%swap3A_793] {strides = array<i32>} : memref<3072xi32, #tpu.memory_space<vmem>>, vector<16xi32>,
    %swap3A_795 = vector.shape_cast %swap3A_794 : vector<16xi32> to vector<16xi32>
    %swap3A_796 = vector.shape_cast %add3A_792 : vector<16xi32> to vector<16xi32>
    tpu.vector_store %arg6[%swap3A_793], %swap3A_796 {strides = array<i32>} : memref<3072xi32, #tpu.memory_space<vmem>>, vector<16xi32>,
    %add3A_797 = arith.constant 29622272 : i32
    %add3A_798 = vector.broadcast %add3A_797 : i32 to vector<16xi32>
    %add3A_799 = arith.addi %get3A_6, %add3A_798 : vector<16xi32>
    %swap3A_800 = arith.constant 1808 : index
    %swap3A_801 = tpu.vector_load %arg6[%swap3A_800] {strides = array<i32>} : memref<3072xi32, #tpu.memory_space<vmem>>, vector<16xi32>,
    %swap3A_802 = vector.shape_cast %swap3A_801 : vector<16xi32> to vector<16xi32>
    %swap3A_803 = vector.shape_cast %add3A_799 : vector<16xi32> to vector<16xi32>
    tpu.vector_store %arg6[%swap3A_800], %swap3A_803 {strides = array<i32>} : memref<3072xi32, #tpu.memory_space<vmem>>, vector<16xi32>,
    %add3A_804 = arith.constant 29884416 : i32
    %add3A_805 = vector.broadcast %add3A_804 : i32 to vector<16xi32>
    %add3A_806 = arith.addi %get3A_6, %add3A_805 : vector<16xi32>
    %swap3A_807 = arith.constant 1824 : index
    %swap3A_808 = tpu.vector_load %arg6[%swap3A_807] {strides = array<i32>} : memref<3072xi32, #tpu.memory_space<vmem>>, vector<16xi32>,
    %swap3A_809 = vector.shape_cast %swap3A_808 : vector<16xi32> to vector<16xi32>
    %swap3A_810 = vector.shape_cast %add3A_806 : vector<16xi32> to vector<16xi32>
    tpu.vector_store %arg6[%swap3A_807], %swap3A_810 {strides = array<i32>} : memref<3072xi32, #tpu.memory_space<vmem>>, vector<16xi32>,
    %add3A_811 = arith.constant 30146560 : i32
    %add3A_812 = vector.broadcast %add3A_811 : i32 to vector<16xi32>
    %add3A_813 = arith.addi %get3A_6, %add3A_812 : vector<16xi32>
    %swap3A_814 = arith.constant 1840 : index
    %swap3A_815 = tpu.vector_load %arg6[%swap3A_814] {strides = array<i32>} : memref<3072xi32, #tpu.memory_space<vmem>>, vector<16xi32>,
    %swap3A_816 = vector.shape_cast %swap3A_815 : vector<16xi32> to vector<16xi32>
    %swap3A_817 = vector.shape_cast %add3A_813 : vector<16xi32> to vector<16xi32>
    tpu.vector_store %arg6[%swap3A_814], %swap3A_817 {strides = array<i32>} : memref<3072xi32, #tpu.memory_space<vmem>>, vector<16xi32>,
    %add3A_818 = arith.constant 30408704 : i32
    %add3A_819 = vector.broadcast %add3A_818 : i32 to vector<16xi32>
    %add3A_820 = arith.addi %get3A_6, %add3A_819 : vector<16xi32>
    %swap3A_821 = arith.constant 1856 : index
    %swap3A_822 = tpu.vector_load %arg6[%swap3A_821] {strides = array<i32>} : memref<3072xi32, #tpu.memory_space<vmem>>, vector<16xi32>,
    %swap3A_823 = vector.shape_cast %swap3A_822 : vector<16xi32> to vector<16xi32>
    %swap3A_824 = vector.shape_cast %add3A_820 : vector<16xi32> to vector<16xi32>
    tpu.vector_store %arg6[%swap3A_821], %swap3A_824 {strides = array<i32>} : memref<3072xi32, #tpu.memory_space<vmem>>, vector<16xi32>,
    %add3A_825 = arith.constant 30670848 : i32
    %add3A_826 = vector.broadcast %add3A_825 : i32 to vector<16xi32>
    %add3A_827 = arith.addi %get3A_6, %add3A_826 : vector<16xi32>
    %swap3A_828 = arith.constant 1872 : index
    %swap3A_829 = tpu.vector_load %arg6[%swap3A_828] {strides = array<i32>} : memref<3072xi32, #tpu.memory_space<vmem>>, vector<16xi32>,
    %swap3A_830 = vector.shape_cast %swap3A_829 : vector<16xi32> to vector<16xi32>
    %swap3A_831 = vector.shape_cast %add3A_827 : vector<16xi32> to vector<16xi32>
    tpu.vector_store %arg6[%swap3A_828], %swap3A_831 {strides = array<i32>} : memref<3072xi32, #tpu.memory_space<vmem>>, vector<16xi32>,
    %add3A_832 = arith.constant 30932992 : i32
    %add3A_833 = vector.broadcast %add3A_832 : i32 to vector<16xi32>
    %add3A_834 = arith.addi %get3A_6, %add3A_833 : vector<16xi32>
    %swap3A_835 = arith.constant 1888 : index
    %swap3A_836 = tpu.vector_load %arg6[%swap3A_835] {strides = array<i32>} : memref<3072xi32, #tpu.memory_space<vmem>>, vector<16xi32>,
    %swap3A_837 = vector.shape_cast %swap3A_836 : vector<16xi32> to vector<16xi32>
    %swap3A_838 = vector.shape_cast %add3A_834 : vector<16xi32> to vector<16xi32>
    tpu.vector_store %arg6[%swap3A_835], %swap3A_838 {strides = array<i32>} : memref<3072xi32, #tpu.memory_space<vmem>>, vector<16xi32>,
    %add3A_839 = arith.constant 31195136 : i32
    %add3A_840 = vector.broadcast %add3A_839 : i32 to vector<16xi32>
    %add3A_841 = arith.addi %get3A_6, %add3A_840 : vector<16xi32>
    %swap3A_842 = arith.constant 1904 : index
    %swap3A_843 = tpu.vector_load %arg6[%swap3A_842] {strides = array<i32>} : memref<3072xi32, #tpu.memory_space<vmem>>, vector<16xi32>,
    %swap3A_844 = vector.shape_cast %swap3A_843 : vector<16xi32> to vector<16xi32>
    %swap3A_845 = vector.shape_cast %add3A_841 : vector<16xi32> to vector<16xi32>
    tpu.vector_store %arg6[%swap3A_842], %swap3A_845 {strides = array<i32>} : memref<3072xi32, #tpu.memory_space<vmem>>, vector<16xi32>,
    %add3A_846 = arith.constant 31457280 : i32
    %add3A_847 = vector.broadcast %add3A_846 : i32 to vector<16xi32>
    %add3A_848 = arith.addi %get3A_6, %add3A_847 : vector<16xi32>
    %swap3A_849 = arith.constant 1920 : index
    %swap3A_850 = tpu.vector_load %arg6[%swap3A_849] {strides = array<i32>} : memref<3072xi32, #tpu.memory_space<vmem>>, vector<16xi32>,
    %swap3A_851 = vector.shape_cast %swap3A_850 : vector<16xi32> to vector<16xi32>
    %swap3A_852 = vector.shape_cast %add3A_848 : vector<16xi32> to vector<16xi32>
    tpu.vector_store %arg6[%swap3A_849], %swap3A_852 {strides = array<i32>} : memref<3072xi32, #tpu.memory_space<vmem>>, vector<16xi32>,
    %add3A_853 = arith.constant 31719424 : i32
    %add3A_854 = vector.broadcast %add3A_853 : i32 to vector<16xi32>
    %add3A_855 = arith.addi %get3A_6, %add3A_854 : vector<16xi32>
    %swap3A_856 = arith.constant 1936 : index
    %swap3A_857 = tpu.vector_load %arg6[%swap3A_856] {strides = array<i32>} : memref<3072xi32, #tpu.memory_space<vmem>>, vector<16xi32>,
    %swap3A_858 = vector.shape_cast %swap3A_857 : vector<16xi32> to vector<16xi32>
    %swap3A_859 = vector.shape_cast %add3A_855 : vector<16xi32> to vector<16xi32>
    tpu.vector_store %arg6[%swap3A_856], %swap3A_859 {strides = array<i32>} : memref<3072xi32, #tpu.memory_space<vmem>>, vector<16xi32>,
    %add3A_860 = arith.constant 31981568 : i32
    %add3A_861 = vector.broadcast %add3A_860 : i32 to vector<16xi32>
    %add3A_862 = arith.addi %get3A_6, %add3A_861 : vector<16xi32>
    %swap3A_863 = arith.constant 1952 : index
    %swap3A_864 = tpu.vector_load %arg6[%swap3A_863] {strides = array<i32>} : memref<3072xi32, #tpu.memory_space<vmem>>, vector<16xi32>,
    %swap3A_865 = vector.shape_cast %swap3A_864 : vector<16xi32> to vector<16xi32>
    %swap3A_866 = vector.shape_cast %add3A_862 : vector<16xi32> to vector<16xi32>
    tpu.vector_store %arg6[%swap3A_863], %swap3A_866 {strides = array<i32>} : memref<3072xi32, #tpu.memory_space<vmem>>, vector<16xi32>,
    %add3A_867 = arith.constant 32243712 : i32
    %add3A_868 = vector.broadcast %add3A_867 : i32 to vector<16xi32>
    %add3A_869 = arith.addi %get3A_6, %add3A_868 : vector<16xi32>
    %swap3A_870 = arith.constant 1968 : index
    %swap3A_871 = tpu.vector_load %arg6[%swap3A_870] {strides = array<i32>} : memref<3072xi32, #tpu.memory_space<vmem>>, vector<16xi32>,
    %swap3A_872 = vector.shape_cast %swap3A_871 : vector<16xi32> to vector<16xi32>
    %swap3A_873 = vector.shape_cast %add3A_869 : vector<16xi32> to vector<16xi32>
    tpu.vector_store %arg6[%swap3A_870], %swap3A_873 {strides = array<i32>} : memref<3072xi32, #tpu.memory_space<vmem>>, vector<16xi32>,
    %add3A_874 = arith.constant 32505856 : i32
    %add3A_875 = vector.broadcast %add3A_874 : i32 to vector<16xi32>
    %add3A_876 = arith.addi %get3A_6, %add3A_875 : vector<16xi32>
    %swap3A_877 = arith.constant 1984 : index
    %swap3A_878 = tpu.vector_load %arg6[%swap3A_877] {strides = array<i32>} : memref<3072xi32, #tpu.memory_space<vmem>>, vector<16xi32>,
    %swap3A_879 = vector.shape_cast %swap3A_878 : vector<16xi32> to vector<16xi32>
    %swap3A_880 = vector.shape_cast %add3A_876 : vector<16xi32> to vector<16xi32>
    tpu.vector_store %arg6[%swap3A_877], %swap3A_880 {strides = array<i32>} : memref<3072xi32, #tpu.memory_space<vmem>>, vector<16xi32>,
    %add3A_881 = arith.constant 32768000 : i32
    %add3A_882 = vector.broadcast %add3A_881 : i32 to vector<16xi32>
    %add3A_883 = arith.addi %get3A_6, %add3A_882 : vector<16xi32>
    %swap3A_884 = arith.constant 2000 : index
    %swap3A_885 = tpu.vector_load %arg6[%swap3A_884] {strides = array<i32>} : memref<3072xi32, #tpu.memory_space<vmem>>, vector<16xi32>,
    %swap3A_886 = vector.shape_cast %swap3A_885 : vector<16xi32> to vector<16xi32>
    %swap3A_887 = vector.shape_cast %add3A_883 : vector<16xi32> to vector<16xi32>
    tpu.vector_store %arg6[%swap3A_884], %swap3A_887 {strides = array<i32>} : memref<3072xi32, #tpu.memory_space<vmem>>, vector<16xi32>,
    %add3A_888 = arith.constant 33030144 : i32
    %add3A_889 = vector.broadcast %add3A_888 : i32 to vector<16xi32>
    %add3A_890 = arith.addi %get3A_6, %add3A_889 : vector<16xi32>
    %swap3A_891 = arith.constant 2016 : index
    %swap3A_892 = tpu.vector_load %arg6[%swap3A_891] {strides = array<i32>} : memref<3072xi32, #tpu.memory_space<vmem>>, vector<16xi32>,
    %swap3A_893 = vector.shape_cast %swap3A_892 : vector<16xi32> to vector<16xi32>
    %swap3A_894 = vector.shape_cast %add3A_890 : vector<16xi32> to vector<16xi32>
    tpu.vector_store %arg6[%swap3A_891], %swap3A_894 {strides = array<i32>} : memref<3072xi32, #tpu.memory_space<vmem>>, vector<16xi32>,
    %add3A_895 = arith.constant 33292288 : i32
    %add3A_896 = vector.broadcast %add3A_895 : i32 to vector<16xi32>
    %add3A_897 = arith.addi %get3A_6, %add3A_896 : vector<16xi32>
    %swap3A_898 = arith.constant 2032 : index
    %swap3A_899 = tpu.vector_load %arg6[%swap3A_898] {strides = array<i32>} : memref<3072xi32, #tpu.memory_space<vmem>>, vector<16xi32>,
    %swap3A_900 = vector.shape_cast %swap3A_899 : vector<16xi32> to vector<16xi32>
    %swap3A_901 = vector.shape_cast %add3A_897 : vector<16xi32> to vector<16xi32>
    tpu.vector_store %arg6[%swap3A_898], %swap3A_901 {strides = array<i32>} : memref<3072xi32, #tpu.memory_space<vmem>>, vector<16xi32>,
    %add3A_902 = arith.constant 33554432 : i32
    %add3A_903 = vector.broadcast %add3A_902 : i32 to vector<16xi32>
    %add3A_904 = arith.addi %get3A_6, %add3A_903 : vector<16xi32>
    %swap3A_905 = arith.constant 2048 : index
    %swap3A_906 = tpu.vector_load %arg6[%swap3A_905] {strides = array<i32>} : memref<3072xi32, #tpu.memory_space<vmem>>, vector<16xi32>,
    %swap3A_907 = vector.shape_cast %swap3A_906 : vector<16xi32> to vector<16xi32>
    %swap3A_908 = vector.shape_cast %add3A_904 : vector<16xi32> to vector<16xi32>
    tpu.vector_store %arg6[%swap3A_905], %swap3A_908 {strides = array<i32>} : memref<3072xi32, #tpu.memory_space<vmem>>, vector<16xi32>,
    %add3A_909 = arith.constant 33816576 : i32
    %add3A_910 = vector.broadcast %add3A_909 : i32 to vector<16xi32>
    %add3A_911 = arith.addi %get3A_6, %add3A_910 : vector<16xi32>
    %swap3A_912 = arith.constant 2064 : index
    %swap3A_913 = tpu.vector_load %arg6[%swap3A_912] {strides = array<i32>} : memref<3072xi32, #tpu.memory_space<vmem>>, vector<16xi32>,
    %swap3A_914 = vector.shape_cast %swap3A_913 : vector<16xi32> to vector<16xi32>
    %swap3A_915 = vector.shape_cast %add3A_911 : vector<16xi32> to vector<16xi32>
    tpu.vector_store %arg6[%swap3A_912], %swap3A_915 {strides = array<i32>} : memref<3072xi32, #tpu.memory_space<vmem>>, vector<16xi32>,
    %add3A_916 = arith.constant 34078720 : i32
    %add3A_917 = vector.broadcast %add3A_916 : i32 to vector<16xi32>
    %add3A_918 = arith.addi %get3A_6, %add3A_917 : vector<16xi32>
    %swap3A_919 = arith.constant 2080 : index
    %swap3A_920 = tpu.vector_load %arg6[%swap3A_919] {strides = array<i32>} : memref<3072xi32, #tpu.memory_space<vmem>>, vector<16xi32>,
    %swap3A_921 = vector.shape_cast %swap3A_920 : vector<16xi32> to vector<16xi32>
    %swap3A_922 = vector.shape_cast %add3A_918 : vector<16xi32> to vector<16xi32>
    tpu.vector_store %arg6[%swap3A_919], %swap3A_922 {strides = array<i32>} : memref<3072xi32, #tpu.memory_space<vmem>>, vector<16xi32>,
    %add3A_923 = arith.constant 34340864 : i32
    %add3A_924 = vector.broadcast %add3A_923 : i32 to vector<16xi32>
    %add3A_925 = arith.addi %get3A_6, %add3A_924 : vector<16xi32>
    %swap3A_926 = arith.constant 2096 : index
    %swap3A_927 = tpu.vector_load %arg6[%swap3A_926] {strides = array<i32>} : memref<3072xi32, #tpu.memory_space<vmem>>, vector<16xi32>,
    %swap3A_928 = vector.shape_cast %swap3A_927 : vector<16xi32> to vector<16xi32>
    %swap3A_929 = vector.shape_cast %add3A_925 : vector<16xi32> to vector<16xi32>
    tpu.vector_store %arg6[%swap3A_926], %swap3A_929 {strides = array<i32>} : memref<3072xi32, #tpu.memory_space<vmem>>, vector<16xi32>,
    %add3A_930 = arith.constant 34603008 : i32
    %add3A_931 = vector.broadcast %add3A_930 : i32 to vector<16xi32>
    %add3A_932 = arith.addi %get3A_6, %add3A_931 : vector<16xi32>
    %swap3A_933 = arith.constant 2112 : index
    %swap3A_934 = tpu.vector_load %arg6[%swap3A_933] {strides = array<i32>} : memref<3072xi32, #tpu.memory_space<vmem>>, vector<16xi32>,
    %swap3A_935 = vector.shape_cast %swap3A_934 : vector<16xi32> to vector<16xi32>
    %swap3A_936 = vector.shape_cast %add3A_932 : vector<16xi32> to vector<16xi32>
    tpu.vector_store %arg6[%swap3A_933], %swap3A_936 {strides = array<i32>} : memref<3072xi32, #tpu.memory_space<vmem>>, vector<16xi32>,
    %add3A_937 = arith.constant 34865152 : i32
    %add3A_938 = vector.broadcast %add3A_937 : i32 to vector<16xi32>
    %add3A_939 = arith.addi %get3A_6, %add3A_938 : vector<16xi32>
    %swap3A_940 = arith.constant 2128 : index
    %swap3A_941 = tpu.vector_load %arg6[%swap3A_940] {strides = array<i32>} : memref<3072xi32, #tpu.memory_space<vmem>>, vector<16xi32>,
    %swap3A_942 = vector.shape_cast %swap3A_941 : vector<16xi32> to vector<16xi32>
    %swap3A_943 = vector.shape_cast %add3A_939 : vector<16xi32> to vector<16xi32>
    tpu.vector_store %arg6[%swap3A_940], %swap3A_943 {strides = array<i32>} : memref<3072xi32, #tpu.memory_space<vmem>>, vector<16xi32>,
    %add3A_944 = arith.constant 35127296 : i32
    %add3A_945 = vector.broadcast %add3A_944 : i32 to vector<16xi32>
    %add3A_946 = arith.addi %get3A_6, %add3A_945 : vector<16xi32>
    %swap3A_947 = arith.constant 2144 : index
    %swap3A_948 = tpu.vector_load %arg6[%swap3A_947] {strides = array<i32>} : memref<3072xi32, #tpu.memory_space<vmem>>, vector<16xi32>,
    %swap3A_949 = vector.shape_cast %swap3A_948 : vector<16xi32> to vector<16xi32>
    %swap3A_950 = vector.shape_cast %add3A_946 : vector<16xi32> to vector<16xi32>
    tpu.vector_store %arg6[%swap3A_947], %swap3A_950 {strides = array<i32>} : memref<3072xi32, #tpu.memory_space<vmem>>, vector<16xi32>,
    %add3A_951 = arith.constant 35389440 : i32
    %add3A_952 = vector.broadcast %add3A_951 : i32 to vector<16xi32>
    %add3A_953 = arith.addi %get3A_6, %add3A_952 : vector<16xi32>
    %swap3A_954 = arith.constant 2160 : index
    %swap3A_955 = tpu.vector_load %arg6[%swap3A_954] {strides = array<i32>} : memref<3072xi32, #tpu.memory_space<vmem>>, vector<16xi32>,
    %swap3A_956 = vector.shape_cast %swap3A_955 : vector<16xi32> to vector<16xi32>
    %swap3A_957 = vector.shape_cast %add3A_953 : vector<16xi32> to vector<16xi32>
    tpu.vector_store %arg6[%swap3A_954], %swap3A_957 {strides = array<i32>} : memref<3072xi32, #tpu.memory_space<vmem>>, vector<16xi32>,
    %add3A_958 = arith.constant 35651584 : i32
    %add3A_959 = vector.broadcast %add3A_958 : i32 to vector<16xi32>
    %add3A_960 = arith.addi %get3A_6, %add3A_959 : vector<16xi32>
    %swap3A_961 = arith.constant 2176 : index
    %swap3A_962 = tpu.vector_load %arg6[%swap3A_961] {strides = array<i32>} : memref<3072xi32, #tpu.memory_space<vmem>>, vector<16xi32>,
    %swap3A_963 = vector.shape_cast %swap3A_962 : vector<16xi32> to vector<16xi32>
    %swap3A_964 = vector.shape_cast %add3A_960 : vector<16xi32> to vector<16xi32>
    tpu.vector_store %arg6[%swap3A_961], %swap3A_964 {strides = array<i32>} : memref<3072xi32, #tpu.memory_space<vmem>>, vector<16xi32>,
    %add3A_965 = arith.constant 35913728 : i32
    %add3A_966 = vector.broadcast %add3A_965 : i32 to vector<16xi32>
    %add3A_967 = arith.addi %get3A_6, %add3A_966 : vector<16xi32>
    %swap3A_968 = arith.constant 2192 : index
    %swap3A_969 = tpu.vector_load %arg6[%swap3A_968] {strides = array<i32>} : memref<3072xi32, #tpu.memory_space<vmem>>, vector<16xi32>,
    %swap3A_970 = vector.shape_cast %swap3A_969 : vector<16xi32> to vector<16xi32>
    %swap3A_971 = vector.shape_cast %add3A_967 : vector<16xi32> to vector<16xi32>
    tpu.vector_store %arg6[%swap3A_968], %swap3A_971 {strides = array<i32>} : memref<3072xi32, #tpu.memory_space<vmem>>, vector<16xi32>,
    %add3A_972 = arith.constant 36175872 : i32
    %add3A_973 = vector.broadcast %add3A_972 : i32 to vector<16xi32>
    %add3A_974 = arith.addi %get3A_6, %add3A_973 : vector<16xi32>
    %swap3A_975 = arith.constant 2208 : index
    %swap3A_976 = tpu.vector_load %arg6[%swap3A_975] {strides = array<i32>} : memref<3072xi32, #tpu.memory_space<vmem>>, vector<16xi32>,
    %swap3A_977 = vector.shape_cast %swap3A_976 : vector<16xi32> to vector<16xi32>
    %swap3A_978 = vector.shape_cast %add3A_974 : vector<16xi32> to vector<16xi32>
    tpu.vector_store %arg6[%swap3A_975], %swap3A_978 {strides = array<i32>} : memref<3072xi32, #tpu.memory_space<vmem>>, vector<16xi32>,
    %add3A_979 = arith.constant 36438016 : i32
    %add3A_980 = vector.broadcast %add3A_979 : i32 to vector<16xi32>
    %add3A_981 = arith.addi %get3A_6, %add3A_980 : vector<16xi32>
    %swap3A_982 = arith.constant 2224 : index
    %swap3A_983 = tpu.vector_load %arg6[%swap3A_982] {strides = array<i32>} : memref<3072xi32, #tpu.memory_space<vmem>>, vector<16xi32>,
    %swap3A_984 = vector.shape_cast %swap3A_983 : vector<16xi32> to vector<16xi32>
    %swap3A_985 = vector.shape_cast %add3A_981 : vector<16xi32> to vector<16xi32>
    tpu.vector_store %arg6[%swap3A_982], %swap3A_985 {strides = array<i32>} : memref<3072xi32, #tpu.memory_space<vmem>>, vector<16xi32>,
    %add3A_986 = arith.constant 36700160 : i32
    %add3A_987 = vector.broadcast %add3A_986 : i32 to vector<16xi32>
    %add3A_988 = arith.addi %get3A_6, %add3A_987 : vector<16xi32>
    %swap3A_989 = arith.constant 2240 : index
    %swap3A_990 = tpu.vector_load %arg6[%swap3A_989] {strides = array<i32>} : memref<3072xi32, #tpu.memory_space<vmem>>, vector<16xi32>,
    %swap3A_991 = vector.shape_cast %swap3A_990 : vector<16xi32> to vector<16xi32>
    %swap3A_992 = vector.shape_cast %add3A_988 : vector<16xi32> to vector<16xi32>
    tpu.vector_store %arg6[%swap3A_989], %swap3A_992 {strides = array<i32>} : memref<3072xi32, #tpu.memory_space<vmem>>, vector<16xi32>,
    %add3A_993 = arith.constant 36962304 : i32
    %add3A_994 = vector.broadcast %add3A_993 : i32 to vector<16xi32>
    %add3A_995 = arith.addi %get3A_6, %add3A_994 : vector<16xi32>
    %swap3A_996 = arith.constant 2256 : index
    %swap3A_997 = tpu.vector_load %arg6[%swap3A_996] {strides = array<i32>} : memref<3072xi32, #tpu.memory_space<vmem>>, vector<16xi32>,
    %swap3A_998 = vector.shape_cast %swap3A_997 : vector<16xi32> to vector<16xi32>
    %swap3A_999 = vector.shape_cast %add3A_995 : vector<16xi32> to vector<16xi32>
    tpu.vector_store %arg6[%swap3A_996], %swap3A_999 {strides = array<i32>} : memref<3072xi32, #tpu.memory_space<vmem>>, vector<16xi32>,
    %add3A_1000 = arith.constant 37224448 : i32
    %add3A_1001 = vector.broadcast %add3A_1000 : i32 to vector<16xi32>
    %add3A_1002 = arith.addi %get3A_6, %add3A_1001 : vector<16xi32>
    %swap3A_1003 = arith.constant 2272 : index
    %swap3A_1004 = tpu.vector_load %arg6[%swap3A_1003] {strides = array<i32>} : memref<3072xi32, #tpu.memory_space<vmem>>, vector<16xi32>,
    %swap3A_1005 = vector.shape_cast %swap3A_1004 : vector<16xi32> to vector<16xi32>
    %swap3A_1006 = vector.shape_cast %add3A_1002 : vector<16xi32> to vector<16xi32>
    tpu.vector_store %arg6[%swap3A_1003], %swap3A_1006 {strides = array<i32>} : memref<3072xi32, #tpu.memory_space<vmem>>, vector<16xi32>,
    %add3A_1007 = arith.constant 37486592 : i32
    %add3A_1008 = vector.broadcast %add3A_1007 : i32 to vector<16xi32>
    %add3A_1009 = arith.addi %get3A_6, %add3A_1008 : vector<16xi32>
    %swap3A_1010 = arith.constant 2288 : index
    %swap3A_1011 = tpu.vector_load %arg6[%swap3A_1010] {strides = array<i32>} : memref<3072xi32, #tpu.memory_space<vmem>>, vector<16xi32>,
    %swap3A_1012 = vector.shape_cast %swap3A_1011 : vector<16xi32> to vector<16xi32>
    %swap3A_1013 = vector.shape_cast %add3A_1009 : vector<16xi32> to vector<16xi32>
    tpu.vector_store %arg6[%swap3A_1010], %swap3A_1013 {strides = array<i32>} : memref<3072xi32, #tpu.memory_space<vmem>>, vector<16xi32>,
    %add3A_1014 = arith.constant 37748736 : i32
    %add3A_1015 = vector.broadcast %add3A_1014 : i32 to vector<16xi32>
    %add3A_1016 = arith.addi %get3A_6, %add3A_1015 : vector<16xi32>
    %swap3A_1017 = arith.constant 2304 : index
    %swap3A_1018 = tpu.vector_load %arg6[%swap3A_1017] {strides = array<i32>} : memref<3072xi32, #tpu.memory_space<vmem>>, vector<16xi32>,
    %swap3A_1019 = vector.shape_cast %swap3A_1018 : vector<16xi32> to vector<16xi32>
    %swap3A_1020 = vector.shape_cast %add3A_1016 : vector<16xi32> to vector<16xi32>
    tpu.vector_store %arg6[%swap3A_1017], %swap3A_1020 {strides = array<i32>} : memref<3072xi32, #tpu.memory_space<vmem>>, vector<16xi32>,
    %add3A_1021 = arith.constant 38010880 : i32
    %add3A_1022 = vector.broadcast %add3A_1021 : i32 to vector<16xi32>
    %add3A_1023 = arith.addi %get3A_6, %add3A_1022 : vector<16xi32>
    %swap3A_1024 = arith.constant 2320 : index
    %swap3A_1025 = tpu.vector_load %arg6[%swap3A_1024] {strides = array<i32>} : memref<3072xi32, #tpu.memory_space<vmem>>, vector<16xi32>,
    %swap3A_1026 = vector.shape_cast %swap3A_1025 : vector<16xi32> to vector<16xi32>
    %swap3A_1027 = vector.shape_cast %add3A_1023 : vector<16xi32> to vector<16xi32>
    tpu.vector_store %arg6[%swap3A_1024], %swap3A_1027 {strides = array<i32>} : memref<3072xi32, #tpu.memory_space<vmem>>, vector<16xi32>,
    %add3A_1028 = arith.constant 38273024 : i32
    %add3A_1029 = vector.broadcast %add3A_1028 : i32 to vector<16xi32>
    %add3A_1030 = arith.addi %get3A_6, %add3A_1029 : vector<16xi32>
    %swap3A_1031 = arith.constant 2336 : index
    %swap3A_1032 = tpu.vector_load %arg6[%swap3A_1031] {strides = array<i32>} : memref<3072xi32, #tpu.memory_space<vmem>>, vector<16xi32>,
    %swap3A_1033 = vector.shape_cast %swap3A_1032 : vector<16xi32> to vector<16xi32>
    %swap3A_1034 = vector.shape_cast %add3A_1030 : vector<16xi32> to vector<16xi32>
    tpu.vector_store %arg6[%swap3A_1031], %swap3A_1034 {strides = array<i32>} : memref<3072xi32, #tpu.memory_space<vmem>>, vector<16xi32>,
    %add3A_1035 = arith.constant 38535168 : i32
    %add3A_1036 = vector.broadcast %add3A_1035 : i32 to vector<16xi32>
    %add3A_1037 = arith.addi %get3A_6, %add3A_1036 : vector<16xi32>
    %swap3A_1038 = arith.constant 2352 : index
    %swap3A_1039 = tpu.vector_load %arg6[%swap3A_1038] {strides = array<i32>} : memref<3072xi32, #tpu.memory_space<vmem>>, vector<16xi32>,
    %swap3A_1040 = vector.shape_cast %swap3A_1039 : vector<16xi32> to vector<16xi32>
    %swap3A_1041 = vector.shape_cast %add3A_1037 : vector<16xi32> to vector<16xi32>
    tpu.vector_store %arg6[%swap3A_1038], %swap3A_1041 {strides = array<i32>} : memref<3072xi32, #tpu.memory_space<vmem>>, vector<16xi32>,
    %add3A_1042 = arith.constant 38797312 : i32
    %add3A_1043 = vector.broadcast %add3A_1042 : i32 to vector<16xi32>
    %add3A_1044 = arith.addi %get3A_6, %add3A_1043 : vector<16xi32>
    %swap3A_1045 = arith.constant 2368 : index
    %swap3A_1046 = tpu.vector_load %arg6[%swap3A_1045] {strides = array<i32>} : memref<3072xi32, #tpu.memory_space<vmem>>, vector<16xi32>,
    %swap3A_1047 = vector.shape_cast %swap3A_1046 : vector<16xi32> to vector<16xi32>
    %swap3A_1048 = vector.shape_cast %add3A_1044 : vector<16xi32> to vector<16xi32>
    tpu.vector_store %arg6[%swap3A_1045], %swap3A_1048 {strides = array<i32>} : memref<3072xi32, #tpu.memory_space<vmem>>, vector<16xi32>,
    %add3A_1049 = arith.constant 39059456 : i32
    %add3A_1050 = vector.broadcast %add3A_1049 : i32 to vector<16xi32>
    %add3A_1051 = arith.addi %get3A_6, %add3A_1050 : vector<16xi32>
    %swap3A_1052 = arith.constant 2384 : index
    %swap3A_1053 = tpu.vector_load %arg6[%swap3A_1052] {strides = array<i32>} : memref<3072xi32, #tpu.memory_space<vmem>>, vector<16xi32>,
    %swap3A_1054 = vector.shape_cast %swap3A_1053 : vector<16xi32> to vector<16xi32>
    %swap3A_1055 = vector.shape_cast %add3A_1051 : vector<16xi32> to vector<16xi32>
    tpu.vector_store %arg6[%swap3A_1052], %swap3A_1055 {strides = array<i32>} : memref<3072xi32, #tpu.memory_space<vmem>>, vector<16xi32>,
    %add3A_1056 = arith.constant 39321600 : i32
    %add3A_1057 = vector.broadcast %add3A_1056 : i32 to vector<16xi32>
    %add3A_1058 = arith.addi %get3A_6, %add3A_1057 : vector<16xi32>
    %swap3A_1059 = arith.constant 2400 : index
    %swap3A_1060 = tpu.vector_load %arg6[%swap3A_1059] {strides = array<i32>} : memref<3072xi32, #tpu.memory_space<vmem>>, vector<16xi32>,
    %swap3A_1061 = vector.shape_cast %swap3A_1060 : vector<16xi32> to vector<16xi32>
    %swap3A_1062 = vector.shape_cast %add3A_1058 : vector<16xi32> to vector<16xi32>
    tpu.vector_store %arg6[%swap3A_1059], %swap3A_1062 {strides = array<i32>} : memref<3072xi32, #tpu.memory_space<vmem>>, vector<16xi32>,
    %add3A_1063 = arith.constant 39583744 : i32
    %add3A_1064 = vector.broadcast %add3A_1063 : i32 to vector<16xi32>
    %add3A_1065 = arith.addi %get3A_6, %add3A_1064 : vector<16xi32>
    %swap3A_1066 = arith.constant 2416 : index
    %swap3A_1067 = tpu.vector_load %arg6[%swap3A_1066] {strides = array<i32>} : memref<3072xi32, #tpu.memory_space<vmem>>, vector<16xi32>,
    %swap3A_1068 = vector.shape_cast %swap3A_1067 : vector<16xi32> to vector<16xi32>
    %swap3A_1069 = vector.shape_cast %add3A_1065 : vector<16xi32> to vector<16xi32>
    tpu.vector_store %arg6[%swap3A_1066], %swap3A_1069 {strides = array<i32>} : memref<3072xi32, #tpu.memory_space<vmem>>, vector<16xi32>,
    %add3A_1070 = arith.constant 39845888 : i32
    %add3A_1071 = vector.broadcast %add3A_1070 : i32 to vector<16xi32>
    %add3A_1072 = arith.addi %get3A_6, %add3A_1071 : vector<16xi32>
    %swap3A_1073 = arith.constant 2432 : index
    %swap3A_1074 = tpu.vector_load %arg6[%swap3A_1073] {strides = array<i32>} : memref<3072xi32, #tpu.memory_space<vmem>>, vector<16xi32>,
    %swap3A_1075 = vector.shape_cast %swap3A_1074 : vector<16xi32> to vector<16xi32>
    %swap3A_1076 = vector.shape_cast %add3A_1072 : vector<16xi32> to vector<16xi32>
    tpu.vector_store %arg6[%swap3A_1073], %swap3A_1076 {strides = array<i32>} : memref<3072xi32, #tpu.memory_space<vmem>>, vector<16xi32>,
    %add3A_1077 = arith.constant 40108032 : i32
    %add3A_1078 = vector.broadcast %add3A_1077 : i32 to vector<16xi32>
    %add3A_1079 = arith.addi %get3A_6, %add3A_1078 : vector<16xi32>
    %swap3A_1080 = arith.constant 2448 : index
    %swap3A_1081 = tpu.vector_load %arg6[%swap3A_1080] {strides = array<i32>} : memref<3072xi32, #tpu.memory_space<vmem>>, vector<16xi32>,
    %swap3A_1082 = vector.shape_cast %swap3A_1081 : vector<16xi32> to vector<16xi32>
    %swap3A_1083 = vector.shape_cast %add3A_1079 : vector<16xi32> to vector<16xi32>
    tpu.vector_store %arg6[%swap3A_1080], %swap3A_1083 {strides = array<i32>} : memref<3072xi32, #tpu.memory_space<vmem>>, vector<16xi32>,
    %add3A_1084 = arith.constant 40370176 : i32
    %add3A_1085 = vector.broadcast %add3A_1084 : i32 to vector<16xi32>
    %add3A_1086 = arith.addi %get3A_6, %add3A_1085 : vector<16xi32>
    %swap3A_1087 = arith.constant 2464 : index
    %swap3A_1088 = tpu.vector_load %arg6[%swap3A_1087] {strides = array<i32>} : memref<3072xi32, #tpu.memory_space<vmem>>, vector<16xi32>,
    %swap3A_1089 = vector.shape_cast %swap3A_1088 : vector<16xi32> to vector<16xi32>
    %swap3A_1090 = vector.shape_cast %add3A_1086 : vector<16xi32> to vector<16xi32>
    tpu.vector_store %arg6[%swap3A_1087], %swap3A_1090 {strides = array<i32>} : memref<3072xi32, #tpu.memory_space<vmem>>, vector<16xi32>,
    %add3A_1091 = arith.constant 40632320 : i32
    %add3A_1092 = vector.broadcast %add3A_1091 : i32 to vector<16xi32>
    %add3A_1093 = arith.addi %get3A_6, %add3A_1092 : vector<16xi32>
    %swap3A_1094 = arith.constant 2480 : index
    %swap3A_1095 = tpu.vector_load %arg6[%swap3A_1094] {strides = array<i32>} : memref<3072xi32, #tpu.memory_space<vmem>>, vector<16xi32>,
    %swap3A_1096 = vector.shape_cast %swap3A_1095 : vector<16xi32> to vector<16xi32>
    %swap3A_1097 = vector.shape_cast %add3A_1093 : vector<16xi32> to vector<16xi32>
    tpu.vector_store %arg6[%swap3A_1094], %swap3A_1097 {strides = array<i32>} : memref<3072xi32, #tpu.memory_space<vmem>>, vector<16xi32>,
    %add3A_1098 = arith.constant 40894464 : i32
    %add3A_1099 = vector.broadcast %add3A_1098 : i32 to vector<16xi32>
    %add3A_1100 = arith.addi %get3A_6, %add3A_1099 : vector<16xi32>
    %swap3A_1101 = arith.constant 2496 : index
    %swap3A_1102 = tpu.vector_load %arg6[%swap3A_1101] {strides = array<i32>} : memref<3072xi32, #tpu.memory_space<vmem>>, vector<16xi32>,
    %swap3A_1103 = vector.shape_cast %swap3A_1102 : vector<16xi32> to vector<16xi32>
    %swap3A_1104 = vector.shape_cast %add3A_1100 : vector<16xi32> to vector<16xi32>
    tpu.vector_store %arg6[%swap3A_1101], %swap3A_1104 {strides = array<i32>} : memref<3072xi32, #tpu.memory_space<vmem>>, vector<16xi32>,
    %add3A_1105 = arith.constant 41156608 : i32
    %add3A_1106 = vector.broadcast %add3A_1105 : i32 to vector<16xi32>
    %add3A_1107 = arith.addi %get3A_6, %add3A_1106 : vector<16xi32>
    %swap3A_1108 = arith.constant 2512 : index
    %swap3A_1109 = tpu.vector_load %arg6[%swap3A_1108] {strides = array<i32>} : memref<3072xi32, #tpu.memory_space<vmem>>, vector<16xi32>,
    %swap3A_1110 = vector.shape_cast %swap3A_1109 : vector<16xi32> to vector<16xi32>
    %swap3A_1111 = vector.shape_cast %add3A_1107 : vector<16xi32> to vector<16xi32>
    tpu.vector_store %arg6[%swap3A_1108], %swap3A_1111 {strides = array<i32>} : memref<3072xi32, #tpu.memory_space<vmem>>, vector<16xi32>,
    %add3A_1112 = arith.constant 41418752 : i32
    %add3A_1113 = vector.broadcast %add3A_1112 : i32 to vector<16xi32>
    %add3A_1114 = arith.addi %get3A_6, %add3A_1113 : vector<16xi32>
    %swap3A_1115 = arith.constant 2528 : index
    %swap3A_1116 = tpu.vector_load %arg6[%swap3A_1115] {strides = array<i32>} : memref<3072xi32, #tpu.memory_space<vmem>>, vector<16xi32>,
    %swap3A_1117 = vector.shape_cast %swap3A_1116 : vector<16xi32> to vector<16xi32>
    %swap3A_1118 = vector.shape_cast %add3A_1114 : vector<16xi32> to vector<16xi32>
    tpu.vector_store %arg6[%swap3A_1115], %swap3A_1118 {strides = array<i32>} : memref<3072xi32, #tpu.memory_space<vmem>>, vector<16xi32>,
    %add3A_1119 = arith.constant 41680896 : i32
    %add3A_1120 = vector.broadcast %add3A_1119 : i32 to vector<16xi32>
    %add3A_1121 = arith.addi %get3A_6, %add3A_1120 : vector<16xi32>
    %swap3A_1122 = arith.constant 2544 : index
    %swap3A_1123 = tpu.vector_load %arg6[%swap3A_1122] {strides = array<i32>} : memref<3072xi32, #tpu.memory_space<vmem>>, vector<16xi32>,
    %swap3A_1124 = vector.shape_cast %swap3A_1123 : vector<16xi32> to vector<16xi32>
    %swap3A_1125 = vector.shape_cast %add3A_1121 : vector<16xi32> to vector<16xi32>
    tpu.vector_store %arg6[%swap3A_1122], %swap3A_1125 {strides = array<i32>} : memref<3072xi32, #tpu.memory_space<vmem>>, vector<16xi32>,
    %add3A_1126 = arith.constant 41943040 : i32
    %add3A_1127 = vector.broadcast %add3A_1126 : i32 to vector<16xi32>
    %add3A_1128 = arith.addi %get3A_6, %add3A_1127 : vector<16xi32>
    %swap3A_1129 = arith.constant 2560 : index
    %swap3A_1130 = tpu.vector_load %arg6[%swap3A_1129] {strides = array<i32>} : memref<3072xi32, #tpu.memory_space<vmem>>, vector<16xi32>,
    %swap3A_1131 = vector.shape_cast %swap3A_1130 : vector<16xi32> to vector<16xi32>
    %swap3A_1132 = vector.shape_cast %add3A_1128 : vector<16xi32> to vector<16xi32>
    tpu.vector_store %arg6[%swap3A_1129], %swap3A_1132 {strides = array<i32>} : memref<3072xi32, #tpu.memory_space<vmem>>, vector<16xi32>,
    %add3A_1133 = arith.constant 42205184 : i32
    %add3A_1134 = vector.broadcast %add3A_1133 : i32 to vector<16xi32>
    %add3A_1135 = arith.addi %get3A_6, %add3A_1134 : vector<16xi32>
    %swap3A_1136 = arith.constant 2576 : index
    %swap3A_1137 = tpu.vector_load %arg6[%swap3A_1136] {strides = array<i32>} : memref<3072xi32, #tpu.memory_space<vmem>>, vector<16xi32>,
    %swap3A_1138 = vector.shape_cast %swap3A_1137 : vector<16xi32> to vector<16xi32>
    %swap3A_1139 = vector.shape_cast %add3A_1135 : vector<16xi32> to vector<16xi32>
    tpu.vector_store %arg6[%swap3A_1136], %swap3A_1139 {strides = array<i32>} : memref<3072xi32, #tpu.memory_space<vmem>>, vector<16xi32>,
    %add3A_1140 = arith.constant 42467328 : i32
    %add3A_1141 = vector.broadcast %add3A_1140 : i32 to vector<16xi32>
    %add3A_1142 = arith.addi %get3A_6, %add3A_1141 : vector<16xi32>
    %swap3A_1143 = arith.constant 2592 : index
    %swap3A_1144 = tpu.vector_load %arg6[%swap3A_1143] {strides = array<i32>} : memref<3072xi32, #tpu.memory_space<vmem>>, vector<16xi32>,
    %swap3A_1145 = vector.shape_cast %swap3A_1144 : vector<16xi32> to vector<16xi32>
    %swap3A_1146 = vector.shape_cast %add3A_1142 : vector<16xi32> to vector<16xi32>
    tpu.vector_store %arg6[%swap3A_1143], %swap3A_1146 {strides = array<i32>} : memref<3072xi32, #tpu.memory_space<vmem>>, vector<16xi32>,
    %add3A_1147 = arith.constant 42729472 : i32
    %add3A_1148 = vector.broadcast %add3A_1147 : i32 to vector<16xi32>
    %add3A_1149 = arith.addi %get3A_6, %add3A_1148 : vector<16xi32>
    %swap3A_1150 = arith.constant 2608 : index
    %swap3A_1151 = tpu.vector_load %arg6[%swap3A_1150] {strides = array<i32>} : memref<3072xi32, #tpu.memory_space<vmem>>, vector<16xi32>,
    %swap3A_1152 = vector.shape_cast %swap3A_1151 : vector<16xi32> to vector<16xi32>
    %swap3A_1153 = vector.shape_cast %add3A_1149 : vector<16xi32> to vector<16xi32>
    tpu.vector_store %arg6[%swap3A_1150], %swap3A_1153 {strides = array<i32>} : memref<3072xi32, #tpu.memory_space<vmem>>, vector<16xi32>,
    %add3A_1154 = arith.constant 42991616 : i32
    %add3A_1155 = vector.broadcast %add3A_1154 : i32 to vector<16xi32>
    %add3A_1156 = arith.addi %get3A_6, %add3A_1155 : vector<16xi32>
    %swap3A_1157 = arith.constant 2624 : index
    %swap3A_1158 = tpu.vector_load %arg6[%swap3A_1157] {strides = array<i32>} : memref<3072xi32, #tpu.memory_space<vmem>>, vector<16xi32>,
    %swap3A_1159 = vector.shape_cast %swap3A_1158 : vector<16xi32> to vector<16xi32>
    %swap3A_1160 = vector.shape_cast %add3A_1156 : vector<16xi32> to vector<16xi32>
    tpu.vector_store %arg6[%swap3A_1157], %swap3A_1160 {strides = array<i32>} : memref<3072xi32, #tpu.memory_space<vmem>>, vector<16xi32>,
    %add3A_1161 = arith.constant 43253760 : i32
    %add3A_1162 = vector.broadcast %add3A_1161 : i32 to vector<16xi32>
    %add3A_1163 = arith.addi %get3A_6, %add3A_1162 : vector<16xi32>
    %swap3A_1164 = arith.constant 2640 : index
    %swap3A_1165 = tpu.vector_load %arg6[%swap3A_1164] {strides = array<i32>} : memref<3072xi32, #tpu.memory_space<vmem>>, vector<16xi32>,
    %swap3A_1166 = vector.shape_cast %swap3A_1165 : vector<16xi32> to vector<16xi32>
    %swap3A_1167 = vector.shape_cast %add3A_1163 : vector<16xi32> to vector<16xi32>
    tpu.vector_store %arg6[%swap3A_1164], %swap3A_1167 {strides = array<i32>} : memref<3072xi32, #tpu.memory_space<vmem>>, vector<16xi32>,
    %add3A_1168 = arith.constant 43515904 : i32
    %add3A_1169 = vector.broadcast %add3A_1168 : i32 to vector<16xi32>
    %add3A_1170 = arith.addi %get3A_6, %add3A_1169 : vector<16xi32>
    %swap3A_1171 = arith.constant 2656 : index
    %swap3A_1172 = tpu.vector_load %arg6[%swap3A_1171] {strides = array<i32>} : memref<3072xi32, #tpu.memory_space<vmem>>, vector<16xi32>,
    %swap3A_1173 = vector.shape_cast %swap3A_1172 : vector<16xi32> to vector<16xi32>
    %swap3A_1174 = vector.shape_cast %add3A_1170 : vector<16xi32> to vector<16xi32>
    tpu.vector_store %arg6[%swap3A_1171], %swap3A_1174 {strides = array<i32>} : memref<3072xi32, #tpu.memory_space<vmem>>, vector<16xi32>,
    %add3A_1175 = arith.constant 43778048 : i32
    %add3A_1176 = vector.broadcast %add3A_1175 : i32 to vector<16xi32>
    %add3A_1177 = arith.addi %get3A_6, %add3A_1176 : vector<16xi32>
    %swap3A_1178 = arith.constant 2672 : index
    %swap3A_1179 = tpu.vector_load %arg6[%swap3A_1178] {strides = array<i32>} : memref<3072xi32, #tpu.memory_space<vmem>>, vector<16xi32>,
    %swap3A_1180 = vector.shape_cast %swap3A_1179 : vector<16xi32> to vector<16xi32>
    %swap3A_1181 = vector.shape_cast %add3A_1177 : vector<16xi32> to vector<16xi32>
    tpu.vector_store %arg6[%swap3A_1178], %swap3A_1181 {strides = array<i32>} : memref<3072xi32, #tpu.memory_space<vmem>>, vector<16xi32>,
    %add3A_1182 = arith.constant 44040192 : i32
    %add3A_1183 = vector.broadcast %add3A_1182 : i32 to vector<16xi32>
    %add3A_1184 = arith.addi %get3A_6, %add3A_1183 : vector<16xi32>
    %swap3A_1185 = arith.constant 2688 : index
    %swap3A_1186 = tpu.vector_load %arg6[%swap3A_1185] {strides = array<i32>} : memref<3072xi32, #tpu.memory_space<vmem>>, vector<16xi32>,
    %swap3A_1187 = vector.shape_cast %swap3A_1186 : vector<16xi32> to vector<16xi32>
    %swap3A_1188 = vector.shape_cast %add3A_1184 : vector<16xi32> to vector<16xi32>
    tpu.vector_store %arg6[%swap3A_1185], %swap3A_1188 {strides = array<i32>} : memref<3072xi32, #tpu.memory_space<vmem>>, vector<16xi32>,
    %add3A_1189 = arith.constant 44302336 : i32
    %add3A_1190 = vector.broadcast %add3A_1189 : i32 to vector<16xi32>
    %add3A_1191 = arith.addi %get3A_6, %add3A_1190 : vector<16xi32>
    %swap3A_1192 = arith.constant 2704 : index
    %swap3A_1193 = tpu.vector_load %arg6[%swap3A_1192] {strides = array<i32>} : memref<3072xi32, #tpu.memory_space<vmem>>, vector<16xi32>,
    %swap3A_1194 = vector.shape_cast %swap3A_1193 : vector<16xi32> to vector<16xi32>
    %swap3A_1195 = vector.shape_cast %add3A_1191 : vector<16xi32> to vector<16xi32>
    tpu.vector_store %arg6[%swap3A_1192], %swap3A_1195 {strides = array<i32>} : memref<3072xi32, #tpu.memory_space<vmem>>, vector<16xi32>,
    %add3A_1196 = arith.constant 44564480 : i32
    %add3A_1197 = vector.broadcast %add3A_1196 : i32 to vector<16xi32>
    %add3A_1198 = arith.addi %get3A_6, %add3A_1197 : vector<16xi32>
    %swap3A_1199 = arith.constant 2720 : index
    %swap3A_1200 = tpu.vector_load %arg6[%swap3A_1199] {strides = array<i32>} : memref<3072xi32, #tpu.memory_space<vmem>>, vector<16xi32>,
    %swap3A_1201 = vector.shape_cast %swap3A_1200 : vector<16xi32> to vector<16xi32>
    %swap3A_1202 = vector.shape_cast %add3A_1198 : vector<16xi32> to vector<16xi32>
    tpu.vector_store %arg6[%swap3A_1199], %swap3A_1202 {strides = array<i32>} : memref<3072xi32, #tpu.memory_space<vmem>>, vector<16xi32>,
    %add3A_1203 = arith.constant 44826624 : i32
    %add3A_1204 = vector.broadcast %add3A_1203 : i32 to vector<16xi32>
    %add3A_1205 = arith.addi %get3A_6, %add3A_1204 : vector<16xi32>
    %swap3A_1206 = arith.constant 2736 : index
    %swap3A_1207 = tpu.vector_load %arg6[%swap3A_1206] {strides = array<i32>} : memref<3072xi32, #tpu.memory_space<vmem>>, vector<16xi32>,
    %swap3A_1208 = vector.shape_cast %swap3A_1207 : vector<16xi32> to vector<16xi32>
    %swap3A_1209 = vector.shape_cast %add3A_1205 : vector<16xi32> to vector<16xi32>
    tpu.vector_store %arg6[%swap3A_1206], %swap3A_1209 {strides = array<i32>} : memref<3072xi32, #tpu.memory_space<vmem>>, vector<16xi32>,
    %add3A_1210 = arith.constant 45088768 : i32
    %add3A_1211 = vector.broadcast %add3A_1210 : i32 to vector<16xi32>
    %add3A_1212 = arith.addi %get3A_6, %add3A_1211 : vector<16xi32>
    %swap3A_1213 = arith.constant 2752 : index
    %swap3A_1214 = tpu.vector_load %arg6[%swap3A_1213] {strides = array<i32>} : memref<3072xi32, #tpu.memory_space<vmem>>, vector<16xi32>,
    %swap3A_1215 = vector.shape_cast %swap3A_1214 : vector<16xi32> to vector<16xi32>
    %swap3A_1216 = vector.shape_cast %add3A_1212 : vector<16xi32> to vector<16xi32>
    tpu.vector_store %arg6[%swap3A_1213], %swap3A_1216 {strides = array<i32>} : memref<3072xi32, #tpu.memory_space<vmem>>, vector<16xi32>,
    %add3A_1217 = arith.constant 45350912 : i32
    %add3A_1218 = vector.broadcast %add3A_1217 : i32 to vector<16xi32>
    %add3A_1219 = arith.addi %get3A_6, %add3A_1218 : vector<16xi32>
    %swap3A_1220 = arith.constant 2768 : index
    %swap3A_1221 = tpu.vector_load %arg6[%swap3A_1220] {strides = array<i32>} : memref<3072xi32, #tpu.memory_space<vmem>>, vector<16xi32>,
    %swap3A_1222 = vector.shape_cast %swap3A_1221 : vector<16xi32> to vector<16xi32>
    %swap3A_1223 = vector.shape_cast %add3A_1219 : vector<16xi32> to vector<16xi32>
    tpu.vector_store %arg6[%swap3A_1220], %swap3A_1223 {strides = array<i32>} : memref<3072xi32, #tpu.memory_space<vmem>>, vector<16xi32>,
    %add3A_1224 = arith.constant 45613056 : i32
    %add3A_1225 = vector.broadcast %add3A_1224 : i32 to vector<16xi32>
    %add3A_1226 = arith.addi %get3A_6, %add3A_1225 : vector<16xi32>
    %swap3A_1227 = arith.constant 2784 : index
    %swap3A_1228 = tpu.vector_load %arg6[%swap3A_1227] {strides = array<i32>} : memref<3072xi32, #tpu.memory_space<vmem>>, vector<16xi32>,
    %swap3A_1229 = vector.shape_cast %swap3A_1228 : vector<16xi32> to vector<16xi32>
    %swap3A_1230 = vector.shape_cast %add3A_1226 : vector<16xi32> to vector<16xi32>
    tpu.vector_store %arg6[%swap3A_1227], %swap3A_1230 {strides = array<i32>} : memref<3072xi32, #tpu.memory_space<vmem>>, vector<16xi32>,
    %add3A_1231 = arith.constant 45875200 : i32
    %add3A_1232 = vector.broadcast %add3A_1231 : i32 to vector<16xi32>
    %add3A_1233 = arith.addi %get3A_6, %add3A_1232 : vector<16xi32>
    %swap3A_1234 = arith.constant 2800 : index
    %swap3A_1235 = tpu.vector_load %arg6[%swap3A_1234] {strides = array<i32>} : memref<3072xi32, #tpu.memory_space<vmem>>, vector<16xi32>,
    %swap3A_1236 = vector.shape_cast %swap3A_1235 : vector<16xi32> to vector<16xi32>
    %swap3A_1237 = vector.shape_cast %add3A_1233 : vector<16xi32> to vector<16xi32>
    tpu.vector_store %arg6[%swap3A_1234], %swap3A_1237 {strides = array<i32>} : memref<3072xi32, #tpu.memory_space<vmem>>, vector<16xi32>,
    %add3A_1238 = arith.constant 46137344 : i32
    %add3A_1239 = vector.broadcast %add3A_1238 : i32 to vector<16xi32>
    %add3A_1240 = arith.addi %get3A_6, %add3A_1239 : vector<16xi32>
    %swap3A_1241 = arith.constant 2816 : index
    %swap3A_1242 = tpu.vector_load %arg6[%swap3A_1241] {strides = array<i32>} : memref<3072xi32, #tpu.memory_space<vmem>>, vector<16xi32>,
    %swap3A_1243 = vector.shape_cast %swap3A_1242 : vector<16xi32> to vector<16xi32>
    %swap3A_1244 = vector.shape_cast %add3A_1240 : vector<16xi32> to vector<16xi32>
    tpu.vector_store %arg6[%swap3A_1241], %swap3A_1244 {strides = array<i32>} : memref<3072xi32, #tpu.memory_space<vmem>>, vector<16xi32>,
    %add3A_1245 = arith.constant 46399488 : i32
    %add3A_1246 = vector.broadcast %add3A_1245 : i32 to vector<16xi32>
    %add3A_1247 = arith.addi %get3A_6, %add3A_1246 : vector<16xi32>
    %swap3A_1248 = arith.constant 2832 : index
    %swap3A_1249 = tpu.vector_load %arg6[%swap3A_1248] {strides = array<i32>} : memref<3072xi32, #tpu.memory_space<vmem>>, vector<16xi32>,
    %swap3A_1250 = vector.shape_cast %swap3A_1249 : vector<16xi32> to vector<16xi32>
    %swap3A_1251 = vector.shape_cast %add3A_1247 : vector<16xi32> to vector<16xi32>
    tpu.vector_store %arg6[%swap3A_1248], %swap3A_1251 {strides = array<i32>} : memref<3072xi32, #tpu.memory_space<vmem>>, vector<16xi32>,
    %add3A_1252 = arith.constant 46661632 : i32
    %add3A_1253 = vector.broadcast %add3A_1252 : i32 to vector<16xi32>
    %add3A_1254 = arith.addi %get3A_6, %add3A_1253 : vector<16xi32>
    %swap3A_1255 = arith.constant 2848 : index
    %swap3A_1256 = tpu.vector_load %arg6[%swap3A_1255] {strides = array<i32>} : memref<3072xi32, #tpu.memory_space<vmem>>, vector<16xi32>,
    %swap3A_1257 = vector.shape_cast %swap3A_1256 : vector<16xi32> to vector<16xi32>
    %swap3A_1258 = vector.shape_cast %add3A_1254 : vector<16xi32> to vector<16xi32>
    tpu.vector_store %arg6[%swap3A_1255], %swap3A_1258 {strides = array<i32>} : memref<3072xi32, #tpu.memory_space<vmem>>, vector<16xi32>,
    %add3A_1259 = arith.constant 46923776 : i32
    %add3A_1260 = vector.broadcast %add3A_1259 : i32 to vector<16xi32>
    %add3A_1261 = arith.addi %get3A_6, %add3A_1260 : vector<16xi32>
    %swap3A_1262 = arith.constant 2864 : index
    %swap3A_1263 = tpu.vector_load %arg6[%swap3A_1262] {strides = array<i32>} : memref<3072xi32, #tpu.memory_space<vmem>>, vector<16xi32>,
    %swap3A_1264 = vector.shape_cast %swap3A_1263 : vector<16xi32> to vector<16xi32>
    %swap3A_1265 = vector.shape_cast %add3A_1261 : vector<16xi32> to vector<16xi32>
    tpu.vector_store %arg6[%swap3A_1262], %swap3A_1265 {strides = array<i32>} : memref<3072xi32, #tpu.memory_space<vmem>>, vector<16xi32>,
    %add3A_1266 = arith.constant 47185920 : i32
    %add3A_1267 = vector.broadcast %add3A_1266 : i32 to vector<16xi32>
    %add3A_1268 = arith.addi %get3A_6, %add3A_1267 : vector<16xi32>
    %swap3A_1269 = arith.constant 2880 : index
    %swap3A_1270 = tpu.vector_load %arg6[%swap3A_1269] {strides = array<i32>} : memref<3072xi32, #tpu.memory_space<vmem>>, vector<16xi32>,
    %swap3A_1271 = vector.shape_cast %swap3A_1270 : vector<16xi32> to vector<16xi32>
    %swap3A_1272 = vector.shape_cast %add3A_1268 : vector<16xi32> to vector<16xi32>
    tpu.vector_store %arg6[%swap3A_1269], %swap3A_1272 {strides = array<i32>} : memref<3072xi32, #tpu.memory_space<vmem>>, vector<16xi32>,
    %add3A_1273 = arith.constant 47448064 : i32
    %add3A_1274 = vector.broadcast %add3A_1273 : i32 to vector<16xi32>
    %add3A_1275 = arith.addi %get3A_6, %add3A_1274 : vector<16xi32>
    %swap3A_1276 = arith.constant 2896 : index
    %swap3A_1277 = tpu.vector_load %arg6[%swap3A_1276] {strides = array<i32>} : memref<3072xi32, #tpu.memory_space<vmem>>, vector<16xi32>,
    %swap3A_1278 = vector.shape_cast %swap3A_1277 : vector<16xi32> to vector<16xi32>
    %swap3A_1279 = vector.shape_cast %add3A_1275 : vector<16xi32> to vector<16xi32>
    tpu.vector_store %arg6[%swap3A_1276], %swap3A_1279 {strides = array<i32>} : memref<3072xi32, #tpu.memory_space<vmem>>, vector<16xi32>,
    %add3A_1280 = arith.constant 47710208 : i32
    %add3A_1281 = vector.broadcast %add3A_1280 : i32 to vector<16xi32>
    %add3A_1282 = arith.addi %get3A_6, %add3A_1281 : vector<16xi32>
    %swap3A_1283 = arith.constant 2912 : index
    %swap3A_1284 = tpu.vector_load %arg6[%swap3A_1283] {strides = array<i32>} : memref<3072xi32, #tpu.memory_space<vmem>>, vector<16xi32>,
    %swap3A_1285 = vector.shape_cast %swap3A_1284 : vector<16xi32> to vector<16xi32>
    %swap3A_1286 = vector.shape_cast %add3A_1282 : vector<16xi32> to vector<16xi32>
    tpu.vector_store %arg6[%swap3A_1283], %swap3A_1286 {strides = array<i32>} : memref<3072xi32, #tpu.memory_space<vmem>>, vector<16xi32>,
    %add3A_1287 = arith.constant 47972352 : i32
    %add3A_1288 = vector.broadcast %add3A_1287 : i32 to vector<16xi32>
    %add3A_1289 = arith.addi %get3A_6, %add3A_1288 : vector<16xi32>
    %swap3A_1290 = arith.constant 2928 : index
    %swap3A_1291 = tpu.vector_load %arg6[%swap3A_1290] {strides = array<i32>} : memref<3072xi32, #tpu.memory_space<vmem>>, vector<16xi32>,
    %swap3A_1292 = vector.shape_cast %swap3A_1291 : vector<16xi32> to vector<16xi32>
    %swap3A_1293 = vector.shape_cast %add3A_1289 : vector<16xi32> to vector<16xi32>
    tpu.vector_store %arg6[%swap3A_1290], %swap3A_1293 {strides = array<i32>} : memref<3072xi32, #tpu.memory_space<vmem>>, vector<16xi32>,
    %add3A_1294 = arith.constant 48234496 : i32
    %add3A_1295 = vector.broadcast %add3A_1294 : i32 to vector<16xi32>
    %add3A_1296 = arith.addi %get3A_6, %add3A_1295 : vector<16xi32>
    %swap3A_1297 = arith.constant 2944 : index
    %swap3A_1298 = tpu.vector_load %arg6[%swap3A_1297] {strides = array<i32>} : memref<3072xi32, #tpu.memory_space<vmem>>, vector<16xi32>,
    %swap3A_1299 = vector.shape_cast %swap3A_1298 : vector<16xi32> to vector<16xi32>
    %swap3A_1300 = vector.shape_cast %add3A_1296 : vector<16xi32> to vector<16xi32>
    tpu.vector_store %arg6[%swap3A_1297], %swap3A_1300 {strides = array<i32>} : memref<3072xi32, #tpu.memory_space<vmem>>, vector<16xi32>,
    %add3A_1301 = arith.constant 48496640 : i32
    %add3A_1302 = vector.broadcast %add3A_1301 : i32 to vector<16xi32>
    %add3A_1303 = arith.addi %get3A_6, %add3A_1302 : vector<16xi32>
    %swap3A_1304 = arith.constant 2960 : index
    %swap3A_1305 = tpu.vector_load %arg6[%swap3A_1304] {strides = array<i32>} : memref<3072xi32, #tpu.memory_space<vmem>>, vector<16xi32>,
    %swap3A_1306 = vector.shape_cast %swap3A_1305 : vector<16xi32> to vector<16xi32>
    %swap3A_1307 = vector.shape_cast %add3A_1303 : vector<16xi32> to vector<16xi32>
    tpu.vector_store %arg6[%swap3A_1304], %swap3A_1307 {strides = array<i32>} : memref<3072xi32, #tpu.memory_space<vmem>>, vector<16xi32>,
    %add3A_1308 = arith.constant 48758784 : i32
    %add3A_1309 = vector.broadcast %add3A_1308 : i32 to vector<16xi32>
    %add3A_1310 = arith.addi %get3A_6, %add3A_1309 : vector<16xi32>
    %swap3A_1311 = arith.constant 2976 : index
    %swap3A_1312 = tpu.vector_load %arg6[%swap3A_1311] {strides = array<i32>} : memref<3072xi32, #tpu.memory_space<vmem>>, vector<16xi32>,
    %swap3A_1313 = vector.shape_cast %swap3A_1312 : vector<16xi32> to vector<16xi32>
    %swap3A_1314 = vector.shape_cast %add3A_1310 : vector<16xi32> to vector<16xi32>
    tpu.vector_store %arg6[%swap3A_1311], %swap3A_1314 {strides = array<i32>} : memref<3072xi32, #tpu.memory_space<vmem>>, vector<16xi32>,
    %add3A_1315 = arith.constant 49020928 : i32
    %add3A_1316 = vector.broadcast %add3A_1315 : i32 to vector<16xi32>
    %add3A_1317 = arith.addi %get3A_6, %add3A_1316 : vector<16xi32>
    %swap3A_1318 = arith.constant 2992 : index
    %swap3A_1319 = tpu.vector_load %arg6[%swap3A_1318] {strides = array<i32>} : memref<3072xi32, #tpu.memory_space<vmem>>, vector<16xi32>,
    %swap3A_1320 = vector.shape_cast %swap3A_1319 : vector<16xi32> to vector<16xi32>
    %swap3A_1321 = vector.shape_cast %add3A_1317 : vector<16xi32> to vector<16xi32>
    tpu.vector_store %arg6[%swap3A_1318], %swap3A_1321 {strides = array<i32>} : memref<3072xi32, #tpu.memory_space<vmem>>, vector<16xi32>,
    %add3A_1322 = arith.constant 49283072 : i32
    %add3A_1323 = vector.broadcast %add3A_1322 : i32 to vector<16xi32>
    %add3A_1324 = arith.addi %get3A_6, %add3A_1323 : vector<16xi32>
    %swap3A_1325 = arith.constant 3008 : index
    %swap3A_1326 = tpu.vector_load %arg6[%swap3A_1325] {strides = array<i32>} : memref<3072xi32, #tpu.memory_space<vmem>>, vector<16xi32>,
    %swap3A_1327 = vector.shape_cast %swap3A_1326 : vector<16xi32> to vector<16xi32>
    %swap3A_1328 = vector.shape_cast %add3A_1324 : vector<16xi32> to vector<16xi32>
    tpu.vector_store %arg6[%swap3A_1325], %swap3A_1328 {strides = array<i32>} : memref<3072xi32, #tpu.memory_space<vmem>>, vector<16xi32>,
    %add3A_1329 = arith.constant 49545216 : i32
    %add3A_1330 = vector.broadcast %add3A_1329 : i32 to vector<16xi32>
    %add3A_1331 = arith.addi %get3A_6, %add3A_1330 : vector<16xi32>
    %swap3A_1332 = arith.constant 3024 : index
    %swap3A_1333 = tpu.vector_load %arg6[%swap3A_1332] {strides = array<i32>} : memref<3072xi32, #tpu.memory_space<vmem>>, vector<16xi32>,
    %swap3A_1334 = vector.shape_cast %swap3A_1333 : vector<16xi32> to vector<16xi32>
    %swap3A_1335 = vector.shape_cast %add3A_1331 : vector<16xi32> to vector<16xi32>
    tpu.vector_store %arg6[%swap3A_1332], %swap3A_1335 {strides = array<i32>} : memref<3072xi32, #tpu.memory_space<vmem>>, vector<16xi32>,
    %add3A_1336 = arith.constant 49807360 : i32
    %add3A_1337 = vector.broadcast %add3A_1336 : i32 to vector<16xi32>
    %add3A_1338 = arith.addi %get3A_6, %add3A_1337 : vector<16xi32>
    %swap3A_1339 = arith.constant 3040 : index
    %swap3A_1340 = tpu.vector_load %arg6[%swap3A_1339] {strides = array<i32>} : memref<3072xi32, #tpu.memory_space<vmem>>, vector<16xi32>,
    %swap3A_1341 = vector.shape_cast %swap3A_1340 : vector<16xi32> to vector<16xi32>
    %swap3A_1342 = vector.shape_cast %add3A_1338 : vector<16xi32> to vector<16xi32>
    tpu.vector_store %arg6[%swap3A_1339], %swap3A_1342 {strides = array<i32>} : memref<3072xi32, #tpu.memory_space<vmem>>, vector<16xi32>,
    %add3A_1343 = arith.constant 50069504 : i32
    %add3A_1344 = vector.broadcast %add3A_1343 : i32 to vector<16xi32>
    %add3A_1345 = arith.addi %get3A_6, %add3A_1344 : vector<16xi32>
    %swap3A_1346 = arith.constant 3056 : index
    %swap3A_1347 = tpu.vector_load %arg6[%swap3A_1346] {strides = array<i32>} : memref<3072xi32, #tpu.memory_space<vmem>>, vector<16xi32>,
    %swap3A_1348 = vector.shape_cast %swap3A_1347 : vector<16xi32> to vector<16xi32>
    %swap3A_1349 = vector.shape_cast %add3A_1345 : vector<16xi32> to vector<16xi32>
    tpu.vector_store %arg6[%swap3A_1346], %swap3A_1349 {strides = array<i32>} : memref<3072xi32, #tpu.memory_space<vmem>>, vector<16xi32>,
    %scan3A = arith.constant 0 : i32
    %scan3A_1350 = arith.constant 0 : i32
    %scan3A_1351 = arith.constant 24 : i32
    %scan3A_1352 = arith.addi %scan3A_1350, %scan3A_1351 : i32
    %scan3A_1353 = arith.constant 1 : i32
    scf.for %scan3A_1355 = %scan3A_1350 to %scan3A_1352 step %scan3A_1353  : i32 {
      %mul3A_1356 = arith.constant 128 : i32
      %mul3A_1357 = arith.muli %scan3A_1355, %mul3A_1356 : i32
      %dma_start3A = tpu.memref_slice %arg7[%mul3A_1357] : memref<3072xf32, #tpu.memory_space<vmem>> -> memref<128xf32, #tpu.memory_space<vmem>>
      %dma_start3A_1358 = tpu.memref_slice %arg6[%mul3A_1357] : memref<3072xi32, #tpu.memory_space<vmem>> -> memref<128xi32, #tpu.memory_space<vmem>>
      %dma_start3A_1359 = arith.constant 0 : i32
      %dma_start3A_1360 = tpu.memref_slice %arg3[%dma_start3A_1359] : memref<50331648xf32, #tpu.memory_space<hbm>> -> memref<50331648xf32, #tpu.memory_space<hbm>>
      tpu.enqueue_indirect_dma source(%dma_start3A_1360 : memref<50331648xf32, #tpu.memory_space<hbm>>) target(%dma_start3A : memref<128xf32, #tpu.memory_space<vmem>>) offsets(%dma_start3A_1358 : memref<128xi32, #tpu.memory_space<vmem>>) semaphore(%arg8 : memref<!tpu.dma_semaphore, #tpu.memory_space<semaphore_mem>>)
      %dma_wait3A = tpu.memref_slice %arg7[%mul3A_1357] : memref<3072xf32, #tpu.memory_space<vmem>> -> memref<128xf32, #tpu.memory_space<vmem>>
      %dma_wait3A_1361 = tpu.memref_slice %arg6[%mul3A_1357] : memref<3072xi32, #tpu.memory_space<vmem>> -> memref<128xi32, #tpu.memory_space<vmem>>
      %dma_wait3A_1362 = arith.constant 0 : i32
      %dma_wait3A_1363 = tpu.memref_slice %arg3[%dma_wait3A_1362] : memref<50331648xf32, #tpu.memory_space<hbm>> -> memref<50331648xf32, #tpu.memory_space<hbm>>
      tpu.wait_indirect_dma semaphore(%arg8 : memref<!tpu.dma_semaphore, #tpu.memory_space<semaphore_mem>>) src(%dma_wait3A_1363 : memref<50331648xf32, #tpu.memory_space<hbm>>) dst(%dma_wait3A : memref<128xf32, #tpu.memory_space<vmem>>)
    }
    %scan3A_1354 = arith.constant 24 : i32
    "tpu.region"() ({
      %run_scoped3A = tpu.sem_alloc : memref<!tpu.dma_semaphore, #tpu.memory_space<semaphore_mem>>
      %dma_start3A = tpu.memref_slice %arg4[%mul3A_2] : memref<98304xf32, #tpu.memory_space<hbm>> -> memref<3072xf32, #tpu.memory_space<hbm>>
      %dma_start3A_1355 = tpu.memref_slice %arg4[%mul3A_2] : memref<98304xf32, #tpu.memory_space<hbm>> -> memref<3072xf32, #tpu.memory_space<hbm>>
      tpu.enqueue_dma source(%arg7 : memref<3072xf32, #tpu.memory_space<vmem>>) target(%dma_start3A_1355 : memref<3072xf32, #tpu.memory_space<hbm>>) target_semaphore(%run_scoped3A : memref<!tpu.dma_semaphore, #tpu.memory_space<semaphore_mem>>)
      %dma_wait3A = tpu.memref_slice %arg4[%mul3A_2] : memref<98304xf32, #tpu.memory_space<hbm>> -> memref<3072xf32, #tpu.memory_space<hbm>>
      %dma_wait3A_1356 = tpu.memref_slice %arg4[%mul3A_2] : memref<98304xf32, #tpu.memory_space<hbm>> -> memref<3072xf32, #tpu.memory_space<hbm>>
      tpu.wait_dma2 semaphore(%run_scoped3A : memref<!tpu.dma_semaphore, #tpu.memory_space<semaphore_mem>>) src(%arg7 : memref<3072xf32, #tpu.memory_space<vmem>>) dst(%dma_wait3A_1356 : memref<3072xf32, #tpu.memory_space<hbm>>)
      tpu.yield
    }) : () -> ()
    return
  }
}

module attributes {stable_mosaic.version = 14 : i64} {
  func.func @_detect_body(%arg0: memref<16x128x128xf32, #tpu.memory_space<vmem>>, %arg1: memref<512xf32, #tpu.memory_space<smem>>, %arg2: memref<512xf32, #tpu.memory_space<smem>>, %arg3: memref<512xf32, #tpu.memory_space<smem>>, %arg4: memref<512xi32, #tpu.memory_space<smem>>) attributes {dimension_semantics = [], scalar_prefetch = 0 : i64, scratch_operands = 0 : i64, tpu.core_type = #tpu.core_type<tc>} {
    %iota3A = tpu.iota {dimensions = array<i32: 0>} : vector<128x128xi32>
    %iota3A_0 = tpu.iota {dimensions = array<i32: 1>} : vector<128x128xi32>
    %broadcast_in_dim3A = arith.constant -1.000000e+00 : f32
    %broadcast_in_dim3A_1 = vector.broadcast %broadcast_in_dim3A : f32 to vector<128x128xf32>
    %broadcast_in_dim3A_2 = arith.constant 0 : i32
    %broadcast_in_dim3A_3 = vector.broadcast %broadcast_in_dim3A_2 : i32 to vector<128x128xi32>
    %mul3A = arith.constant 4 : i32
    %mul3A_4 = vector.broadcast %mul3A : i32 to vector<128x128xi32>
    %mul3A_5 = arith.muli %mul3A_4, %iota3A : vector<128x128xi32>
    %add3A = arith.constant 0 : i32
    %add3A_6 = vector.broadcast %add3A : i32 to vector<128x128xi32>
    %add3A_7 = arith.addi %mul3A_5, %add3A_6 : vector<128x128xi32>
    %mul3A_8 = arith.constant 4 : i32
    %mul3A_9 = vector.broadcast %mul3A_8 : i32 to vector<128x128xi32>
    %mul3A_10 = arith.muli %mul3A_9, %iota3A_0 : vector<128x128xi32>
    %add3A_11 = arith.constant 0 : i32
    %add3A_12 = vector.broadcast %add3A_11 : i32 to vector<128x128xi32>
    %add3A_13 = arith.addi %mul3A_10, %add3A_12 : vector<128x128xi32>
    %get3A = arith.constant 0 : index
    %get3A_14 = arith.constant 0 : index
    %get3A_15 = arith.constant 0 : index
    %get3A_16 = vector.load %arg0[%get3A, %get3A_14, %get3A_15] : memref<16x128x128xf32, #tpu.memory_space<vmem>>, vector<1x128x128xf32>
    %get3A_17 = vector.shape_cast %get3A_16 : vector<1x128x128xf32> to vector<128x128xf32>
    %ge3A = arith.constant 3 : i32
    %ge3A_18 = vector.broadcast %ge3A : i32 to vector<128x128xi32>
    %ge3A_19 = arith.cmpi sge, %add3A_7, %ge3A_18 : vector<128x128xi32>
    %le3A = arith.constant 508 : i32
    %le3A_20 = vector.broadcast %le3A : i32 to vector<128x128xi32>
    %le3A_21 = arith.cmpi sle, %add3A_7, %le3A_20 : vector<128x128xi32>
    %and3A = arith.andi %ge3A_19, %le3A_21 : vector<128x128xi1>
    %ge3A_22 = arith.constant 3 : i32
    %ge3A_23 = vector.broadcast %ge3A_22 : i32 to vector<128x128xi32>
    %ge3A_24 = arith.cmpi sge, %add3A_13, %ge3A_23 : vector<128x128xi32>
    %and3A_25 = arith.andi %and3A, %ge3A_24 : vector<128x128xi1>
    %le3A_26 = arith.constant 508 : i32
    %le3A_27 = vector.broadcast %le3A_26 : i32 to vector<128x128xi32>
    %le3A_28 = arith.cmpi sle, %add3A_13, %le3A_27 : vector<128x128xi32>
    %and3A_29 = arith.andi %and3A_25, %le3A_28 : vector<128x128xi1>
    %jit3A = arith.constant 0.000000e+00 : f32
    %broadcast_in_dim3A_30 = vector.broadcast %jit3A : f32 to vector<128x128xf32>
    %select_n3A = arith.select %and3A_29, %get3A_17, %broadcast_in_dim3A_30 : vector<128x128xi1>, vector<128x128xf32>
    %gt3A = arith.cmpf ogt, %select_n3A, %broadcast_in_dim3A_1 : vector<128x128xf32>
    %select_n3A_31 = arith.select %gt3A, %select_n3A, %broadcast_in_dim3A_1 : vector<128x128xi1>, vector<128x128xf32>
    %jit3A_32 = arith.constant 0 : i32
    %broadcast_in_dim3A_33 = vector.broadcast %jit3A_32 : i32 to vector<128x128xi32>
    %select_n3A_34 = arith.select %gt3A, %broadcast_in_dim3A_33, %broadcast_in_dim3A_3 : vector<128x128xi1>, vector<128x128xi32>
    %mul3A_35 = arith.constant 4 : i32
    %mul3A_36 = vector.broadcast %mul3A_35 : i32 to vector<128x128xi32>
    %mul3A_37 = arith.muli %mul3A_36, %iota3A : vector<128x128xi32>
    %add3A_38 = arith.constant 0 : i32
    %add3A_39 = vector.broadcast %add3A_38 : i32 to vector<128x128xi32>
    %add3A_40 = arith.addi %mul3A_37, %add3A_39 : vector<128x128xi32>
    %mul3A_41 = arith.constant 4 : i32
    %mul3A_42 = vector.broadcast %mul3A_41 : i32 to vector<128x128xi32>
    %mul3A_43 = arith.muli %mul3A_42, %iota3A_0 : vector<128x128xi32>
    %add3A_44 = arith.constant 1 : i32
    %add3A_45 = vector.broadcast %add3A_44 : i32 to vector<128x128xi32>
    %add3A_46 = arith.addi %mul3A_43, %add3A_45 : vector<128x128xi32>
    %get3A_47 = arith.constant 1 : index
    %get3A_48 = arith.constant 0 : index
    %get3A_49 = arith.constant 0 : index
    %get3A_50 = vector.load %arg0[%get3A_47, %get3A_48, %get3A_49] : memref<16x128x128xf32, #tpu.memory_space<vmem>>, vector<1x128x128xf32>
    %get3A_51 = vector.shape_cast %get3A_50 : vector<1x128x128xf32> to vector<128x128xf32>
    %ge3A_52 = arith.constant 3 : i32
    %ge3A_53 = vector.broadcast %ge3A_52 : i32 to vector<128x128xi32>
    %ge3A_54 = arith.cmpi sge, %add3A_40, %ge3A_53 : vector<128x128xi32>
    %le3A_55 = arith.constant 508 : i32
    %le3A_56 = vector.broadcast %le3A_55 : i32 to vector<128x128xi32>
    %le3A_57 = arith.cmpi sle, %add3A_40, %le3A_56 : vector<128x128xi32>
    %and3A_58 = arith.andi %ge3A_54, %le3A_57 : vector<128x128xi1>
    %ge3A_59 = arith.constant 3 : i32
    %ge3A_60 = vector.broadcast %ge3A_59 : i32 to vector<128x128xi32>
    %ge3A_61 = arith.cmpi sge, %add3A_46, %ge3A_60 : vector<128x128xi32>
    %and3A_62 = arith.andi %and3A_58, %ge3A_61 : vector<128x128xi1>
    %le3A_63 = arith.constant 508 : i32
    %le3A_64 = vector.broadcast %le3A_63 : i32 to vector<128x128xi32>
    %le3A_65 = arith.cmpi sle, %add3A_46, %le3A_64 : vector<128x128xi32>
    %and3A_66 = arith.andi %and3A_62, %le3A_65 : vector<128x128xi1>
    %jit3A_67 = arith.constant 0.000000e+00 : f32
    %broadcast_in_dim3A_68 = vector.broadcast %jit3A_67 : f32 to vector<128x128xf32>
    %select_n3A_69 = arith.select %and3A_66, %get3A_51, %broadcast_in_dim3A_68 : vector<128x128xi1>, vector<128x128xf32>
    %gt3A_70 = arith.cmpf ogt, %select_n3A_69, %select_n3A_31 : vector<128x128xf32>
    %select_n3A_71 = arith.select %gt3A_70, %select_n3A_69, %select_n3A_31 : vector<128x128xi1>, vector<128x128xf32>
    %jit3A_72 = arith.constant 1 : i32
    %broadcast_in_dim3A_73 = vector.broadcast %jit3A_72 : i32 to vector<128x128xi32>
    %select_n3A_74 = arith.select %gt3A_70, %broadcast_in_dim3A_73, %select_n3A_34 : vector<128x128xi1>, vector<128x128xi32>
    %mul3A_75 = arith.constant 4 : i32
    %mul3A_76 = vector.broadcast %mul3A_75 : i32 to vector<128x128xi32>
    %mul3A_77 = arith.muli %mul3A_76, %iota3A : vector<128x128xi32>
    %add3A_78 = arith.constant 0 : i32
    %add3A_79 = vector.broadcast %add3A_78 : i32 to vector<128x128xi32>
    %add3A_80 = arith.addi %mul3A_77, %add3A_79 : vector<128x128xi32>
    %mul3A_81 = arith.constant 4 : i32
    %mul3A_82 = vector.broadcast %mul3A_81 : i32 to vector<128x128xi32>
    %mul3A_83 = arith.muli %mul3A_82, %iota3A_0 : vector<128x128xi32>
    %add3A_84 = arith.constant 2 : i32
    %add3A_85 = vector.broadcast %add3A_84 : i32 to vector<128x128xi32>
    %add3A_86 = arith.addi %mul3A_83, %add3A_85 : vector<128x128xi32>
    %get3A_87 = arith.constant 2 : index
    %get3A_88 = arith.constant 0 : index
    %get3A_89 = arith.constant 0 : index
    %get3A_90 = vector.load %arg0[%get3A_87, %get3A_88, %get3A_89] : memref<16x128x128xf32, #tpu.memory_space<vmem>>, vector<1x128x128xf32>
    %get3A_91 = vector.shape_cast %get3A_90 : vector<1x128x128xf32> to vector<128x128xf32>
    %ge3A_92 = arith.constant 3 : i32
    %ge3A_93 = vector.broadcast %ge3A_92 : i32 to vector<128x128xi32>
    %ge3A_94 = arith.cmpi sge, %add3A_80, %ge3A_93 : vector<128x128xi32>
    %le3A_95 = arith.constant 508 : i32
    %le3A_96 = vector.broadcast %le3A_95 : i32 to vector<128x128xi32>
    %le3A_97 = arith.cmpi sle, %add3A_80, %le3A_96 : vector<128x128xi32>
    %and3A_98 = arith.andi %ge3A_94, %le3A_97 : vector<128x128xi1>
    %ge3A_99 = arith.constant 3 : i32
    %ge3A_100 = vector.broadcast %ge3A_99 : i32 to vector<128x128xi32>
    %ge3A_101 = arith.cmpi sge, %add3A_86, %ge3A_100 : vector<128x128xi32>
    %and3A_102 = arith.andi %and3A_98, %ge3A_101 : vector<128x128xi1>
    %le3A_103 = arith.constant 508 : i32
    %le3A_104 = vector.broadcast %le3A_103 : i32 to vector<128x128xi32>
    %le3A_105 = arith.cmpi sle, %add3A_86, %le3A_104 : vector<128x128xi32>
    %and3A_106 = arith.andi %and3A_102, %le3A_105 : vector<128x128xi1>
    %jit3A_107 = arith.constant 0.000000e+00 : f32
    %broadcast_in_dim3A_108 = vector.broadcast %jit3A_107 : f32 to vector<128x128xf32>
    %select_n3A_109 = arith.select %and3A_106, %get3A_91, %broadcast_in_dim3A_108 : vector<128x128xi1>, vector<128x128xf32>
    %gt3A_110 = arith.cmpf ogt, %select_n3A_109, %select_n3A_71 : vector<128x128xf32>
    %select_n3A_111 = arith.select %gt3A_110, %select_n3A_109, %select_n3A_71 : vector<128x128xi1>, vector<128x128xf32>
    %jit3A_112 = arith.constant 2 : i32
    %broadcast_in_dim3A_113 = vector.broadcast %jit3A_112 : i32 to vector<128x128xi32>
    %select_n3A_114 = arith.select %gt3A_110, %broadcast_in_dim3A_113, %select_n3A_74 : vector<128x128xi1>, vector<128x128xi32>
    %mul3A_115 = arith.constant 4 : i32
    %mul3A_116 = vector.broadcast %mul3A_115 : i32 to vector<128x128xi32>
    %mul3A_117 = arith.muli %mul3A_116, %iota3A : vector<128x128xi32>
    %add3A_118 = arith.constant 0 : i32
    %add3A_119 = vector.broadcast %add3A_118 : i32 to vector<128x128xi32>
    %add3A_120 = arith.addi %mul3A_117, %add3A_119 : vector<128x128xi32>
    %mul3A_121 = arith.constant 4 : i32
    %mul3A_122 = vector.broadcast %mul3A_121 : i32 to vector<128x128xi32>
    %mul3A_123 = arith.muli %mul3A_122, %iota3A_0 : vector<128x128xi32>
    %add3A_124 = arith.constant 3 : i32
    %add3A_125 = vector.broadcast %add3A_124 : i32 to vector<128x128xi32>
    %add3A_126 = arith.addi %mul3A_123, %add3A_125 : vector<128x128xi32>
    %get3A_127 = arith.constant 3 : index
    %get3A_128 = arith.constant 0 : index
    %get3A_129 = arith.constant 0 : index
    %get3A_130 = vector.load %arg0[%get3A_127, %get3A_128, %get3A_129] : memref<16x128x128xf32, #tpu.memory_space<vmem>>, vector<1x128x128xf32>
    %get3A_131 = vector.shape_cast %get3A_130 : vector<1x128x128xf32> to vector<128x128xf32>
    %ge3A_132 = arith.constant 3 : i32
    %ge3A_133 = vector.broadcast %ge3A_132 : i32 to vector<128x128xi32>
    %ge3A_134 = arith.cmpi sge, %add3A_120, %ge3A_133 : vector<128x128xi32>
    %le3A_135 = arith.constant 508 : i32
    %le3A_136 = vector.broadcast %le3A_135 : i32 to vector<128x128xi32>
    %le3A_137 = arith.cmpi sle, %add3A_120, %le3A_136 : vector<128x128xi32>
    %and3A_138 = arith.andi %ge3A_134, %le3A_137 : vector<128x128xi1>
    %ge3A_139 = arith.constant 3 : i32
    %ge3A_140 = vector.broadcast %ge3A_139 : i32 to vector<128x128xi32>
    %ge3A_141 = arith.cmpi sge, %add3A_126, %ge3A_140 : vector<128x128xi32>
    %and3A_142 = arith.andi %and3A_138, %ge3A_141 : vector<128x128xi1>
    %le3A_143 = arith.constant 508 : i32
    %le3A_144 = vector.broadcast %le3A_143 : i32 to vector<128x128xi32>
    %le3A_145 = arith.cmpi sle, %add3A_126, %le3A_144 : vector<128x128xi32>
    %and3A_146 = arith.andi %and3A_142, %le3A_145 : vector<128x128xi1>
    %jit3A_147 = arith.constant 0.000000e+00 : f32
    %broadcast_in_dim3A_148 = vector.broadcast %jit3A_147 : f32 to vector<128x128xf32>
    %select_n3A_149 = arith.select %and3A_146, %get3A_131, %broadcast_in_dim3A_148 : vector<128x128xi1>, vector<128x128xf32>
    %gt3A_150 = arith.cmpf ogt, %select_n3A_149, %select_n3A_111 : vector<128x128xf32>
    %select_n3A_151 = arith.select %gt3A_150, %select_n3A_149, %select_n3A_111 : vector<128x128xi1>, vector<128x128xf32>
    %jit3A_152 = arith.constant 3 : i32
    %broadcast_in_dim3A_153 = vector.broadcast %jit3A_152 : i32 to vector<128x128xi32>
    %select_n3A_154 = arith.select %gt3A_150, %broadcast_in_dim3A_153, %select_n3A_114 : vector<128x128xi1>, vector<128x128xi32>
    %mul3A_155 = arith.constant 4 : i32
    %mul3A_156 = vector.broadcast %mul3A_155 : i32 to vector<128x128xi32>
    %mul3A_157 = arith.muli %mul3A_156, %iota3A : vector<128x128xi32>
    %add3A_158 = arith.constant 1 : i32
    %add3A_159 = vector.broadcast %add3A_158 : i32 to vector<128x128xi32>
    %add3A_160 = arith.addi %mul3A_157, %add3A_159 : vector<128x128xi32>
    %mul3A_161 = arith.constant 4 : i32
    %mul3A_162 = vector.broadcast %mul3A_161 : i32 to vector<128x128xi32>
    %mul3A_163 = arith.muli %mul3A_162, %iota3A_0 : vector<128x128xi32>
    %add3A_164 = arith.constant 0 : i32
    %add3A_165 = vector.broadcast %add3A_164 : i32 to vector<128x128xi32>
    %add3A_166 = arith.addi %mul3A_163, %add3A_165 : vector<128x128xi32>
    %get3A_167 = arith.constant 4 : index
    %get3A_168 = arith.constant 0 : index
    %get3A_169 = arith.constant 0 : index
    %get3A_170 = vector.load %arg0[%get3A_167, %get3A_168, %get3A_169] : memref<16x128x128xf32, #tpu.memory_space<vmem>>, vector<1x128x128xf32>
    %get3A_171 = vector.shape_cast %get3A_170 : vector<1x128x128xf32> to vector<128x128xf32>
    %ge3A_172 = arith.constant 3 : i32
    %ge3A_173 = vector.broadcast %ge3A_172 : i32 to vector<128x128xi32>
    %ge3A_174 = arith.cmpi sge, %add3A_160, %ge3A_173 : vector<128x128xi32>
    %le3A_175 = arith.constant 508 : i32
    %le3A_176 = vector.broadcast %le3A_175 : i32 to vector<128x128xi32>
    %le3A_177 = arith.cmpi sle, %add3A_160, %le3A_176 : vector<128x128xi32>
    %and3A_178 = arith.andi %ge3A_174, %le3A_177 : vector<128x128xi1>
    %ge3A_179 = arith.constant 3 : i32
    %ge3A_180 = vector.broadcast %ge3A_179 : i32 to vector<128x128xi32>
    %ge3A_181 = arith.cmpi sge, %add3A_166, %ge3A_180 : vector<128x128xi32>
    %and3A_182 = arith.andi %and3A_178, %ge3A_181 : vector<128x128xi1>
    %le3A_183 = arith.constant 508 : i32
    %le3A_184 = vector.broadcast %le3A_183 : i32 to vector<128x128xi32>
    %le3A_185 = arith.cmpi sle, %add3A_166, %le3A_184 : vector<128x128xi32>
    %and3A_186 = arith.andi %and3A_182, %le3A_185 : vector<128x128xi1>
    %jit3A_187 = arith.constant 0.000000e+00 : f32
    %broadcast_in_dim3A_188 = vector.broadcast %jit3A_187 : f32 to vector<128x128xf32>
    %select_n3A_189 = arith.select %and3A_186, %get3A_171, %broadcast_in_dim3A_188 : vector<128x128xi1>, vector<128x128xf32>
    %gt3A_190 = arith.cmpf ogt, %select_n3A_189, %select_n3A_151 : vector<128x128xf32>
    %select_n3A_191 = arith.select %gt3A_190, %select_n3A_189, %select_n3A_151 : vector<128x128xi1>, vector<128x128xf32>
    %jit3A_192 = arith.constant 4 : i32
    %broadcast_in_dim3A_193 = vector.broadcast %jit3A_192 : i32 to vector<128x128xi32>
    %select_n3A_194 = arith.select %gt3A_190, %broadcast_in_dim3A_193, %select_n3A_154 : vector<128x128xi1>, vector<128x128xi32>
    %mul3A_195 = arith.constant 4 : i32
    %mul3A_196 = vector.broadcast %mul3A_195 : i32 to vector<128x128xi32>
    %mul3A_197 = arith.muli %mul3A_196, %iota3A : vector<128x128xi32>
    %add3A_198 = arith.constant 1 : i32
    %add3A_199 = vector.broadcast %add3A_198 : i32 to vector<128x128xi32>
    %add3A_200 = arith.addi %mul3A_197, %add3A_199 : vector<128x128xi32>
    %mul3A_201 = arith.constant 4 : i32
    %mul3A_202 = vector.broadcast %mul3A_201 : i32 to vector<128x128xi32>
    %mul3A_203 = arith.muli %mul3A_202, %iota3A_0 : vector<128x128xi32>
    %add3A_204 = arith.constant 1 : i32
    %add3A_205 = vector.broadcast %add3A_204 : i32 to vector<128x128xi32>
    %add3A_206 = arith.addi %mul3A_203, %add3A_205 : vector<128x128xi32>
    %get3A_207 = arith.constant 5 : index
    %get3A_208 = arith.constant 0 : index
    %get3A_209 = arith.constant 0 : index
    %get3A_210 = vector.load %arg0[%get3A_207, %get3A_208, %get3A_209] : memref<16x128x128xf32, #tpu.memory_space<vmem>>, vector<1x128x128xf32>
    %get3A_211 = vector.shape_cast %get3A_210 : vector<1x128x128xf32> to vector<128x128xf32>
    %ge3A_212 = arith.constant 3 : i32
    %ge3A_213 = vector.broadcast %ge3A_212 : i32 to vector<128x128xi32>
    %ge3A_214 = arith.cmpi sge, %add3A_200, %ge3A_213 : vector<128x128xi32>
    %le3A_215 = arith.constant 508 : i32
    %le3A_216 = vector.broadcast %le3A_215 : i32 to vector<128x128xi32>
    %le3A_217 = arith.cmpi sle, %add3A_200, %le3A_216 : vector<128x128xi32>
    %and3A_218 = arith.andi %ge3A_214, %le3A_217 : vector<128x128xi1>
    %ge3A_219 = arith.constant 3 : i32
    %ge3A_220 = vector.broadcast %ge3A_219 : i32 to vector<128x128xi32>
    %ge3A_221 = arith.cmpi sge, %add3A_206, %ge3A_220 : vector<128x128xi32>
    %and3A_222 = arith.andi %and3A_218, %ge3A_221 : vector<128x128xi1>
    %le3A_223 = arith.constant 508 : i32
    %le3A_224 = vector.broadcast %le3A_223 : i32 to vector<128x128xi32>
    %le3A_225 = arith.cmpi sle, %add3A_206, %le3A_224 : vector<128x128xi32>
    %and3A_226 = arith.andi %and3A_222, %le3A_225 : vector<128x128xi1>
    %jit3A_227 = arith.constant 0.000000e+00 : f32
    %broadcast_in_dim3A_228 = vector.broadcast %jit3A_227 : f32 to vector<128x128xf32>
    %select_n3A_229 = arith.select %and3A_226, %get3A_211, %broadcast_in_dim3A_228 : vector<128x128xi1>, vector<128x128xf32>
    %gt3A_230 = arith.cmpf ogt, %select_n3A_229, %select_n3A_191 : vector<128x128xf32>
    %select_n3A_231 = arith.select %gt3A_230, %select_n3A_229, %select_n3A_191 : vector<128x128xi1>, vector<128x128xf32>
    %jit3A_232 = arith.constant 5 : i32
    %broadcast_in_dim3A_233 = vector.broadcast %jit3A_232 : i32 to vector<128x128xi32>
    %select_n3A_234 = arith.select %gt3A_230, %broadcast_in_dim3A_233, %select_n3A_194 : vector<128x128xi1>, vector<128x128xi32>
    %mul3A_235 = arith.constant 4 : i32
    %mul3A_236 = vector.broadcast %mul3A_235 : i32 to vector<128x128xi32>
    %mul3A_237 = arith.muli %mul3A_236, %iota3A : vector<128x128xi32>
    %add3A_238 = arith.constant 1 : i32
    %add3A_239 = vector.broadcast %add3A_238 : i32 to vector<128x128xi32>
    %add3A_240 = arith.addi %mul3A_237, %add3A_239 : vector<128x128xi32>
    %mul3A_241 = arith.constant 4 : i32
    %mul3A_242 = vector.broadcast %mul3A_241 : i32 to vector<128x128xi32>
    %mul3A_243 = arith.muli %mul3A_242, %iota3A_0 : vector<128x128xi32>
    %add3A_244 = arith.constant 2 : i32
    %add3A_245 = vector.broadcast %add3A_244 : i32 to vector<128x128xi32>
    %add3A_246 = arith.addi %mul3A_243, %add3A_245 : vector<128x128xi32>
    %get3A_247 = arith.constant 6 : index
    %get3A_248 = arith.constant 0 : index
    %get3A_249 = arith.constant 0 : index
    %get3A_250 = vector.load %arg0[%get3A_247, %get3A_248, %get3A_249] : memref<16x128x128xf32, #tpu.memory_space<vmem>>, vector<1x128x128xf32>
    %get3A_251 = vector.shape_cast %get3A_250 : vector<1x128x128xf32> to vector<128x128xf32>
    %ge3A_252 = arith.constant 3 : i32
    %ge3A_253 = vector.broadcast %ge3A_252 : i32 to vector<128x128xi32>
    %ge3A_254 = arith.cmpi sge, %add3A_240, %ge3A_253 : vector<128x128xi32>
    %le3A_255 = arith.constant 508 : i32
    %le3A_256 = vector.broadcast %le3A_255 : i32 to vector<128x128xi32>
    %le3A_257 = arith.cmpi sle, %add3A_240, %le3A_256 : vector<128x128xi32>
    %and3A_258 = arith.andi %ge3A_254, %le3A_257 : vector<128x128xi1>
    %ge3A_259 = arith.constant 3 : i32
    %ge3A_260 = vector.broadcast %ge3A_259 : i32 to vector<128x128xi32>
    %ge3A_261 = arith.cmpi sge, %add3A_246, %ge3A_260 : vector<128x128xi32>
    %and3A_262 = arith.andi %and3A_258, %ge3A_261 : vector<128x128xi1>
    %le3A_263 = arith.constant 508 : i32
    %le3A_264 = vector.broadcast %le3A_263 : i32 to vector<128x128xi32>
    %le3A_265 = arith.cmpi sle, %add3A_246, %le3A_264 : vector<128x128xi32>
    %and3A_266 = arith.andi %and3A_262, %le3A_265 : vector<128x128xi1>
    %jit3A_267 = arith.constant 0.000000e+00 : f32
    %broadcast_in_dim3A_268 = vector.broadcast %jit3A_267 : f32 to vector<128x128xf32>
    %select_n3A_269 = arith.select %and3A_266, %get3A_251, %broadcast_in_dim3A_268 : vector<128x128xi1>, vector<128x128xf32>
    %gt3A_270 = arith.cmpf ogt, %select_n3A_269, %select_n3A_231 : vector<128x128xf32>
    %select_n3A_271 = arith.select %gt3A_270, %select_n3A_269, %select_n3A_231 : vector<128x128xi1>, vector<128x128xf32>
    %jit3A_272 = arith.constant 6 : i32
    %broadcast_in_dim3A_273 = vector.broadcast %jit3A_272 : i32 to vector<128x128xi32>
    %select_n3A_274 = arith.select %gt3A_270, %broadcast_in_dim3A_273, %select_n3A_234 : vector<128x128xi1>, vector<128x128xi32>
    %mul3A_275 = arith.constant 4 : i32
    %mul3A_276 = vector.broadcast %mul3A_275 : i32 to vector<128x128xi32>
    %mul3A_277 = arith.muli %mul3A_276, %iota3A : vector<128x128xi32>
    %add3A_278 = arith.constant 1 : i32
    %add3A_279 = vector.broadcast %add3A_278 : i32 to vector<128x128xi32>
    %add3A_280 = arith.addi %mul3A_277, %add3A_279 : vector<128x128xi32>
    %mul3A_281 = arith.constant 4 : i32
    %mul3A_282 = vector.broadcast %mul3A_281 : i32 to vector<128x128xi32>
    %mul3A_283 = arith.muli %mul3A_282, %iota3A_0 : vector<128x128xi32>
    %add3A_284 = arith.constant 3 : i32
    %add3A_285 = vector.broadcast %add3A_284 : i32 to vector<128x128xi32>
    %add3A_286 = arith.addi %mul3A_283, %add3A_285 : vector<128x128xi32>
    %get3A_287 = arith.constant 7 : index
    %get3A_288 = arith.constant 0 : index
    %get3A_289 = arith.constant 0 : index
    %get3A_290 = vector.load %arg0[%get3A_287, %get3A_288, %get3A_289] : memref<16x128x128xf32, #tpu.memory_space<vmem>>, vector<1x128x128xf32>
    %get3A_291 = vector.shape_cast %get3A_290 : vector<1x128x128xf32> to vector<128x128xf32>
    %ge3A_292 = arith.constant 3 : i32
    %ge3A_293 = vector.broadcast %ge3A_292 : i32 to vector<128x128xi32>
    %ge3A_294 = arith.cmpi sge, %add3A_280, %ge3A_293 : vector<128x128xi32>
    %le3A_295 = arith.constant 508 : i32
    %le3A_296 = vector.broadcast %le3A_295 : i32 to vector<128x128xi32>
    %le3A_297 = arith.cmpi sle, %add3A_280, %le3A_296 : vector<128x128xi32>
    %and3A_298 = arith.andi %ge3A_294, %le3A_297 : vector<128x128xi1>
    %ge3A_299 = arith.constant 3 : i32
    %ge3A_300 = vector.broadcast %ge3A_299 : i32 to vector<128x128xi32>
    %ge3A_301 = arith.cmpi sge, %add3A_286, %ge3A_300 : vector<128x128xi32>
    %and3A_302 = arith.andi %and3A_298, %ge3A_301 : vector<128x128xi1>
    %le3A_303 = arith.constant 508 : i32
    %le3A_304 = vector.broadcast %le3A_303 : i32 to vector<128x128xi32>
    %le3A_305 = arith.cmpi sle, %add3A_286, %le3A_304 : vector<128x128xi32>
    %and3A_306 = arith.andi %and3A_302, %le3A_305 : vector<128x128xi1>
    %jit3A_307 = arith.constant 0.000000e+00 : f32
    %broadcast_in_dim3A_308 = vector.broadcast %jit3A_307 : f32 to vector<128x128xf32>
    %select_n3A_309 = arith.select %and3A_306, %get3A_291, %broadcast_in_dim3A_308 : vector<128x128xi1>, vector<128x128xf32>
    %gt3A_310 = arith.cmpf ogt, %select_n3A_309, %select_n3A_271 : vector<128x128xf32>
    %select_n3A_311 = arith.select %gt3A_310, %select_n3A_309, %select_n3A_271 : vector<128x128xi1>, vector<128x128xf32>
    %jit3A_312 = arith.constant 7 : i32
    %broadcast_in_dim3A_313 = vector.broadcast %jit3A_312 : i32 to vector<128x128xi32>
    %select_n3A_314 = arith.select %gt3A_310, %broadcast_in_dim3A_313, %select_n3A_274 : vector<128x128xi1>, vector<128x128xi32>
    %mul3A_315 = arith.constant 4 : i32
    %mul3A_316 = vector.broadcast %mul3A_315 : i32 to vector<128x128xi32>
    %mul3A_317 = arith.muli %mul3A_316, %iota3A : vector<128x128xi32>
    %add3A_318 = arith.constant 2 : i32
    %add3A_319 = vector.broadcast %add3A_318 : i32 to vector<128x128xi32>
    %add3A_320 = arith.addi %mul3A_317, %add3A_319 : vector<128x128xi32>
    %mul3A_321 = arith.constant 4 : i32
    %mul3A_322 = vector.broadcast %mul3A_321 : i32 to vector<128x128xi32>
    %mul3A_323 = arith.muli %mul3A_322, %iota3A_0 : vector<128x128xi32>
    %add3A_324 = arith.constant 0 : i32
    %add3A_325 = vector.broadcast %add3A_324 : i32 to vector<128x128xi32>
    %add3A_326 = arith.addi %mul3A_323, %add3A_325 : vector<128x128xi32>
    %get3A_327 = arith.constant 8 : index
    %get3A_328 = arith.constant 0 : index
    %get3A_329 = arith.constant 0 : index
    %get3A_330 = vector.load %arg0[%get3A_327, %get3A_328, %get3A_329] : memref<16x128x128xf32, #tpu.memory_space<vmem>>, vector<1x128x128xf32>
    %get3A_331 = vector.shape_cast %get3A_330 : vector<1x128x128xf32> to vector<128x128xf32>
    %ge3A_332 = arith.constant 3 : i32
    %ge3A_333 = vector.broadcast %ge3A_332 : i32 to vector<128x128xi32>
    %ge3A_334 = arith.cmpi sge, %add3A_320, %ge3A_333 : vector<128x128xi32>
    %le3A_335 = arith.constant 508 : i32
    %le3A_336 = vector.broadcast %le3A_335 : i32 to vector<128x128xi32>
    %le3A_337 = arith.cmpi sle, %add3A_320, %le3A_336 : vector<128x128xi32>
    %and3A_338 = arith.andi %ge3A_334, %le3A_337 : vector<128x128xi1>
    %ge3A_339 = arith.constant 3 : i32
    %ge3A_340 = vector.broadcast %ge3A_339 : i32 to vector<128x128xi32>
    %ge3A_341 = arith.cmpi sge, %add3A_326, %ge3A_340 : vector<128x128xi32>
    %and3A_342 = arith.andi %and3A_338, %ge3A_341 : vector<128x128xi1>
    %le3A_343 = arith.constant 508 : i32
    %le3A_344 = vector.broadcast %le3A_343 : i32 to vector<128x128xi32>
    %le3A_345 = arith.cmpi sle, %add3A_326, %le3A_344 : vector<128x128xi32>
    %and3A_346 = arith.andi %and3A_342, %le3A_345 : vector<128x128xi1>
    %jit3A_347 = arith.constant 0.000000e+00 : f32
    %broadcast_in_dim3A_348 = vector.broadcast %jit3A_347 : f32 to vector<128x128xf32>
    %select_n3A_349 = arith.select %and3A_346, %get3A_331, %broadcast_in_dim3A_348 : vector<128x128xi1>, vector<128x128xf32>
    %gt3A_350 = arith.cmpf ogt, %select_n3A_349, %select_n3A_311 : vector<128x128xf32>
    %select_n3A_351 = arith.select %gt3A_350, %select_n3A_349, %select_n3A_311 : vector<128x128xi1>, vector<128x128xf32>
    %jit3A_352 = arith.constant 8 : i32
    %broadcast_in_dim3A_353 = vector.broadcast %jit3A_352 : i32 to vector<128x128xi32>
    %select_n3A_354 = arith.select %gt3A_350, %broadcast_in_dim3A_353, %select_n3A_314 : vector<128x128xi1>, vector<128x128xi32>
    %mul3A_355 = arith.constant 4 : i32
    %mul3A_356 = vector.broadcast %mul3A_355 : i32 to vector<128x128xi32>
    %mul3A_357 = arith.muli %mul3A_356, %iota3A : vector<128x128xi32>
    %add3A_358 = arith.constant 2 : i32
    %add3A_359 = vector.broadcast %add3A_358 : i32 to vector<128x128xi32>
    %add3A_360 = arith.addi %mul3A_357, %add3A_359 : vector<128x128xi32>
    %mul3A_361 = arith.constant 4 : i32
    %mul3A_362 = vector.broadcast %mul3A_361 : i32 to vector<128x128xi32>
    %mul3A_363 = arith.muli %mul3A_362, %iota3A_0 : vector<128x128xi32>
    %add3A_364 = arith.constant 1 : i32
    %add3A_365 = vector.broadcast %add3A_364 : i32 to vector<128x128xi32>
    %add3A_366 = arith.addi %mul3A_363, %add3A_365 : vector<128x128xi32>
    %get3A_367 = arith.constant 9 : index
    %get3A_368 = arith.constant 0 : index
    %get3A_369 = arith.constant 0 : index
    %get3A_370 = vector.load %arg0[%get3A_367, %get3A_368, %get3A_369] : memref<16x128x128xf32, #tpu.memory_space<vmem>>, vector<1x128x128xf32>
    %get3A_371 = vector.shape_cast %get3A_370 : vector<1x128x128xf32> to vector<128x128xf32>
    %ge3A_372 = arith.constant 3 : i32
    %ge3A_373 = vector.broadcast %ge3A_372 : i32 to vector<128x128xi32>
    %ge3A_374 = arith.cmpi sge, %add3A_360, %ge3A_373 : vector<128x128xi32>
    %le3A_375 = arith.constant 508 : i32
    %le3A_376 = vector.broadcast %le3A_375 : i32 to vector<128x128xi32>
    %le3A_377 = arith.cmpi sle, %add3A_360, %le3A_376 : vector<128x128xi32>
    %and3A_378 = arith.andi %ge3A_374, %le3A_377 : vector<128x128xi1>
    %ge3A_379 = arith.constant 3 : i32
    %ge3A_380 = vector.broadcast %ge3A_379 : i32 to vector<128x128xi32>
    %ge3A_381 = arith.cmpi sge, %add3A_366, %ge3A_380 : vector<128x128xi32>
    %and3A_382 = arith.andi %and3A_378, %ge3A_381 : vector<128x128xi1>
    %le3A_383 = arith.constant 508 : i32
    %le3A_384 = vector.broadcast %le3A_383 : i32 to vector<128x128xi32>
    %le3A_385 = arith.cmpi sle, %add3A_366, %le3A_384 : vector<128x128xi32>
    %and3A_386 = arith.andi %and3A_382, %le3A_385 : vector<128x128xi1>
    %jit3A_387 = arith.constant 0.000000e+00 : f32
    %broadcast_in_dim3A_388 = vector.broadcast %jit3A_387 : f32 to vector<128x128xf32>
    %select_n3A_389 = arith.select %and3A_386, %get3A_371, %broadcast_in_dim3A_388 : vector<128x128xi1>, vector<128x128xf32>
    %gt3A_390 = arith.cmpf ogt, %select_n3A_389, %select_n3A_351 : vector<128x128xf32>
    %select_n3A_391 = arith.select %gt3A_390, %select_n3A_389, %select_n3A_351 : vector<128x128xi1>, vector<128x128xf32>
    %jit3A_392 = arith.constant 9 : i32
    %broadcast_in_dim3A_393 = vector.broadcast %jit3A_392 : i32 to vector<128x128xi32>
    %select_n3A_394 = arith.select %gt3A_390, %broadcast_in_dim3A_393, %select_n3A_354 : vector<128x128xi1>, vector<128x128xi32>
    %mul3A_395 = arith.constant 4 : i32
    %mul3A_396 = vector.broadcast %mul3A_395 : i32 to vector<128x128xi32>
    %mul3A_397 = arith.muli %mul3A_396, %iota3A : vector<128x128xi32>
    %add3A_398 = arith.constant 2 : i32
    %add3A_399 = vector.broadcast %add3A_398 : i32 to vector<128x128xi32>
    %add3A_400 = arith.addi %mul3A_397, %add3A_399 : vector<128x128xi32>
    %mul3A_401 = arith.constant 4 : i32
    %mul3A_402 = vector.broadcast %mul3A_401 : i32 to vector<128x128xi32>
    %mul3A_403 = arith.muli %mul3A_402, %iota3A_0 : vector<128x128xi32>
    %add3A_404 = arith.constant 2 : i32
    %add3A_405 = vector.broadcast %add3A_404 : i32 to vector<128x128xi32>
    %add3A_406 = arith.addi %mul3A_403, %add3A_405 : vector<128x128xi32>
    %get3A_407 = arith.constant 10 : index
    %get3A_408 = arith.constant 0 : index
    %get3A_409 = arith.constant 0 : index
    %get3A_410 = vector.load %arg0[%get3A_407, %get3A_408, %get3A_409] : memref<16x128x128xf32, #tpu.memory_space<vmem>>, vector<1x128x128xf32>
    %get3A_411 = vector.shape_cast %get3A_410 : vector<1x128x128xf32> to vector<128x128xf32>
    %ge3A_412 = arith.constant 3 : i32
    %ge3A_413 = vector.broadcast %ge3A_412 : i32 to vector<128x128xi32>
    %ge3A_414 = arith.cmpi sge, %add3A_400, %ge3A_413 : vector<128x128xi32>
    %le3A_415 = arith.constant 508 : i32
    %le3A_416 = vector.broadcast %le3A_415 : i32 to vector<128x128xi32>
    %le3A_417 = arith.cmpi sle, %add3A_400, %le3A_416 : vector<128x128xi32>
    %and3A_418 = arith.andi %ge3A_414, %le3A_417 : vector<128x128xi1>
    %ge3A_419 = arith.constant 3 : i32
    %ge3A_420 = vector.broadcast %ge3A_419 : i32 to vector<128x128xi32>
    %ge3A_421 = arith.cmpi sge, %add3A_406, %ge3A_420 : vector<128x128xi32>
    %and3A_422 = arith.andi %and3A_418, %ge3A_421 : vector<128x128xi1>
    %le3A_423 = arith.constant 508 : i32
    %le3A_424 = vector.broadcast %le3A_423 : i32 to vector<128x128xi32>
    %le3A_425 = arith.cmpi sle, %add3A_406, %le3A_424 : vector<128x128xi32>
    %and3A_426 = arith.andi %and3A_422, %le3A_425 : vector<128x128xi1>
    %jit3A_427 = arith.constant 0.000000e+00 : f32
    %broadcast_in_dim3A_428 = vector.broadcast %jit3A_427 : f32 to vector<128x128xf32>
    %select_n3A_429 = arith.select %and3A_426, %get3A_411, %broadcast_in_dim3A_428 : vector<128x128xi1>, vector<128x128xf32>
    %gt3A_430 = arith.cmpf ogt, %select_n3A_429, %select_n3A_391 : vector<128x128xf32>
    %select_n3A_431 = arith.select %gt3A_430, %select_n3A_429, %select_n3A_391 : vector<128x128xi1>, vector<128x128xf32>
    %jit3A_432 = arith.constant 10 : i32
    %broadcast_in_dim3A_433 = vector.broadcast %jit3A_432 : i32 to vector<128x128xi32>
    %select_n3A_434 = arith.select %gt3A_430, %broadcast_in_dim3A_433, %select_n3A_394 : vector<128x128xi1>, vector<128x128xi32>
    %mul3A_435 = arith.constant 4 : i32
    %mul3A_436 = vector.broadcast %mul3A_435 : i32 to vector<128x128xi32>
    %mul3A_437 = arith.muli %mul3A_436, %iota3A : vector<128x128xi32>
    %add3A_438 = arith.constant 2 : i32
    %add3A_439 = vector.broadcast %add3A_438 : i32 to vector<128x128xi32>
    %add3A_440 = arith.addi %mul3A_437, %add3A_439 : vector<128x128xi32>
    %mul3A_441 = arith.constant 4 : i32
    %mul3A_442 = vector.broadcast %mul3A_441 : i32 to vector<128x128xi32>
    %mul3A_443 = arith.muli %mul3A_442, %iota3A_0 : vector<128x128xi32>
    %add3A_444 = arith.constant 3 : i32
    %add3A_445 = vector.broadcast %add3A_444 : i32 to vector<128x128xi32>
    %add3A_446 = arith.addi %mul3A_443, %add3A_445 : vector<128x128xi32>
    %get3A_447 = arith.constant 11 : index
    %get3A_448 = arith.constant 0 : index
    %get3A_449 = arith.constant 0 : index
    %get3A_450 = vector.load %arg0[%get3A_447, %get3A_448, %get3A_449] : memref<16x128x128xf32, #tpu.memory_space<vmem>>, vector<1x128x128xf32>
    %get3A_451 = vector.shape_cast %get3A_450 : vector<1x128x128xf32> to vector<128x128xf32>
    %ge3A_452 = arith.constant 3 : i32
    %ge3A_453 = vector.broadcast %ge3A_452 : i32 to vector<128x128xi32>
    %ge3A_454 = arith.cmpi sge, %add3A_440, %ge3A_453 : vector<128x128xi32>
    %le3A_455 = arith.constant 508 : i32
    %le3A_456 = vector.broadcast %le3A_455 : i32 to vector<128x128xi32>
    %le3A_457 = arith.cmpi sle, %add3A_440, %le3A_456 : vector<128x128xi32>
    %and3A_458 = arith.andi %ge3A_454, %le3A_457 : vector<128x128xi1>
    %ge3A_459 = arith.constant 3 : i32
    %ge3A_460 = vector.broadcast %ge3A_459 : i32 to vector<128x128xi32>
    %ge3A_461 = arith.cmpi sge, %add3A_446, %ge3A_460 : vector<128x128xi32>
    %and3A_462 = arith.andi %and3A_458, %ge3A_461 : vector<128x128xi1>
    %le3A_463 = arith.constant 508 : i32
    %le3A_464 = vector.broadcast %le3A_463 : i32 to vector<128x128xi32>
    %le3A_465 = arith.cmpi sle, %add3A_446, %le3A_464 : vector<128x128xi32>
    %and3A_466 = arith.andi %and3A_462, %le3A_465 : vector<128x128xi1>
    %jit3A_467 = arith.constant 0.000000e+00 : f32
    %broadcast_in_dim3A_468 = vector.broadcast %jit3A_467 : f32 to vector<128x128xf32>
    %select_n3A_469 = arith.select %and3A_466, %get3A_451, %broadcast_in_dim3A_468 : vector<128x128xi1>, vector<128x128xf32>
    %gt3A_470 = arith.cmpf ogt, %select_n3A_469, %select_n3A_431 : vector<128x128xf32>
    %select_n3A_471 = arith.select %gt3A_470, %select_n3A_469, %select_n3A_431 : vector<128x128xi1>, vector<128x128xf32>
    %jit3A_472 = arith.constant 11 : i32
    %broadcast_in_dim3A_473 = vector.broadcast %jit3A_472 : i32 to vector<128x128xi32>
    %select_n3A_474 = arith.select %gt3A_470, %broadcast_in_dim3A_473, %select_n3A_434 : vector<128x128xi1>, vector<128x128xi32>
    %mul3A_475 = arith.constant 4 : i32
    %mul3A_476 = vector.broadcast %mul3A_475 : i32 to vector<128x128xi32>
    %mul3A_477 = arith.muli %mul3A_476, %iota3A : vector<128x128xi32>
    %add3A_478 = arith.constant 3 : i32
    %add3A_479 = vector.broadcast %add3A_478 : i32 to vector<128x128xi32>
    %add3A_480 = arith.addi %mul3A_477, %add3A_479 : vector<128x128xi32>
    %mul3A_481 = arith.constant 4 : i32
    %mul3A_482 = vector.broadcast %mul3A_481 : i32 to vector<128x128xi32>
    %mul3A_483 = arith.muli %mul3A_482, %iota3A_0 : vector<128x128xi32>
    %add3A_484 = arith.constant 0 : i32
    %add3A_485 = vector.broadcast %add3A_484 : i32 to vector<128x128xi32>
    %add3A_486 = arith.addi %mul3A_483, %add3A_485 : vector<128x128xi32>
    %get3A_487 = arith.constant 12 : index
    %get3A_488 = arith.constant 0 : index
    %get3A_489 = arith.constant 0 : index
    %get3A_490 = vector.load %arg0[%get3A_487, %get3A_488, %get3A_489] : memref<16x128x128xf32, #tpu.memory_space<vmem>>, vector<1x128x128xf32>
    %get3A_491 = vector.shape_cast %get3A_490 : vector<1x128x128xf32> to vector<128x128xf32>
    %ge3A_492 = arith.constant 3 : i32
    %ge3A_493 = vector.broadcast %ge3A_492 : i32 to vector<128x128xi32>
    %ge3A_494 = arith.cmpi sge, %add3A_480, %ge3A_493 : vector<128x128xi32>
    %le3A_495 = arith.constant 508 : i32
    %le3A_496 = vector.broadcast %le3A_495 : i32 to vector<128x128xi32>
    %le3A_497 = arith.cmpi sle, %add3A_480, %le3A_496 : vector<128x128xi32>
    %and3A_498 = arith.andi %ge3A_494, %le3A_497 : vector<128x128xi1>
    %ge3A_499 = arith.constant 3 : i32
    %ge3A_500 = vector.broadcast %ge3A_499 : i32 to vector<128x128xi32>
    %ge3A_501 = arith.cmpi sge, %add3A_486, %ge3A_500 : vector<128x128xi32>
    %and3A_502 = arith.andi %and3A_498, %ge3A_501 : vector<128x128xi1>
    %le3A_503 = arith.constant 508 : i32
    %le3A_504 = vector.broadcast %le3A_503 : i32 to vector<128x128xi32>
    %le3A_505 = arith.cmpi sle, %add3A_486, %le3A_504 : vector<128x128xi32>
    %and3A_506 = arith.andi %and3A_502, %le3A_505 : vector<128x128xi1>
    %jit3A_507 = arith.constant 0.000000e+00 : f32
    %broadcast_in_dim3A_508 = vector.broadcast %jit3A_507 : f32 to vector<128x128xf32>
    %select_n3A_509 = arith.select %and3A_506, %get3A_491, %broadcast_in_dim3A_508 : vector<128x128xi1>, vector<128x128xf32>
    %gt3A_510 = arith.cmpf ogt, %select_n3A_509, %select_n3A_471 : vector<128x128xf32>
    %select_n3A_511 = arith.select %gt3A_510, %select_n3A_509, %select_n3A_471 : vector<128x128xi1>, vector<128x128xf32>
    %jit3A_512 = arith.constant 12 : i32
    %broadcast_in_dim3A_513 = vector.broadcast %jit3A_512 : i32 to vector<128x128xi32>
    %select_n3A_514 = arith.select %gt3A_510, %broadcast_in_dim3A_513, %select_n3A_474 : vector<128x128xi1>, vector<128x128xi32>
    %mul3A_515 = arith.constant 4 : i32
    %mul3A_516 = vector.broadcast %mul3A_515 : i32 to vector<128x128xi32>
    %mul3A_517 = arith.muli %mul3A_516, %iota3A : vector<128x128xi32>
    %add3A_518 = arith.constant 3 : i32
    %add3A_519 = vector.broadcast %add3A_518 : i32 to vector<128x128xi32>
    %add3A_520 = arith.addi %mul3A_517, %add3A_519 : vector<128x128xi32>
    %mul3A_521 = arith.constant 4 : i32
    %mul3A_522 = vector.broadcast %mul3A_521 : i32 to vector<128x128xi32>
    %mul3A_523 = arith.muli %mul3A_522, %iota3A_0 : vector<128x128xi32>
    %add3A_524 = arith.constant 1 : i32
    %add3A_525 = vector.broadcast %add3A_524 : i32 to vector<128x128xi32>
    %add3A_526 = arith.addi %mul3A_523, %add3A_525 : vector<128x128xi32>
    %get3A_527 = arith.constant 13 : index
    %get3A_528 = arith.constant 0 : index
    %get3A_529 = arith.constant 0 : index
    %get3A_530 = vector.load %arg0[%get3A_527, %get3A_528, %get3A_529] : memref<16x128x128xf32, #tpu.memory_space<vmem>>, vector<1x128x128xf32>
    %get3A_531 = vector.shape_cast %get3A_530 : vector<1x128x128xf32> to vector<128x128xf32>
    %ge3A_532 = arith.constant 3 : i32
    %ge3A_533 = vector.broadcast %ge3A_532 : i32 to vector<128x128xi32>
    %ge3A_534 = arith.cmpi sge, %add3A_520, %ge3A_533 : vector<128x128xi32>
    %le3A_535 = arith.constant 508 : i32
    %le3A_536 = vector.broadcast %le3A_535 : i32 to vector<128x128xi32>
    %le3A_537 = arith.cmpi sle, %add3A_520, %le3A_536 : vector<128x128xi32>
    %and3A_538 = arith.andi %ge3A_534, %le3A_537 : vector<128x128xi1>
    %ge3A_539 = arith.constant 3 : i32
    %ge3A_540 = vector.broadcast %ge3A_539 : i32 to vector<128x128xi32>
    %ge3A_541 = arith.cmpi sge, %add3A_526, %ge3A_540 : vector<128x128xi32>
    %and3A_542 = arith.andi %and3A_538, %ge3A_541 : vector<128x128xi1>
    %le3A_543 = arith.constant 508 : i32
    %le3A_544 = vector.broadcast %le3A_543 : i32 to vector<128x128xi32>
    %le3A_545 = arith.cmpi sle, %add3A_526, %le3A_544 : vector<128x128xi32>
    %and3A_546 = arith.andi %and3A_542, %le3A_545 : vector<128x128xi1>
    %jit3A_547 = arith.constant 0.000000e+00 : f32
    %broadcast_in_dim3A_548 = vector.broadcast %jit3A_547 : f32 to vector<128x128xf32>
    %select_n3A_549 = arith.select %and3A_546, %get3A_531, %broadcast_in_dim3A_548 : vector<128x128xi1>, vector<128x128xf32>
    %gt3A_550 = arith.cmpf ogt, %select_n3A_549, %select_n3A_511 : vector<128x128xf32>
    %select_n3A_551 = arith.select %gt3A_550, %select_n3A_549, %select_n3A_511 : vector<128x128xi1>, vector<128x128xf32>
    %jit3A_552 = arith.constant 13 : i32
    %broadcast_in_dim3A_553 = vector.broadcast %jit3A_552 : i32 to vector<128x128xi32>
    %select_n3A_554 = arith.select %gt3A_550, %broadcast_in_dim3A_553, %select_n3A_514 : vector<128x128xi1>, vector<128x128xi32>
    %mul3A_555 = arith.constant 4 : i32
    %mul3A_556 = vector.broadcast %mul3A_555 : i32 to vector<128x128xi32>
    %mul3A_557 = arith.muli %mul3A_556, %iota3A : vector<128x128xi32>
    %add3A_558 = arith.constant 3 : i32
    %add3A_559 = vector.broadcast %add3A_558 : i32 to vector<128x128xi32>
    %add3A_560 = arith.addi %mul3A_557, %add3A_559 : vector<128x128xi32>
    %mul3A_561 = arith.constant 4 : i32
    %mul3A_562 = vector.broadcast %mul3A_561 : i32 to vector<128x128xi32>
    %mul3A_563 = arith.muli %mul3A_562, %iota3A_0 : vector<128x128xi32>
    %add3A_564 = arith.constant 2 : i32
    %add3A_565 = vector.broadcast %add3A_564 : i32 to vector<128x128xi32>
    %add3A_566 = arith.addi %mul3A_563, %add3A_565 : vector<128x128xi32>
    %get3A_567 = arith.constant 14 : index
    %get3A_568 = arith.constant 0 : index
    %get3A_569 = arith.constant 0 : index
    %get3A_570 = vector.load %arg0[%get3A_567, %get3A_568, %get3A_569] : memref<16x128x128xf32, #tpu.memory_space<vmem>>, vector<1x128x128xf32>
    %get3A_571 = vector.shape_cast %get3A_570 : vector<1x128x128xf32> to vector<128x128xf32>
    %ge3A_572 = arith.constant 3 : i32
    %ge3A_573 = vector.broadcast %ge3A_572 : i32 to vector<128x128xi32>
    %ge3A_574 = arith.cmpi sge, %add3A_560, %ge3A_573 : vector<128x128xi32>
    %le3A_575 = arith.constant 508 : i32
    %le3A_576 = vector.broadcast %le3A_575 : i32 to vector<128x128xi32>
    %le3A_577 = arith.cmpi sle, %add3A_560, %le3A_576 : vector<128x128xi32>
    %and3A_578 = arith.andi %ge3A_574, %le3A_577 : vector<128x128xi1>
    %ge3A_579 = arith.constant 3 : i32
    %ge3A_580 = vector.broadcast %ge3A_579 : i32 to vector<128x128xi32>
    %ge3A_581 = arith.cmpi sge, %add3A_566, %ge3A_580 : vector<128x128xi32>
    %and3A_582 = arith.andi %and3A_578, %ge3A_581 : vector<128x128xi1>
    %le3A_583 = arith.constant 508 : i32
    %le3A_584 = vector.broadcast %le3A_583 : i32 to vector<128x128xi32>
    %le3A_585 = arith.cmpi sle, %add3A_566, %le3A_584 : vector<128x128xi32>
    %and3A_586 = arith.andi %and3A_582, %le3A_585 : vector<128x128xi1>
    %jit3A_587 = arith.constant 0.000000e+00 : f32
    %broadcast_in_dim3A_588 = vector.broadcast %jit3A_587 : f32 to vector<128x128xf32>
    %select_n3A_589 = arith.select %and3A_586, %get3A_571, %broadcast_in_dim3A_588 : vector<128x128xi1>, vector<128x128xf32>
    %gt3A_590 = arith.cmpf ogt, %select_n3A_589, %select_n3A_551 : vector<128x128xf32>
    %select_n3A_591 = arith.select %gt3A_590, %select_n3A_589, %select_n3A_551 : vector<128x128xi1>, vector<128x128xf32>
    %jit3A_592 = arith.constant 14 : i32
    %broadcast_in_dim3A_593 = vector.broadcast %jit3A_592 : i32 to vector<128x128xi32>
    %select_n3A_594 = arith.select %gt3A_590, %broadcast_in_dim3A_593, %select_n3A_554 : vector<128x128xi1>, vector<128x128xi32>
    %mul3A_595 = arith.constant 4 : i32
    %mul3A_596 = vector.broadcast %mul3A_595 : i32 to vector<128x128xi32>
    %mul3A_597 = arith.muli %mul3A_596, %iota3A : vector<128x128xi32>
    %add3A_598 = arith.constant 3 : i32
    %add3A_599 = vector.broadcast %add3A_598 : i32 to vector<128x128xi32>
    %add3A_600 = arith.addi %mul3A_597, %add3A_599 : vector<128x128xi32>
    %mul3A_601 = arith.constant 4 : i32
    %mul3A_602 = vector.broadcast %mul3A_601 : i32 to vector<128x128xi32>
    %mul3A_603 = arith.muli %mul3A_602, %iota3A_0 : vector<128x128xi32>
    %add3A_604 = arith.constant 3 : i32
    %add3A_605 = vector.broadcast %add3A_604 : i32 to vector<128x128xi32>
    %add3A_606 = arith.addi %mul3A_603, %add3A_605 : vector<128x128xi32>
    %get3A_607 = arith.constant 15 : index
    %get3A_608 = arith.constant 0 : index
    %get3A_609 = arith.constant 0 : index
    %get3A_610 = vector.load %arg0[%get3A_607, %get3A_608, %get3A_609] : memref<16x128x128xf32, #tpu.memory_space<vmem>>, vector<1x128x128xf32>
    %get3A_611 = vector.shape_cast %get3A_610 : vector<1x128x128xf32> to vector<128x128xf32>
    %ge3A_612 = arith.constant 3 : i32
    %ge3A_613 = vector.broadcast %ge3A_612 : i32 to vector<128x128xi32>
    %ge3A_614 = arith.cmpi sge, %add3A_600, %ge3A_613 : vector<128x128xi32>
    %le3A_615 = arith.constant 508 : i32
    %le3A_616 = vector.broadcast %le3A_615 : i32 to vector<128x128xi32>
    %le3A_617 = arith.cmpi sle, %add3A_600, %le3A_616 : vector<128x128xi32>
    %and3A_618 = arith.andi %ge3A_614, %le3A_617 : vector<128x128xi1>
    %ge3A_619 = arith.constant 3 : i32
    %ge3A_620 = vector.broadcast %ge3A_619 : i32 to vector<128x128xi32>
    %ge3A_621 = arith.cmpi sge, %add3A_606, %ge3A_620 : vector<128x128xi32>
    %and3A_622 = arith.andi %and3A_618, %ge3A_621 : vector<128x128xi1>
    %le3A_623 = arith.constant 508 : i32
    %le3A_624 = vector.broadcast %le3A_623 : i32 to vector<128x128xi32>
    %le3A_625 = arith.cmpi sle, %add3A_606, %le3A_624 : vector<128x128xi32>
    %and3A_626 = arith.andi %and3A_622, %le3A_625 : vector<128x128xi1>
    %jit3A_627 = arith.constant 0.000000e+00 : f32
    %broadcast_in_dim3A_628 = vector.broadcast %jit3A_627 : f32 to vector<128x128xf32>
    %select_n3A_629 = arith.select %and3A_626, %get3A_611, %broadcast_in_dim3A_628 : vector<128x128xi1>, vector<128x128xf32>
    %gt3A_630 = arith.cmpf ogt, %select_n3A_629, %select_n3A_591 : vector<128x128xf32>
    %select_n3A_631 = arith.select %gt3A_630, %select_n3A_629, %select_n3A_591 : vector<128x128xi1>, vector<128x128xf32>
    %jit3A_632 = arith.constant 15 : i32
    %broadcast_in_dim3A_633 = vector.broadcast %jit3A_632 : i32 to vector<128x128xi32>
    %select_n3A_634 = arith.select %gt3A_630, %broadcast_in_dim3A_633, %select_n3A_594 : vector<128x128xi1>, vector<128x128xi32>
    %mul3A_635 = arith.constant 4 : i32
    %mul3A_636 = vector.broadcast %mul3A_635 : i32 to vector<128x128xi32>
    %mul3A_637 = arith.muli %mul3A_636, %iota3A : vector<128x128xi32>
    %jit3A_638 = arith.constant 4 : i32
    %div3A = vector.broadcast %jit3A_638 : i32 to vector<128x128xi32>
    %div3A_639 = arith.divsi %select_n3A_634, %div3A : vector<128x128xi32>
    %sign3A = arith.constant 0 : i32
    %sign3A_640 = vector.broadcast %sign3A : i32 to vector<128x128xi32>
    %sign3A_641 = arith.cmpi sgt, %select_n3A_634, %sign3A_640 : vector<128x128xi32>
    %sign3A_642 = arith.extui %sign3A_641 : vector<128x128xi1> to vector<128x128xi32>
    %sign3A_643 = arith.constant 0 : i32
    %sign3A_644 = vector.broadcast %sign3A_643 : i32 to vector<128x128xi32>
    %sign3A_645 = arith.cmpi slt, %select_n3A_634, %sign3A_644 : vector<128x128xi32>
    %sign3A_646 = arith.extui %sign3A_645 : vector<128x128xi1> to vector<128x128xi32>
    %sign3A_647 = arith.subi %sign3A_642, %sign3A_646 : vector<128x128xi32>
    %sign3A_648 = arith.constant 0 : i32
    %sign3A_649 = arith.cmpi sgt, %jit3A_638, %sign3A_648 : i32
    %sign3A_650 = arith.extui %sign3A_649 : i1 to i32
    %sign3A_651 = arith.constant 0 : i32
    %sign3A_652 = arith.cmpi slt, %jit3A_638, %sign3A_651 : i32
    %sign3A_653 = arith.extui %sign3A_652 : i1 to i32
    %sign3A_654 = arith.subi %sign3A_650, %sign3A_653 : i32
    %ne3A = vector.broadcast %sign3A_654 : i32 to vector<128x128xi32>
    %ne3A_655 = arith.cmpi ne, %sign3A_647, %ne3A : vector<128x128xi32>
    %rem3A = vector.broadcast %jit3A_638 : i32 to vector<128x128xi32>
    %rem3A_656 = arith.remsi %select_n3A_634, %rem3A : vector<128x128xi32>
    %ne3A_657 = arith.constant 0 : i32
    %ne3A_658 = vector.broadcast %ne3A_657 : i32 to vector<128x128xi32>
    %ne3A_659 = arith.cmpi ne, %rem3A_656, %ne3A_658 : vector<128x128xi32>
    %and3A_660 = arith.andi %ne3A_655, %ne3A_659 : vector<128x128xi1>
    %sub3A = arith.constant 1 : i32
    %sub3A_661 = vector.broadcast %sub3A : i32 to vector<128x128xi32>
    %sub3A_662 = arith.subi %div3A_639, %sub3A_661 : vector<128x128xi32>
    %select_n3A_663 = arith.select %and3A_660, %sub3A_662, %div3A_639 : vector<128x128xi1>, vector<128x128xi32>
    %add3A_664 = arith.addi %mul3A_637, %select_n3A_663 : vector<128x128xi32>
    %mul3A_665 = arith.constant 4 : i32
    %mul3A_666 = vector.broadcast %mul3A_665 : i32 to vector<128x128xi32>
    %mul3A_667 = arith.muli %mul3A_666, %iota3A_0 : vector<128x128xi32>
    %jit3A_668 = arith.constant 4 : i32
    %eq3A = arith.constant 0 : i32
    %eq3A_669 = arith.cmpi eq, %jit3A_668, %eq3A : i32
    %jit3A_670 = arith.constant 1 : i32
    %select_n3A_671 = arith.select %eq3A_669, %jit3A_670, %jit3A_668 : i32
    %rem3A_672 = vector.broadcast %select_n3A_671 : i32 to vector<128x128xi32>
    %rem3A_673 = arith.remsi %select_n3A_634, %rem3A_672 : vector<128x128xi32>
    %ne3A_674 = arith.constant 0 : i32
    %ne3A_675 = vector.broadcast %ne3A_674 : i32 to vector<128x128xi32>
    %ne3A_676 = arith.cmpi ne, %rem3A_673, %ne3A_675 : vector<128x128xi32>
    %lt3A = arith.constant 0 : i32
    %lt3A_677 = vector.broadcast %lt3A : i32 to vector<128x128xi32>
    %lt3A_678 = arith.cmpi slt, %rem3A_673, %lt3A_677 : vector<128x128xi32>
    %lt3A_679 = arith.constant 0 : i32
    %lt3A_680 = arith.cmpi slt, %select_n3A_671, %lt3A_679 : i32
    %ne3A_681 = vector.broadcast %lt3A_680 : i1 to vector<128x128xi1>
    %ne3A_682 = vector.broadcast %ne3A_681 : vector<128x128xi1> to vector<128x128xi1>
    %ne3A_683 = arith.xori %lt3A_678, %ne3A_682 : vector<128x128xi1>
    %and3A_684 = arith.andi %ne3A_683, %ne3A_676 : vector<128x128xi1>
    %add3A_685 = vector.broadcast %select_n3A_671 : i32 to vector<128x128xi32>
    %add3A_686 = arith.addi %rem3A_673, %add3A_685 : vector<128x128xi32>
    %select_n3A_687 = arith.select %and3A_684, %add3A_686, %rem3A_673 : vector<128x128xi1>, vector<128x128xi32>
    %add3A_688 = arith.addi %mul3A_667, %select_n3A_687 : vector<128x128xi32>
    %jit3A_689 = arith.constant 8 : i32
    %div3A_690 = vector.broadcast %jit3A_689 : i32 to vector<128x128xi32>
    %div3A_691 = arith.divsi %add3A_664, %div3A_690 : vector<128x128xi32>
    %sign3A_692 = arith.constant 0 : i32
    %sign3A_693 = vector.broadcast %sign3A_692 : i32 to vector<128x128xi32>
    %sign3A_694 = arith.cmpi sgt, %add3A_664, %sign3A_693 : vector<128x128xi32>
    %sign3A_695 = arith.extui %sign3A_694 : vector<128x128xi1> to vector<128x128xi32>
    %sign3A_696 = arith.constant 0 : i32
    %sign3A_697 = vector.broadcast %sign3A_696 : i32 to vector<128x128xi32>
    %sign3A_698 = arith.cmpi slt, %add3A_664, %sign3A_697 : vector<128x128xi32>
    %sign3A_699 = arith.extui %sign3A_698 : vector<128x128xi1> to vector<128x128xi32>
    %sign3A_700 = arith.subi %sign3A_695, %sign3A_699 : vector<128x128xi32>
    %sign3A_701 = arith.constant 0 : i32
    %sign3A_702 = arith.cmpi sgt, %jit3A_689, %sign3A_701 : i32
    %sign3A_703 = arith.extui %sign3A_702 : i1 to i32
    %sign3A_704 = arith.constant 0 : i32
    %sign3A_705 = arith.cmpi slt, %jit3A_689, %sign3A_704 : i32
    %sign3A_706 = arith.extui %sign3A_705 : i1 to i32
    %sign3A_707 = arith.subi %sign3A_703, %sign3A_706 : i32
    %ne3A_708 = vector.broadcast %sign3A_707 : i32 to vector<128x128xi32>
    %ne3A_709 = arith.cmpi ne, %sign3A_700, %ne3A_708 : vector<128x128xi32>
    %rem3A_710 = vector.broadcast %jit3A_689 : i32 to vector<128x128xi32>
    %rem3A_711 = arith.remsi %add3A_664, %rem3A_710 : vector<128x128xi32>
    %ne3A_712 = arith.constant 0 : i32
    %ne3A_713 = vector.broadcast %ne3A_712 : i32 to vector<128x128xi32>
    %ne3A_714 = arith.cmpi ne, %rem3A_711, %ne3A_713 : vector<128x128xi32>
    %and3A_715 = arith.andi %ne3A_709, %ne3A_714 : vector<128x128xi1>
    %sub3A_716 = arith.constant 1 : i32
    %sub3A_717 = vector.broadcast %sub3A_716 : i32 to vector<128x128xi32>
    %sub3A_718 = arith.subi %div3A_691, %sub3A_717 : vector<128x128xi32>
    %select_n3A_719 = arith.select %and3A_715, %sub3A_718, %div3A_691 : vector<128x128xi1>, vector<128x128xi32>
    %mul3A_720 = arith.constant 4 : i32
    %mul3A_721 = vector.broadcast %mul3A_720 : i32 to vector<128x128xi32>
    %mul3A_722 = arith.muli %select_n3A_719, %mul3A_721 : vector<128x128xi32>
    %jit3A_723 = arith.constant 128 : i32
    %div3A_724 = vector.broadcast %jit3A_723 : i32 to vector<128x128xi32>
    %div3A_725 = arith.divsi %add3A_688, %div3A_724 : vector<128x128xi32>
    %sign3A_726 = arith.constant 0 : i32
    %sign3A_727 = vector.broadcast %sign3A_726 : i32 to vector<128x128xi32>
    %sign3A_728 = arith.cmpi sgt, %add3A_688, %sign3A_727 : vector<128x128xi32>
    %sign3A_729 = arith.extui %sign3A_728 : vector<128x128xi1> to vector<128x128xi32>
    %sign3A_730 = arith.constant 0 : i32
    %sign3A_731 = vector.broadcast %sign3A_730 : i32 to vector<128x128xi32>
    %sign3A_732 = arith.cmpi slt, %add3A_688, %sign3A_731 : vector<128x128xi32>
    %sign3A_733 = arith.extui %sign3A_732 : vector<128x128xi1> to vector<128x128xi32>
    %sign3A_734 = arith.subi %sign3A_729, %sign3A_733 : vector<128x128xi32>
    %sign3A_735 = arith.constant 0 : i32
    %sign3A_736 = arith.cmpi sgt, %jit3A_723, %sign3A_735 : i32
    %sign3A_737 = arith.extui %sign3A_736 : i1 to i32
    %sign3A_738 = arith.constant 0 : i32
    %sign3A_739 = arith.cmpi slt, %jit3A_723, %sign3A_738 : i32
    %sign3A_740 = arith.extui %sign3A_739 : i1 to i32
    %sign3A_741 = arith.subi %sign3A_737, %sign3A_740 : i32
    %ne3A_742 = vector.broadcast %sign3A_741 : i32 to vector<128x128xi32>
    %ne3A_743 = arith.cmpi ne, %sign3A_734, %ne3A_742 : vector<128x128xi32>
    %rem3A_744 = vector.broadcast %jit3A_723 : i32 to vector<128x128xi32>
    %rem3A_745 = arith.remsi %add3A_688, %rem3A_744 : vector<128x128xi32>
    %ne3A_746 = arith.constant 0 : i32
    %ne3A_747 = vector.broadcast %ne3A_746 : i32 to vector<128x128xi32>
    %ne3A_748 = arith.cmpi ne, %rem3A_745, %ne3A_747 : vector<128x128xi32>
    %and3A_749 = arith.andi %ne3A_743, %ne3A_748 : vector<128x128xi1>
    %sub3A_750 = arith.constant 1 : i32
    %sub3A_751 = vector.broadcast %sub3A_750 : i32 to vector<128x128xi32>
    %sub3A_752 = arith.subi %div3A_725, %sub3A_751 : vector<128x128xi32>
    %select_n3A_753 = arith.select %and3A_749, %sub3A_752, %div3A_725 : vector<128x128xi1>, vector<128x128xi32>
    %add3A_754 = arith.addi %mul3A_722, %select_n3A_753 : vector<128x128xi32>
    %mul3A_755 = arith.constant 1024 : i32
    %mul3A_756 = vector.broadcast %mul3A_755 : i32 to vector<128x128xi32>
    %mul3A_757 = arith.muli %add3A_754, %mul3A_756 : vector<128x128xi32>
    %jit3A_758 = arith.constant 8 : i32
    %eq3A_759 = arith.constant 0 : i32
    %eq3A_760 = arith.cmpi eq, %jit3A_758, %eq3A_759 : i32
    %jit3A_761 = arith.constant 1 : i32
    %select_n3A_762 = arith.select %eq3A_760, %jit3A_761, %jit3A_758 : i32
    %rem3A_763 = vector.broadcast %select_n3A_762 : i32 to vector<128x128xi32>
    %rem3A_764 = arith.remsi %add3A_664, %rem3A_763 : vector<128x128xi32>
    %ne3A_765 = arith.constant 0 : i32
    %ne3A_766 = vector.broadcast %ne3A_765 : i32 to vector<128x128xi32>
    %ne3A_767 = arith.cmpi ne, %rem3A_764, %ne3A_766 : vector<128x128xi32>
    %lt3A_768 = arith.constant 0 : i32
    %lt3A_769 = vector.broadcast %lt3A_768 : i32 to vector<128x128xi32>
    %lt3A_770 = arith.cmpi slt, %rem3A_764, %lt3A_769 : vector<128x128xi32>
    %lt3A_771 = arith.constant 0 : i32
    %lt3A_772 = arith.cmpi slt, %select_n3A_762, %lt3A_771 : i32
    %ne3A_773 = vector.broadcast %lt3A_772 : i1 to vector<128x128xi1>
    %ne3A_774 = vector.broadcast %ne3A_773 : vector<128x128xi1> to vector<128x128xi1>
    %ne3A_775 = arith.xori %lt3A_770, %ne3A_774 : vector<128x128xi1>
    %and3A_776 = arith.andi %ne3A_775, %ne3A_767 : vector<128x128xi1>
    %add3A_777 = vector.broadcast %select_n3A_762 : i32 to vector<128x128xi32>
    %add3A_778 = arith.addi %rem3A_764, %add3A_777 : vector<128x128xi32>
    %select_n3A_779 = arith.select %and3A_776, %add3A_778, %rem3A_764 : vector<128x128xi1>, vector<128x128xi32>
    %mul3A_780 = arith.constant 128 : i32
    %mul3A_781 = vector.broadcast %mul3A_780 : i32 to vector<128x128xi32>
    %mul3A_782 = arith.muli %select_n3A_779, %mul3A_781 : vector<128x128xi32>
    %add3A_783 = arith.addi %mul3A_757, %mul3A_782 : vector<128x128xi32>
    %jit3A_784 = arith.constant 128 : i32
    %eq3A_785 = arith.constant 0 : i32
    %eq3A_786 = arith.cmpi eq, %jit3A_784, %eq3A_785 : i32
    %jit3A_787 = arith.constant 1 : i32
    %select_n3A_788 = arith.select %eq3A_786, %jit3A_787, %jit3A_784 : i32
    %rem3A_789 = vector.broadcast %select_n3A_788 : i32 to vector<128x128xi32>
    %rem3A_790 = arith.remsi %add3A_688, %rem3A_789 : vector<128x128xi32>
    %ne3A_791 = arith.constant 0 : i32
    %ne3A_792 = vector.broadcast %ne3A_791 : i32 to vector<128x128xi32>
    %ne3A_793 = arith.cmpi ne, %rem3A_790, %ne3A_792 : vector<128x128xi32>
    %lt3A_794 = arith.constant 0 : i32
    %lt3A_795 = vector.broadcast %lt3A_794 : i32 to vector<128x128xi32>
    %lt3A_796 = arith.cmpi slt, %rem3A_790, %lt3A_795 : vector<128x128xi32>
    %lt3A_797 = arith.constant 0 : i32
    %lt3A_798 = arith.cmpi slt, %select_n3A_788, %lt3A_797 : i32
    %ne3A_799 = vector.broadcast %lt3A_798 : i1 to vector<128x128xi1>
    %ne3A_800 = vector.broadcast %ne3A_799 : vector<128x128xi1> to vector<128x128xi1>
    %ne3A_801 = arith.xori %lt3A_796, %ne3A_800 : vector<128x128xi1>
    %and3A_802 = arith.andi %ne3A_801, %ne3A_793 : vector<128x128xi1>
    %add3A_803 = vector.broadcast %select_n3A_788 : i32 to vector<128x128xi32>
    %add3A_804 = arith.addi %rem3A_790, %add3A_803 : vector<128x128xi32>
    %select_n3A_805 = arith.select %and3A_802, %add3A_804, %rem3A_790 : vector<128x128xi1>, vector<128x128xi32>
    %add3A_806 = arith.addi %add3A_783, %select_n3A_805 : vector<128x128xi32>
    %mul3A_807 = arith.constant 128 : i32
    %mul3A_808 = vector.broadcast %mul3A_807 : i32 to vector<128x128xi32>
    %mul3A_809 = arith.muli %iota3A, %mul3A_808 : vector<128x128xi32>
    %add3A_810 = arith.addi %mul3A_809, %iota3A_0 : vector<128x128xi32>
    %sub3A_811 = arith.constant 8192 : i32
    %sub3A_812 = vector.broadcast %sub3A_811 : i32 to vector<128x128xi32>
    %sub3A_813 = arith.subi %add3A_810, %sub3A_812 : vector<128x128xi32>
    %mul3A_814 = arith.constant 262144 : i32
    %mul3A_815 = vector.broadcast %mul3A_814 : i32 to vector<128x128xi32>
    %mul3A_816 = arith.muli %sub3A_813, %mul3A_815 : vector<128x128xi32>
    %add3A_817 = arith.addi %mul3A_816, %add3A_806 : vector<128x128xi32>
    %scan3A = arith.constant 2147483647 : i32
    %scan3A_818 = arith.constant 0 : i32
    %scan3A_819 = arith.constant 512 : i32
    %scan3A_820 = arith.addi %scan3A_818, %scan3A_819 : i32
    %scan3A_821 = arith.constant 1 : i32
    %scan3A_822 = scf.for %scan3A_824 = %scan3A_818 to %scan3A_820 step %scan3A_821 iter_args(%scan3A_825 = %select_n3A_631) -> (vector<128x128xf32>)  : i32 {
      %reduce_max3A = vector.shape_cast %scan3A_825 : vector<128x128xf32> to vector<1x128x128xf32>
      %reduce_max3A_826 = arith.constant dense<0xFF800000> : vector<1xf32>
      %reduce_max3A_827 = vector.multi_reduction <maximumf>, %reduce_max3A, %reduce_max3A_826 [1, 2] : vector<1x128x128xf32> to vector<1xf32>
      %reduce_max3A_828 = vector.shape_cast %reduce_max3A_827 : vector<1xf32> to vector<1x1x1xf32>
      %reduce_max3A_829 = vector.extract %reduce_max3A_828[0, 0, 0] : f32 from vector<1x1x1xf32>
      %eq3A_830 = vector.broadcast %reduce_max3A_829 : f32 to vector<128x128xf32>
      %eq3A_831 = arith.cmpf oeq, %scan3A_825, %eq3A_830 : vector<128x128xf32>
      %broadcast_in_dim3A_832 = vector.broadcast %scan3A : i32 to vector<128x128xi32>
      %select_n3A_833 = arith.select %eq3A_831, %add3A_817, %broadcast_in_dim3A_832 : vector<128x128xi1>, vector<128x128xi32>
      %reduce_min3A = vector.shape_cast %select_n3A_833 : vector<128x128xi32> to vector<1x128x128xi32>
      %reduce_min3A_834 = arith.constant dense<2147483647> : vector<1xi32>
      %reduce_min3A_835 = vector.multi_reduction <minsi>, %reduce_min3A, %reduce_min3A_834 [1, 2] : vector<1x128x128xi32> to vector<1xi32>
      %reduce_min3A_836 = vector.shape_cast %reduce_min3A_835 : vector<1xi32> to vector<1x1x1xi32>
      %reduce_min3A_837 = vector.extract %reduce_min3A_836[0, 0, 0] : i32 from vector<1x1x1xi32>
      %and3A_838 = arith.constant 262143 : i32
      %and3A_839 = arith.andi %reduce_min3A_837, %and3A_838 : i32
      %shift_right_arithmetic3A = arith.constant 10 : i32
      %shift_right_arithmetic3A_840 = arith.shrsi %and3A_839, %shift_right_arithmetic3A : i32
      %and3A_841 = arith.constant 1023 : i32
      %and3A_842 = arith.andi %and3A_839, %and3A_841 : i32
      %shift_right_arithmetic3A_843 = arith.constant 2 : i32
      %shift_right_arithmetic3A_844 = arith.shrsi %shift_right_arithmetic3A_840, %shift_right_arithmetic3A_843 : i32
      %mul3A_845 = arith.constant 8 : i32
      %mul3A_846 = arith.muli %shift_right_arithmetic3A_844, %mul3A_845 : i32
      %shift_right_arithmetic3A_847 = arith.constant 7 : i32
      %shift_right_arithmetic3A_848 = arith.shrsi %and3A_842, %shift_right_arithmetic3A_847 : i32
      %add3A_849 = arith.addi %mul3A_846, %shift_right_arithmetic3A_848 : i32
      %and3A_850 = arith.constant 3 : i32
      %and3A_851 = arith.andi %shift_right_arithmetic3A_840, %and3A_850 : i32
      %mul3A_852 = arith.constant 128 : i32
      %mul3A_853 = arith.muli %and3A_851, %mul3A_852 : i32
      %and3A_854 = arith.constant 127 : i32
      %and3A_855 = arith.andi %and3A_842, %and3A_854 : i32
      %add3A_856 = arith.addi %mul3A_853, %and3A_855 : i32
      %swap3A = arith.index_cast %scan3A_824 : i32 to index
      %swap3A_857 = memref.load %arg1[%swap3A] : memref<512xf32, #tpu.memory_space<smem>>
      memref.store %reduce_max3A_829, %arg1[%swap3A] : memref<512xf32, #tpu.memory_space<smem>>
      %convert_element_type3A = arith.sitofp %add3A_856 : i32 to f32
      %div3A_858 = arith.constant 5.110000e+02 : f32
      %div3A_859 = arith.divf %convert_element_type3A, %div3A_858 : f32
      %mul3A_860 = arith.constant 2.000000e+00 : f32
      %mul3A_861 = arith.mulf %div3A_859, %mul3A_860 : f32
      %sub3A_862 = arith.constant 1.000000e+00 : f32
      %sub3A_863 = arith.subf %mul3A_861, %sub3A_862 : f32
      %swap3A_864 = arith.index_cast %scan3A_824 : i32 to index
      %swap3A_865 = memref.load %arg2[%swap3A_864] : memref<512xf32, #tpu.memory_space<smem>>
      memref.store %sub3A_863, %arg2[%swap3A_864] : memref<512xf32, #tpu.memory_space<smem>>
      %convert_element_type3A_866 = arith.sitofp %add3A_849 : i32 to f32
      %div3A_867 = arith.constant 5.110000e+02 : f32
      %div3A_868 = arith.divf %convert_element_type3A_866, %div3A_867 : f32
      %mul3A_869 = arith.constant 2.000000e+00 : f32
      %mul3A_870 = arith.mulf %div3A_868, %mul3A_869 : f32
      %sub3A_871 = arith.constant 1.000000e+00 : f32
      %sub3A_872 = arith.subf %mul3A_870, %sub3A_871 : f32
      %swap3A_873 = arith.index_cast %scan3A_824 : i32 to index
      %swap3A_874 = memref.load %arg3[%swap3A_873] : memref<512xf32, #tpu.memory_space<smem>>
      memref.store %sub3A_872, %arg3[%swap3A_873] : memref<512xf32, #tpu.memory_space<smem>>
      %swap3A_875 = arith.index_cast %scan3A_824 : i32 to index
      %swap3A_876 = memref.load %arg4[%swap3A_875] : memref<512xi32, #tpu.memory_space<smem>>
      memref.store %and3A_839, %arg4[%swap3A_875] : memref<512xi32, #tpu.memory_space<smem>>
      %eq3A_877 = vector.broadcast %reduce_min3A_837 : i32 to vector<128x128xi32>
      %eq3A_878 = arith.cmpi eq, %add3A_817, %eq3A_877 : vector<128x128xi32>
      %jit3A_879 = arith.constant -1.000000e+00 : f32
      %broadcast_in_dim3A_880 = vector.broadcast %jit3A_879 : f32 to vector<128x128xf32>
      %select_n3A_881 = arith.select %eq3A_878, %broadcast_in_dim3A_880, %scan3A_825 : vector<128x128xi1>, vector<128x128xf32>
      scf.yield %select_n3A_881 : vector<128x128xf32>
    }
    %scan3A_823 = arith.constant 512 : i32
    return
  }
}

module attributes {stable_mosaic.version = 14 : i64} {
  func.func @_norm_body(%arg0: memref<512x192xf32, #tpu.memory_space<vmem>>, %arg1: memref<512x192xf32, #tpu.memory_space<vmem>>) attributes {dimension_semantics = [], scalar_prefetch = 0 : i64, scratch_operands = 0 : i64, tpu.core_type = #tpu.core_type<tc>} {
    %get3A = arith.constant 0 : index
    %get3A_0 = arith.constant 0 : index
    %get3A_1 = vector.load %arg0[%get3A, %get3A_0] : memref<512x192xf32, #tpu.memory_space<vmem>>, vector<512x192xf32>
    %mul3A = arith.mulf %get3A_1, %get3A_1 : vector<512x192xf32>
    %reduce_sum3A = arith.constant dense<0.000000e+00> : vector<512xf32>
    %reduce_sum3A_2 = vector.multi_reduction <add>, %mul3A, %reduce_sum3A [1] : vector<512x192xf32> to vector<512xf32>
    %broadcast_in_dim3A = vector.shape_cast %reduce_sum3A_2 : vector<512xf32> to vector<512x1xf32>
    %sqrt3A = math.sqrt %broadcast_in_dim3A : vector<512x1xf32>
    %div3A = vector.broadcast %sqrt3A : vector<512x1xf32> to vector<512x192xf32>
    %div3A_3 = arith.divf %get3A_1, %div3A : vector<512x192xf32>
    %swap3A = arith.constant 0 : index
    %swap3A_4 = arith.constant 0 : index
    %swap3A_5 = vector.load %arg1[%swap3A, %swap3A_4] : memref<512x192xf32, #tpu.memory_space<vmem>>, vector<512x192xf32>
    tpu.vector_store %arg1[%swap3A, %swap3A_4], %div3A_3 {strides = array<i32>} : memref<512x192xf32, #tpu.memory_space<vmem>>, vector<512x192xf32>,
    return
  }
}

</mosaic_0001>

<sc_bundles>
// kernel: kernel.5.cloned.1.call-start
scs
__scs_entry_jumppad:
0x0: {  	(pc) =	sbr.rel $0x88, $3  }
0x1: {  	(tag) =	ssettag $0x0;
	lr =	simm.s32 $0x1  }
0x2: {  	[smem:$0x3F9F] =	sst lr;
	_ =	strace $0xD0000000  }
0x3: {  	_ = 	snop  }
0x4: {  	_ = 	snop  }
0x5: {  	_ = 	snop  }
0x6: {  	_ = 	snop  }
0x7: {  	_ = 	snop  }
__scs_overlays_trampoline_lowered:
0x8: {  	[smem:$0x3FAE] =	sst s0  }
0x9: {  	[smem:$0x3FAF] =	sst s1  }
0xa: {  	[smem:$0x3FB0] =	sst s2  }
0xb: {  	[smem:$0x3FB1] =	sst s3  }
0xc: {  	[smem:$0x3FB2] =	sst s4  }
0xd: {  	[smem:$0x3FB3] =	sst s5  }
0xe: {  	[smem:$0x3FB4] =	sst s6  }
0xf: {  	[smem:$0x3FB5] =	sst s7  }
0x10: {  	[smem:$0x3FB6] =	sst s8  }
0x11: {  	[smem:$0x3FB7] =	sst s9;
	s0 =	simm.s32 @!p0 $0x0  }
0x12: {  	s1 =	sld [smem:$0x3F9D];
	s0 =	simm.s32 @p0 $0x1  }
0x13: {  	[smem:$0x3FB8] =	sst s0;
	s0 =	simm.s32 @!p1 $0x0  }
0x14: {  	s2 =	sld [smem:$0x3F9C];
	s0 =	simm.s32 @p1 $0x1  }
0x15: {  	[smem:$0x3FB9] =	sst s0;
	s0 =	simm.s32 @!p2 $0x0  }
0x16: {  	s3 =	sld [smem:$0x3FDB];
	s0 =	simm.s32 @p2 $0x1  }
0x17: {  	s4 =	simm.s32 $0x1BF5;
	[smem:$0x3FBB] =	sst s0  }
0x18: {  	s0 =	sld [smem:$0x3F9E];
	_ =	swait.ge [sflag:s4], $0x0  }
0x19: {  	s7 =	sld [smem:$0x3F9F]  }
0x1a: {  	s8 =	sadd.s32 $0xFFFFE003, lr  }
0x1b: {  	s9 =	sadd.s32 $0xFFFFFEF7, lr;
	s5 =	simm.s32 $0xFFFFFFFF;
	p2 =	slt.u32 s8, $0xFFFFF086  }
0x1c: {  	p1 =	slt.u32 s9, $0xF7A;
	s5 =	simm.s32 @!p2 $0x0  }
0x1d: {  	s5 =	simm.s32 @p1 $0x1;
	p0 =	seq.s32 s7, s2  }
0x1e: {  	s7 =	smul.u32 @!p0 $0xF7A, s2;
	p2 =	seq.s32 @!p0 s5, $0x0  }
0x1f: {  	s9 =	smul.u32 $0xF7A, s1;
	s8 =	simm.s32 @!p0 $0x1BF5;
	p2 =	por !p2, p0  }
0x20: {  	[sflag:s8] =	ssyncset.s32 @!p0 $0xFFFFF086;
	s6 =	sadd.s32 @!p0 s3, s7;
	s7 =	simm.s32 @!p0 $0x108  }
0x21: {  	s3 =	sadd.s32 s3, s9;
	s6 =	sadd.s32 @!p0 $0x88, s6;
	s7 =	simm.s32 @p2 $0x1082  }
0x22: {  	[simem:s7], [sflag:s8] =	dma.local @!p0 [hbm:s6], $0xF7A  }
0x23: {  	s9 =	sor.u32 $0xD0000000, s2;
	s6 =	simm.s32 $0x108;
	_ =	swait.ge @!p0 [sflag:s8], $0x0  }
0x24: {  	s3 =	sadd.s32 $0x88, s3;
	s6 =	simm.s32 @!p1 $0x1082;
	[sflag:s4] =	ssyncset.s32 $0xFFFFF086  }
0x25: {  	[simem:s6], [sflag:s4] =	dma.local [hbm:s3], $0xF7A  }
0x26: {  	[smem:$0x3F9F] =	sst s1;
	(tag) =	ssettag s2;
	_ =	strace s9  }
0x27: {  	s1 =	sld [smem:$0x3FAF]  }
0x28: {  	s2 =	sld [smem:$0x3FB0]  }
0x29: {  	s4 =	sld [smem:$0x3FB2]  }
0x2a: {  	p0 =	seq.s32 s5, $0x0;
	s5 =	sld [smem:$0x3FB3]  }
0x2b: {  	s6 =	sld [smem:$0x3FB4]  }
0x2c: {  	s7 =	sld [smem:$0x3FB5]  }
0x2d: {  	s3 =	simm.s32 $0x108;
	s8 =	sld [smem:$0x3FB6]  }
0x2e: {  	s3 =	simm.s32 @!p0 $0x1082;
	s9 =	sld [smem:$0x3FB7]  }
0x2f: {  	lr =	sadd.s32 s0, s3;
	s0 =	sld [smem:$0x3FAE]  }
0x30: {  	s3 =	sld [smem:$0x3FB1]  }
0x31: {  	[smem:$0x3FBA] =	sst s10  }
0x32: {  	s10 =	sld [smem:$0x3FB8];
	_ =	sdelay $0x3  }
0x33: {  	p0 =	seq.s32 s10, $0x1;
	s10 =	sld [smem:$0x3FBA];
	_ =	sdelay $0x3  }
0x34: {  	[smem:$0x3FBA] =	sst s10  }
0x35: {  	s10 =	sld [smem:$0x3FB9];
	_ =	sdelay $0x3  }
0x36: {  	p1 =	seq.s32 s10, $0x1;
	s10 =	sld [smem:$0x3FBA];
	_ =	sdelay $0x3  }
0x37: {  	[smem:$0x3FBA] =	sst s10  }
0x38: {  	s10 =	sld [smem:$0x3FBB]  }
0x39: {  	_ = 	snop;
	(pc) =	sbr.ind lr, $3  }
0x3a: {  	_ = 	snop  }
0x3b: {  	_ = 	snop  }
0x3c: {  	p2 =	seq.s32 s10, $0x1;
	s10 =	sld [smem:$0x3FBA]  }
0x3d: {  	_ =	shalt  }
0x3e: {  	_ =	shalt  }
0x3f: {  	_ =	shalt  }
0x40: {  	_ =	shalt  }
0x41: {  	_ =	shalt  }
0x42: {  	_ =	shalt  }
0x43: {  	_ =	shalt  }
0x44: {  	_ =	shalt  }
0x45: {  	_ =	shalt  }
0x46: {  	_ =	shalt  }
0x47: {  	_ =	shalt  }
0x48: {  	_ =	shalt  }
0x49: {  	_ =	shalt  }
0x4a: {  	_ =	shalt  }
0x4b: {  	_ =	shalt  }
0x4c: {  	_ =	shalt  }
0x4d: {  	_ =	shalt  }
0x4e: {  	_ =	shalt  }
0x4f: {  	_ =	shalt  }
0x50: {  	_ =	shalt  }
0x51: {  	_ =	shalt  }
0x52: {  	_ =	shalt  }
0x53: {  	_ =	shalt  }
0x54: {  	_ =	shalt  }
0x55: {  	_ =	shalt  }
0x56: {  	_ =	shalt  }
0x57: {  	_ =	shalt  }
0x58: {  	_ =	shalt  }
0x59: {  	_ =	shalt  }
0x5a: {  	_ =	shalt  }
0x5b: {  	_ =	shalt  }
0x5c: {  	_ =	shalt  }
0x5d: {  	_ =	shalt  }
0x5e: {  	_ =	shalt  }
0x5f: {  	_ =	shalt  }
0x60: {  	_ =	shalt  }
0x61: {  	_ =	shalt  }
0x62: {  	_ =	shalt  }
0x63: {  	_ =	shalt  }
0x64: {  	_ =	shalt  }
0x65: {  	_ =	shalt  }
0x66: {  	_ =	shalt  }
0x67: {  	_ =	shalt  }
0x68: {  	_ =	shalt  }
0x69: {  	_ =	shalt  }
0x6a: {  	_ =	shalt  }
0x6b: {  	_ =	shalt  }
0x6c: {  	_ =	shalt  }
0x6d: {  	_ =	shalt  }
0x6e: {  	_ =	shalt  }
0x6f: {  	_ =	shalt  }
0x70: {  	_ =	shalt  }
0x71: {  	_ =	shalt  }
0x72: {  	_ =	shalt  }
0x73: {  	_ =	shalt  }
0x74: {  	_ =	shalt  }
0x75: {  	_ =	shalt  }
0x76: {  	_ =	shalt  }
0x77: {  	_ =	shalt  }
0x78: {  	_ =	shalt  }
0x79: {  	_ =	shalt  }
0x7a: {  	_ =	shalt  }
0x7b: {  	_ =	shalt  }
0x7c: {  	_ =	shalt  }
0x7d: {  	_ =	shalt  }
0x7e: {  	_ =	shalt  }
0x7f: {  	_ =	shalt  }
0x80: {  	_ =	shalt  }
0x81: {  	_ =	shalt  }
0x82: {  	_ =	shalt  }
0x83: {  	_ =	shalt  }
0x84: {  	_ =	shalt  }
0x85: {  	_ =	shalt  }
0x86: {  	_ =	shalt  }
0x87: {  	_ =	shalt  }
.Lfunc_end0:
.L_simem_size_0:
called_computation_lowered:
.L_overlay_start_0:
0x88: {  	s2 =	sld [smem:$0x3FD9]  }
0x89: {  	s3 =	sld [smem:$0x3FFE];
	_ =	sdelay $0x1  }
0x8a: {  	s1 =	srdreg.scid  }
0x8b: {  	s0 =	sand.u32 $0x1, s1  }
0x8c: {  	s14 =	sshll.u32 s0, $0xA;
	s2 =	sadd.s32 s3, s2  }
0x8d: {  	s2 =	sadd.s32 s2, s14  }
0x8e: {  	[smem:$0x3FC6] =	sst s2  }
0x8f: {  	_ = 	snop  }
0x90: {  	s2 =	sld [smem:$0x3FD0];
	_ =	sdelay $0x2  }
0x91: {  	s4 =	simm.s32 $0xA;
	s5 =	simm.s32 $0x10;
	s15 =	sld [smem:$0x3FC8]  }
0x92: {  	[smem:s5], [sflag:s4] =	dma.local [hbm:s2], $0x1  }
0x93: {  	_ =	swait.eq [sflag:s4], $0x1  }
0x94: {  	[sflag:s4] =	ssyncset.done $0x0  }
0x95: {  	[sflag:s4] =	ssyncadd.s32 $0xFFFFFFFF  }
0x96: {  	s16 =	sld [smem:$0x11];
	(tm) =	ssettm $0x1  }
0x97: {  	s17 =	sld [smem:$0x3FFB];
	_ =	sdelay $0x3  }
0x98: {  	_ =	strace s17  }
0x99: {  	s4 =	sld [smem:$0x3FFC];
	_ =	sdelay $0x3  }
0x9a: {  	_ =	strace s4  }
0x9b: {  	s4 =	sld [smem:$0x3FFD];
	_ =	sdelay $0x3  }
0x9c: {  	_ =	strace s4  }
0x9d: {  	_ =	strace $0x8FFFFFFF  }
0x9e: {  	s18 =	sld [smem:$0x3FDB];
	_ =	sdelay $0x1  }
0x9f: {  	s19 =	simm.s32 $_scs_section_size  }
0xa0: {  	s6 =	simm.s32 $_size__tile_overlayer_lowered;
	s7 =	simm.s32 $_tile_overlayer_lowered  }
0xa1: {  	s22 =	simm.s32 $0x1BFF;
	s21 =	sshll.u32 s7, $0x1;
	s4 =	sadd.s32 s19, s18  }
0xa2: {  	s8 =	simm.s32 $0x0;
	s20 =	sshll.u32 s6, $0x1;
	s6 =	sadd.s32 s21, s4  }
0xa3: {  	[timem:s8], [sflag:s22] =	dma.local [hbm:s6], s20  }
0xa4: {  	_ =	swait.ge [sflag:s22], s20  }
0xa5: {  	s5 =	ssub.s32 $0x0, s20;
	[sflag:s22] =	ssyncset.done $0x0  }
0xa6: {  	[sflag:s22] =	ssyncadd.s32 s5;
	_ =	sdelay $0x1  }
0xa7: {  	s23 =	simm.s32 $0x1B8B  }
0xa8: {  	_ =	swait.ge [sflag:s23], $0x1  }
0xa9: {  	[sflag:s23] =	ssyncset.done $0x0  }
0xaa: {  	s25 =	simm.s32 $0x1B8E;
	s24 =	sld [smem:$0x3FFE];
	[sflag:s23] =	ssyncadd.s32 $0xFFFFFFFF  }
0xab: {  	s26 =	simm.s32 $execute0_lowered;
	[smem:$0x3FD2] =	sst s25  }
0xac: {  	s6 =	sshll.u32 s26, $0x1;
	_ =	strace $0x80000046;
	[dreg:$0x1] =	wrdreg $0xFFFFFFFF  }
0xad: {  	s28 =	simm.s32 $_size_execute0_lowered;
	s4 =	sadd.s32 s4, s6;
	[dreg:$0x0] =	wrdreg $0x0  }
0xae: {  	s6 =	sshll.u32 s28, $0x1;
	[dreg:$0x2] =	wrdreg s4  }
0xaf: {  	[dreg:$0x3] =	wrdreg s6  }
0xb0: {  	[dreg:$0x4] =	wrdreg $0xC0  }
0xb1: {  	_ =	task [dreg:s8], $0x5FFFF  }
0xb2: {  	[dreg:$0x1] =	wrdreg $0xFFFFFFFF  }
0xb3: {  	[dreg:$0x0] =	wrdreg $0x60  }
0xb4: {  	[dreg:$0x2] =	wrdreg s24  }
0xb5: {  	[dreg:$0x3] =	wrdreg s15  }
0xb6: {  	[dreg:$0x4] =	wrdreg s16  }
0xb7: {  	[dreg:$0x5] =	wrdreg $0x9  }
0xb8: {  	_ =	task.clear_ibuf [dreg:s8], $0x6FFFF;
	_ =	strace $0x90000046  }
0xb9: {  	s29 =	simm.s32 $0x9;
	_ =	strace $0x80000048  }
0xba: {  	_ =	swait.ge [sflag:s29], $0x1  }
0xbb: {  	[sflag:s29] =	ssyncadd.s32 $0xFFFFFFFF  }
0xbc: {  	_ =	strace $0x90000048  }
0xbd: {  	_ =	sfence  }
0xbe: {  	s30 =	sld [smem:$0x0];
	_ =	sdelay $0x2  }
0xbf: {  	s31 =	sshll.u32 s1, $0xD;
	s1 =	sshrl.u32 s1, $0x2  }
0xc0: {  	s3 =	sand.u32 $0x4000, s31;
	s1 =	sadd.s32 s1, s30  }
0xc1: {  	s0 =	sor.u32 s3, s0;
	s1 =	sshll.u32 s1, $0x11  }
0xc2: {  	s0 =	sor.u32 s1, s0  }
0xc3: {  	s0 =	sadd.s32 $0x8F2B, s0  }
0xc4: {  	[sflag:s0] =	ssyncadd.remote.s32 $0x1  }
0xc5: {  	_ =	sfence.sel $0xFFFF  }
0xc6: {  	[dreg:$0x0] =	wrdreg $0xFFFFFFFF;
	(pc) =	sbr.abs _section_cstart, $3  }
0xc7: {  	[dreg:$0x1] =	wrdreg $0xFFFFFFFF  }
0xc8: {  	_ =	task.clear_ibuf [dreg:s8], $0x2FFFF;
	_ =	strace $0x9FFFFFFF  }
0xc9: {  	(tm) =	ssettm $0x7FFFFFFF  }
tec
execute0_lowered:
.L_overlay_start_1:
0x0: {  	(tag) =	ssettag $0x1  }
0x1: {  	s4 =	rddreg [dreg:$0x0]  }
0x2: {  	s2 =	rddreg [dreg:$0x1]  }
0x3: {  	s5 =	rddreg [dreg:$0x2]  }
0x4: {  	s0 =	rddreg [dreg:$0x3];
	s6 =	srdreg.scid  }
0x5: {  	s1 =	stileid.u32;
	s3 =	simm.s32 $0x0;
	s9 =	simm.s32 $0x1  }
0x6: {  	s10 =	simm.s32 $0xC80;
	s6 =	sand.u32 $0x1, s6;
	s7 =	sshll.u32 s1, $0x1  }
0x7: {  	s11 =	simm.s32 $0x0;
	[smem:$0x7FF] =	sst s3;
	s7 =	sor.u32 s6, s7  }
0x8: {  	s6 =	ssub.s32 $0x2, s6;
	_ =	strace $0x80000047;
	s8 =	sshll.u32 s7, $0x1  }
0x9: {  	s7 =	smul.u32 $0x180, s7;
	s31 =	sshrl.u32 s6, $0x1;
	s4 =	sadd.s32 s8, s4  }
0xa: {  	s6 =	ssub.s32 s6, s31;
	s8 =	simm.s32 $0x80;
	s4 =	sadd.s32 $0xC00, s4  }
0xb: {  	s5 =	sadd.s32 s5, s7;
	s6 =	smax.u32 s6, $0x1;
	s7 =	simm.s32 $0x2  }
.LBB2_1:
0xc: {  	[tilespmem:s3], [sflag:$0x2] =	stream.linear.gather [hbm4b:s4+s3], $0x10, $0x38;
	[tilespmem:$0x1880] =	vst v63  }
0xd: {  	_ =	swait.ge [sflag:s7], $0x10  }
0xe: {  	[sflag:s7] =	ssyncset.done $0x0  }
0xf: {  	[sflag:s7] =	ssyncadd.s32 $0xFFFFFFF0  }
0x10: {  	v0 =	vld [tilespmem:$0x0];
	_ =	sdelay $0x4  }
0x11: {  	[tilespmem:$0x80] =	vst v0;
	v1 =	vadd.s32 $0x40000, v0  }
0x12: {  	v55 =	vadd.s32 $0x80000, v0;
	[tilespmem:$0x90] =	vst v1  }
0x13: {  	v56 =	vadd.s32 $0xC0000, v0;
	[tilespmem:$0xA0] =	vst v55  }
0x14: {  	v57 =	vadd.s32 $0x100000, v0;
	[tilespmem:$0xB0] =	vst v56  }
0x15: {  	v58 =	vadd.s32 $0x140000, v0;
	[tilespmem:$0xC0] =	vst v57  }
0x16: {  	v59 =	vadd.s32 $0x180000, v0;
	[tilespmem:$0xD0] =	vst v58  }
0x17: {  	v60 =	vadd.s32 $0x1C0000, v0;
	[tilespmem:$0xE0] =	vst v59  }
0x18: {  	v61 =	vadd.s32 $0x200000, v0;
	[tilespmem:$0xF0] =	vst v60  }
0x19: {  	v62 =	vadd.s32 $0x240000, v0;
	[tilespmem:$0x100] =	vst v61  }
0x1a: {  	v63 =	vadd.s32 $0x280000, v0;
	[tilespmem:$0x110] =	vst v62  }
0x1b: {  	v4 =	vadd.s32 $0x2C0000, v0;
	[tilespmem:$0x120] =	vst v63  }
0x1c: {  	v5 =	vadd.s32 $0x300000, v0;
	[tilespmem:$0x130] =	vst v4  }
0x1d: {  	v6 =	vadd.s32 $0x340000, v0;
	[tilespmem:$0x140] =	vst v5  }
0x1e: {  	v7 =	vadd.s32 $0x380000, v0;
	[tilespmem:$0x150] =	vst v6  }
0x1f: {  	v8 =	vadd.s32 $0x3C0000, v0;
	[tilespmem:$0x160] =	vst v7  }
0x20: {  	v9 =	vadd.s32 $0x400000, v0;
	[tilespmem:$0x170] =	vst v8  }
0x21: {  	v10 =	vadd.s32 $0x440000, v0;
	[tilespmem:$0x180] =	vst v9  }
0x22: {  	v11 =	vadd.s32 $0x480000, v0;
	[tilespmem:$0x190] =	vst v10  }
0x23: {  	v12 =	vadd.s32 $0x4C0000, v0;
	[tilespmem:$0x1A0] =	vst v11  }
0x24: {  	v13 =	vadd.s32 $0x500000, v0;
	[tilespmem:$0x1B0] =	vst v12  }
0x25: {  	v14 =	vadd.s32 $0x540000, v0;
	[tilespmem:$0x1C0] =	vst v13  }
0x26: {  	v15 =	vadd.s32 $0x580000, v0;
	[tilespmem:$0x1D0] =	vst v14  }
0x27: {  	v16 =	vadd.s32 $0x5C0000, v0;
	[tilespmem:$0x1E0] =	vst v15  }
0x28: {  	v17 =	vadd.s32 $0x600000, v0;
	[tilespmem:$0x1F0] =	vst v16  }
0x29: {  	v18 =	vadd.s32 $0x640000, v0;
	[tilespmem:$0x200] =	vst v17  }
0x2a: {  	v19 =	vadd.s32 $0x680000, v0;
	[tilespmem:$0x210] =	vst v18  }
0x2b: {  	v20 =	vadd.s32 $0x6C0000, v0;
	[tilespmem:$0x220] =	vst v19  }
0x2c: {  	v21 =	vadd.s32 $0x700000, v0;
	[tilespmem:$0x230] =	vst v20  }
0x2d: {  	v22 =	vadd.s32 $0x740000, v0;
	[tilespmem:$0x240] =	vst v21  }
0x2e: {  	v23 =	vadd.s32 $0x780000, v0;
	[tilespmem:$0x250] =	vst v22  }
0x2f: {  	v24 =	vadd.s32 $0x7C0000, v0;
	[tilespmem:$0x260] =	vst v23  }
0x30: {  	v25 =	vadd.s32 $0x800000, v0;
	[tilespmem:$0x270] =	vst v24  }
0x31: {  	v26 =	vadd.s32 $0x840000, v0;
	[tilespmem:$0x280] =	vst v25  }
0x32: {  	v27 =	vadd.s32 $0x880000, v0;
	[tilespmem:$0x290] =	vst v26  }
0x33: {  	v28 =	vadd.s32 $0x8C0000, v0;
	[tilespmem:$0x2A0] =	vst v27  }
0x34: {  	v29 =	vadd.s32 $0x900000, v0;
	[tilespmem:$0x2B0] =	vst v28  }
0x35: {  	v30 =	vadd.s32 $0x940000, v0;
	[tilespmem:$0x2C0] =	vst v29  }
0x36: {  	v31 =	vadd.s32 $0x980000, v0;
	[tilespmem:$0x2D0] =	vst v30  }
0x37: {  	v32 =	vadd.s32 $0x9C0000, v0;
	[tilespmem:$0x2E0] =	vst v31  }
0x38: {  	v33 =	vadd.s32 $0xA00000, v0;
	[tilespmem:$0x2F0] =	vst v32  }
0x39: {  	v34 =	vadd.s32 $0xA40000, v0;
	[tilespmem:$0x300] =	vst v33  }
0x3a: {  	v35 =	vadd.s32 $0xA80000, v0;
	[tilespmem:$0x310] =	vst v34  }
0x3b: {  	v36 =	vadd.s32 $0xAC0000, v0;
	[tilespmem:$0x320] =	vst v35  }
0x3c: {  	v37 =	vadd.s32 $0xB00000, v0;
	[tilespmem:$0x330] =	vst v36  }
0x3d: {  	v38 =	vadd.s32 $0xB40000, v0;
	[tilespmem:$0x340] =	vst v37  }
0x3e: {  	v39 =	vadd.s32 $0xB80000, v0;
	[tilespmem:$0x350] =	vst v38  }
0x3f: {  	v40 =	vadd.s32 $0xBC0000, v0;
	[tilespmem:$0x360] =	vst v39  }
0x40: {  	v41 =	vadd.s32 $0xC00000, v0;
	[tilespmem:$0x370] =	vst v40  }
0x41: {  	v42 =	vadd.s32 $0xC40000, v0;
	[tilespmem:$0x380] =	vst v41  }
0x42: {  	v43 =	vadd.s32 $0xC80000, v0;
	[tilespmem:$0x390] =	vst v42  }
0x43: {  	v44 =	vadd.s32 $0xCC0000, v0;
	[tilespmem:$0x3A0] =	vst v43  }
0x44: {  	v45 =	vadd.s32 $0xD00000, v0;
	[tilespmem:$0x3B0] =	vst v44  }
0x45: {  	v46 =	vadd.s32 $0xD40000, v0;
	[tilespmem:$0x3C0] =	vst v45  }
0x46: {  	v47 =	vadd.s32 $0xD80000, v0;
	[tilespmem:$0x3D0] =	vst v46  }
0x47: {  	v48 =	vadd.s32 $0xDC0000, v0;
	[tilespmem:$0x3E0] =	vst v47  }
0x48: {  	v49 =	vadd.s32 $0xE00000, v0;
	[tilespmem:$0x3F0] =	vst v48  }
0x49: {  	v50 =	vadd.s32 $0xE40000, v0;
	[tilespmem:$0x400] =	vst v49  }
0x4a: {  	v51 =	vadd.s32 $0xE80000, v0;
	[tilespmem:$0x410] =	vst v50  }
0x4b: {  	v52 =	vadd.s32 $0xEC0000, v0;
	[tilespmem:$0x420] =	vst v51  }
0x4c: {  	v53 =	vadd.s32 $0xF00000, v0;
	[tilespmem:$0x430] =	vst v52  }
0x4d: {  	v54 =	vadd.s32 $0xF40000, v0;
	[tilespmem:$0x440] =	vst v53  }
0x4e: {  	[tilespmem:$0x450] =	vst v54;
	v55 =	vadd.s32 $0xF80000, v0  }
0x4f: {  	v56 =	vadd.s32 $0xFC0000, v0;
	[tilespmem:$0x460] =	vst v55  }
0x50: {  	v57 =	vadd.s32 $0x1000000, v0;
	[tilespmem:$0x470] =	vst v56  }
0x51: {  	v58 =	vadd.s32 $0x1040000, v0;
	[tilespmem:$0x480] =	vst v57  }
0x52: {  	v59 =	vadd.s32 $0x1080000, v0;
	[tilespmem:$0x490] =	vst v58  }
0x53: {  	v60 =	vadd.s32 $0x10C0000, v0;
	[tilespmem:$0x4A0] =	vst v59  }
0x54: {  	v61 =	vadd.s32 $0x1100000, v0;
	[tilespmem:$0x4B0] =	vst v60  }
0x55: {  	v62 =	vadd.s32 $0x1140000, v0;
	[tilespmem:$0x4C0] =	vst v61  }
0x56: {  	v63 =	vadd.s32 $0x1180000, v0;
	[tilespmem:$0x4D0] =	vst v62  }
0x57: {  	v4 =	vadd.s32 $0x11C0000, v0;
	[tilespmem:$0x4E0] =	vst v63  }
0x58: {  	v5 =	vadd.s32 $0x1200000, v0;
	[tilespmem:$0x4F0] =	vst v4  }
0x59: {  	v6 =	vadd.s32 $0x1240000, v0;
	[tilespmem:$0x500] =	vst v5  }
0x5a: {  	v7 =	vadd.s32 $0x1280000, v0;
	[tilespmem:$0x510] =	vst v6  }
0x5b: {  	v8 =	vadd.s32 $0x12C0000, v0;
	[tilespmem:$0x520] =	vst v7  }
0x5c: {  	v9 =	vadd.s32 $0x1300000, v0;
	[tilespmem:$0x530] =	vst v8  }
0x5d: {  	v10 =	vadd.s32 $0x1340000, v0;
	[tilespmem:$0x540] =	vst v9  }
0x5e: {  	v11 =	vadd.s32 $0x1380000, v0;
	[tilespmem:$0x550] =	vst v10  }
0x5f: {  	v12 =	vadd.s32 $0x13C0000, v0;
	[tilespmem:$0x560] =	vst v11  }
0x60: {  	v13 =	vadd.s32 $0x1400000, v0;
	[tilespmem:$0x570] =	vst v12  }
0x61: {  	v14 =	vadd.s32 $0x1440000, v0;
	[tilespmem:$0x580] =	vst v13  }
0x62: {  	v15 =	vadd.s32 $0x1480000, v0;
	[tilespmem:$0x590] =	vst v14  }
0x63: {  	v16 =	vadd.s32 $0x14C0000, v0;
	[tilespmem:$0x5A0] =	vst v15  }
0x64: {  	v17 =	vadd.s32 $0x1500000, v0;
	[tilespmem:$0x5B0] =	vst v16  }
0x65: {  	v18 =	vadd.s32 $0x1540000, v0;
	[tilespmem:$0x5C0] =	vst v17  }
0x66: {  	v19 =	vadd.s32 $0x1580000, v0;
	[tilespmem:$0x5D0] =	vst v18  }
0x67: {  	v20 =	vadd.s32 $0x15C0000, v0;
	[tilespmem:$0x5E0] =	vst v19  }
0x68: {  	v21 =	vadd.s32 $0x1600000, v0;
	[tilespmem:$0x5F0] =	vst v20  }
0x69: {  	v22 =	vadd.s32 $0x1640000, v0;
	[tilespmem:$0x600] =	vst v21  }
0x6a: {  	v23 =	vadd.s32 $0x1680000, v0;
	[tilespmem:$0x610] =	vst v22  }
0x6b: {  	v24 =	vadd.s32 $0x16C0000, v0;
	[tilespmem:$0x620] =	vst v23  }
0x6c: {  	v25 =	vadd.s32 $0x1700000, v0;
	[tilespmem:$0x630] =	vst v24  }
0x6d: {  	v26 =	vadd.s32 $0x1740000, v0;
	[tilespmem:$0x640] =	vst v25  }
0x6e: {  	v27 =	vadd.s32 $0x1780000, v0;
	[tilespmem:$0x650] =	vst v26  }
0x6f: {  	v28 =	vadd.s32 $0x17C0000, v0;
	[tilespmem:$0x660] =	vst v27  }
0x70: {  	v29 =	vadd.s32 $0x1800000, v0;
	[tilespmem:$0x670] =	vst v28  }
0x71: {  	v30 =	vadd.s32 $0x1840000, v0;
	[tilespmem:$0x680] =	vst v29  }
0x72: {  	v31 =	vadd.s32 $0x1880000, v0;
	[tilespmem:$0x690] =	vst v30  }
0x73: {  	v32 =	vadd.s32 $0x18C0000, v0;
	[tilespmem:$0x6A0] =	vst v31  }
0x74: {  	v33 =	vadd.s32 $0x1900000, v0;
	[tilespmem:$0x6B0] =	vst v32  }
0x75: {  	v34 =	vadd.s32 $0x1940000, v0;
	[tilespmem:$0x6C0] =	vst v33  }
0x76: {  	v35 =	vadd.s32 $0x1980000, v0;
	[tilespmem:$0x6D0] =	vst v34  }
0x77: {  	v36 =	vadd.s32 $0x19C0000, v0;
	[tilespmem:$0x6E0] =	vst v35  }
0x78: {  	v37 =	vadd.s32 $0x1A00000, v0;
	[tilespmem:$0x6F0] =	vst v36  }
0x79: {  	v38 =	vadd.s32 $0x1A40000, v0;
	[tilespmem:$0x700] =	vst v37  }
0x7a: {  	v39 =	vadd.s32 $0x1A80000, v0;
	[tilespmem:$0x710] =	vst v38  }
0x7b: {  	v40 =	vadd.s32 $0x1AC0000, v0;
	[tilespmem:$0x720] =	vst v39  }
0x7c: {  	v41 =	vadd.s32 $0x1B00000, v0;
	[tilespmem:$0x730] =	vst v40  }
0x7d: {  	v42 =	vadd.s32 $0x1B40000, v0;
	[tilespmem:$0x740] =	vst v41  }
0x7e: {  	v43 =	vadd.s32 $0x1B80000, v0;
	[tilespmem:$0x750] =	vst v42  }
0x7f: {  	v44 =	vadd.s32 $0x1BC0000, v0;
	[tilespmem:$0x760] =	vst v43  }
0x80: {  	v45 =	vadd.s32 $0x1C00000, v0;
	[tilespmem:$0x770] =	vst v44  }
0x81: {  	v46 =	vadd.s32 $0x1C40000, v0;
	[tilespmem:$0x780] =	vst v45  }
0x82: {  	v47 =	vadd.s32 $0x1C80000, v0;
	[tilespmem:$0x790] =	vst v46  }
0x83: {  	v48 =	vadd.s32 $0x1CC0000, v0;
	[tilespmem:$0x7A0] =	vst v47  }
0x84: {  	v49 =	vadd.s32 $0x1D00000, v0;
	[tilespmem:$0x7B0] =	vst v48  }
0x85: {  	v50 =	vadd.s32 $0x1D40000, v0;
	[tilespmem:$0x7C0] =	vst v49  }
0x86: {  	v51 =	vadd.s32 $0x1D80000, v0;
	[tilespmem:$0x7D0] =	vst v50  }
0x87: {  	v52 =	vadd.s32 $0x1DC0000, v0;
	[tilespmem:$0x7E0] =	vst v51  }
0x88: {  	v53 =	vadd.s32 $0x1E00000, v0;
	[tilespmem:$0x7F0] =	vst v52  }
0x89: {  	v54 =	vadd.s32 $0x1E40000, v0;
	[tilespmem:$0x800] =	vst v53  }
0x8a: {  	[tilespmem:$0x810] =	vst v54;
	v55 =	vadd.s32 $0x1E80000, v0  }
0x8b: {  	v56 =	vadd.s32 $0x1EC0000, v0;
	[tilespmem:$0x820] =	vst v55  }
0x8c: {  	v57 =	vadd.s32 $0x1F00000, v0;
	[tilespmem:$0x830] =	vst v56  }
0x8d: {  	v58 =	vadd.s32 $0x1F40000, v0;
	[tilespmem:$0x840] =	vst v57  }
0x8e: {  	v59 =	vadd.s32 $0x1F80000, v0;
	[tilespmem:$0x850] =	vst v58  }
0x8f: {  	v60 =	vadd.s32 $0x1FC0000, v0;
	[tilespmem:$0x860] =	vst v59  }
0x90: {  	v61 =	vadd.s32 $0x2000000, v0;
	[tilespmem:$0x870] =	vst v60  }
0x91: {  	v62 =	vadd.s32 $0x2040000, v0;
	[tilespmem:$0x880] =	vst v61  }
0x92: {  	v63 =	vadd.s32 $0x2080000, v0;
	[tilespmem:$0x890] =	vst v62  }
0x93: {  	v4 =	vadd.s32 $0x20C0000, v0;
	[tilespmem:$0x8A0] =	vst v63  }
0x94: {  	v5 =	vadd.s32 $0x2100000, v0;
	[tilespmem:$0x8B0] =	vst v4  }
0x95: {  	v6 =	vadd.s32 $0x2140000, v0;
	[tilespmem:$0x8C0] =	vst v5  }
0x96: {  	v7 =	vadd.s32 $0x2180000, v0;
	[tilespmem:$0x8D0] =	vst v6  }
0x97: {  	v8 =	vadd.s32 $0x21C0000, v0;
	[tilespmem:$0x8E0] =	vst v7  }
0x98: {  	v9 =	vadd.s32 $0x2200000, v0;
	[tilespmem:$0x8F0] =	vst v8  }
0x99: {  	v10 =	vadd.s32 $0x2240000, v0;
	[tilespmem:$0x900] =	vst v9  }
0x9a: {  	v11 =	vadd.s32 $0x2280000, v0;
	[tilespmem:$0x910] =	vst v10  }
0x9b: {  	v12 =	vadd.s32 $0x22C0000, v0;
	[tilespmem:$0x920] =	vst v11  }
0x9c: {  	v13 =	vadd.s32 $0x2300000, v0;
	[tilespmem:$0x930] =	vst v12  }
0x9d: {  	v14 =	vadd.s32 $0x2340000, v0;
	[tilespmem:$0x940] =	vst v13  }
0x9e: {  	v15 =	vadd.s32 $0x2380000, v0;
	[tilespmem:$0x950] =	vst v14  }
0x9f: {  	v16 =	vadd.s32 $0x23C0000, v0;
	[tilespmem:$0x960] =	vst v15  }
0xa0: {  	v17 =	vadd.s32 $0x2400000, v0;
	[tilespmem:$0x970] =	vst v16  }
0xa1: {  	v18 =	vadd.s32 $0x2440000, v0;
	[tilespmem:$0x980] =	vst v17  }
0xa2: {  	v19 =	vadd.s32 $0x2480000, v0;
	[tilespmem:$0x990] =	vst v18  }
0xa3: {  	v20 =	vadd.s32 $0x24C0000, v0;
	[tilespmem:$0x9A0] =	vst v19  }
0xa4: {  	v21 =	vadd.s32 $0x2500000, v0;
	[tilespmem:$0x9B0] =	vst v20  }
0xa5: {  	v22 =	vadd.s32 $0x2540000, v0;
	[tilespmem:$0x9C0] =	vst v21  }
0xa6: {  	v23 =	vadd.s32 $0x2580000, v0;
	[tilespmem:$0x9D0] =	vst v22  }
0xa7: {  	v24 =	vadd.s32 $0x25C0000, v0;
	[tilespmem:$0x9E0] =	vst v23  }
0xa8: {  	v25 =	vadd.s32 $0x2600000, v0;
	[tilespmem:$0x9F0] =	vst v24  }
0xa9: {  	v26 =	vadd.s32 $0x2640000, v0;
	[tilespmem:$0xA00] =	vst v25  }
0xaa: {  	v27 =	vadd.s32 $0x2680000, v0;
	[tilespmem:$0xA10] =	vst v26  }
0xab: {  	v28 =	vadd.s32 $0x26C0000, v0;
	[tilespmem:$0xA20] =	vst v27  }
0xac: {  	v29 =	vadd.s32 $0x2700000, v0;
	[tilespmem:$0xA30] =	vst v28  }
0xad: {  	v30 =	vadd.s32 $0x2740000, v0;
	[tilespmem:$0xA40] =	vst v29  }
0xae: {  	v31 =	vadd.s32 $0x2780000, v0;
	[tilespmem:$0xA50] =	vst v30  }
0xaf: {  	v32 =	vadd.s32 $0x27C0000, v0;
	[tilespmem:$0xA60] =	vst v31  }
0xb0: {  	v33 =	vadd.s32 $0x2800000, v0;
	[tilespmem:$0xA70] =	vst v32  }
0xb1: {  	v34 =	vadd.s32 $0x2840000, v0;
	[tilespmem:$0xA80] =	vst v33  }
0xb2: {  	v35 =	vadd.s32 $0x2880000, v0;
	[tilespmem:$0xA90] =	vst v34  }
0xb3: {  	v36 =	vadd.s32 $0x28C0000, v0;
	[tilespmem:$0xAA0] =	vst v35  }
0xb4: {  	v37 =	vadd.s32 $0x2900000, v0;
	[tilespmem:$0xAB0] =	vst v36  }
0xb5: {  	v38 =	vadd.s32 $0x2940000, v0;
	[tilespmem:$0xAC0] =	vst v37  }
0xb6: {  	v39 =	vadd.s32 $0x2980000, v0;
	[tilespmem:$0xAD0] =	vst v38  }
0xb7: {  	v40 =	vadd.s32 $0x29C0000, v0;
	[tilespmem:$0xAE0] =	vst v39  }
0xb8: {  	v41 =	vadd.s32 $0x2A00000, v0;
	[tilespmem:$0xAF0] =	vst v40  }
0xb9: {  	v42 =	vadd.s32 $0x2A40000, v0;
	[tilespmem:$0xB00] =	vst v41  }
0xba: {  	v43 =	vadd.s32 $0x2A80000, v0;
	[tilespmem:$0xB10] =	vst v42  }
0xbb: {  	v44 =	vadd.s32 $0x2AC0000, v0;
	[tilespmem:$0xB20] =	vst v43  }
0xbc: {  	v45 =	vadd.s32 $0x2B00000, v0;
	[tilespmem:$0xB30] =	vst v44  }
0xbd: {  	v46 =	vadd.s32 $0x2B40000, v0;
	[tilespmem:$0xB40] =	vst v45  }
0xbe: {  	v47 =	vadd.s32 $0x2B80000, v0;
	[tilespmem:$0xB50] =	vst v46  }
0xbf: {  	v48 =	vadd.s32 $0x2BC0000, v0;
	[tilespmem:$0xB60] =	vst v47  }
0xc0: {  	v49 =	vadd.s32 $0x2C00000, v0;
	[tilespmem:$0xB70] =	vst v48  }
0xc1: {  	v50 =	vadd.s32 $0x2C40000, v0;
	[tilespmem:$0xB80] =	vst v49  }
0xc2: {  	v51 =	vadd.s32 $0x2C80000, v0;
	[tilespmem:$0xB90] =	vst v50  }
0xc3: {  	v52 =	vadd.s32 $0x2CC0000, v0;
	[tilespmem:$0xBA0] =	vst v51  }
0xc4: {  	v53 =	vadd.s32 $0x2D00000, v0;
	[tilespmem:$0xBB0] =	vst v52  }
0xc5: {  	v54 =	vadd.s32 $0x2D40000, v0;
	[tilespmem:$0xBC0] =	vst v53  }
0xc6: {  	[tilespmem:$0xBD0] =	vst v54;
	v55 =	vadd.s32 $0x2D80000, v0  }
0xc7: {  	v56 =	vadd.s32 $0x2DC0000, v0;
	[tilespmem:$0xBE0] =	vst v55  }
0xc8: {  	v57 =	vadd.s32 $0x2E00000, v0;
	[tilespmem:$0xBF0] =	vst v56  }
0xc9: {  	v58 =	vadd.s32 $0x2E40000, v0;
	[tilespmem:$0xC00] =	vst v57  }
0xca: {  	v59 =	vadd.s32 $0x2E80000, v0;
	[tilespmem:$0xC10] =	vst v58  }
0xcb: {  	v60 =	vadd.s32 $0x2EC0000, v0;
	[tilespmem:$0xC20] =	vst v59  }
0xcc: {  	v61 =	vadd.s32 $0x2F00000, v0;
	[tilespmem:$0xC30] =	vst v60  }
0xcd: {  	v62 =	vadd.s32 $0x2F40000, v0;
	[tilespmem:$0xC40] =	vst v61  }
0xce: {  	v63 =	vadd.s32 $0x2F80000, v0;
	[tilespmem:$0xC50] =	vst v62  }
0xcf: {  	v0 =	vadd.s32 $0x2FC0000, v0;
	[tilespmem:$0xC60] =	vst v63  }
0xd0: {  	s12 =	simm.s32 $0xC80;
	s13 =	simm.s32 $0x80;
	[tilespmem:$0xC70] =	vst v0  }
0xd1: {  	[tilespmem:s12], [sflag:$0x1] =	stream.indirect.gather [hbm4b:s2+s8], $0x1, s13, s8, $0xb8;
	[tilespmem:$0x1880] =	vst v63  }
0xd2: {  	s12 =	simm.s32 $0x200;
	_ =	swait.ge [sflag:s9], $0x80  }
.LBB2_2:
0xd3: {  	s13 =	sshra.s32 s12, $0x2  }
0xd4: {  	[sflag:s9] =	ssyncset.done $0x0;
	p0 =	sne.s32 s12, $0x2E00;
	s14 =	sadd.s32 $0xC80, s13  }
.Ltmp0:
0xd5: {  	s13 =	sadd.s32 $0x80, s13;
	[sflag:s9] =	ssyncadd.s32 $0xFFFFFF80;
	(pc) =	sbr.rel @p0 .LBB2_2-.Ltmp0, $3  }
0xd6: {  	[tilespmem:s14], [sflag:$0x1] =	stream.indirect.gather [hbm4b:s2+s8], $0x1, s13, s8, $0xb8;
	[tilespmem:$0x1880] =	vst v63  }
0xd7: {  	s12 =	sadd.s32 $0x200, s12;
	_ =	sdelay $0x1  }
0xd8: {  	_ =	swait.ge [sflag:s9], $0x80  }
0xd9: {  	s11 =	sadd.s32 $0x1, s11  }
0xda: {  	[sflag:s9] =	ssyncset.done $0x0;
	p0 =	sne.s32 s11, s6  }
.Ltmp1:
0xdb: {  	[sflag:s9] =	ssyncadd.s32 $0xFFFFFF80;
	(pc) =	sbr.rel @p0 .LBB2_1-.Ltmp1, $4  }
0xdc: {  	[hbm4b:s5+s3] =	stream.linear.scatter [tilespmem:s10], [sflag:$0x2], $0xC00, $0x38;
	[tilespmem:$0x1880] =	vst v63  }
0xdd: {  	_ =	swait.ge [sflag:s7], $0xC00  }
0xde: {  	[sflag:s7] =	ssyncset.done $0x0  }
0xdf: {  	[sflag:s7] =	ssyncadd.s32 $0xFFFFF400  }
0xe0: {  	_ =	sfence.sel $0x180000  }
0xe1: {  	[bflag:$0x0] =	sbarrier.arrive $0xFFFF  }
0xe2: {  	p0 =	sne.s32 s1, $0x0;
	_ =	strace $0x90000047  }
0xe3: {  	s0 =	sadd.s32 @!p0 $0x100000, s0;
	[bflag:$0x2] =	sbarrier.arrive $0xFFFF  }
0xe4: {  	[sflag:s0] =	ssyncadd.tile.s32 @!p0 $0x1;
	_ =	shalt  }
.Lfunc_end2:
_tile_overlayer_lowered:
.L_overlay_start_2:
0xe5: {  	(tag) =	ssettag $0x2  }
0xe6: {  	s0 =	rddreg [dreg:$0x0];
	s2 =	stileid.u32  }
0xe7: {  	s1 =	rddreg [dreg:$0x1];
	p0 =	sne.s32 s2, $0x0  }
0xe8: {  	s3 =	rddreg [dreg:$0x2];
	[bflag:$0x3] =	sbarrier.arrive $0xFFFF;
	s2 =	simm.s32 @!p0 $0x1C02  }
0xe9: {  	[timem:s3], [sflag:s2] =	dma.local @!p0 [hbm:s0], s1  }
0xea: {  	s0 =	simm.s32 @!p0 $0x2  }
0xeb: {  	_ =	swait.ge @!p0 [sflag:s0], s1  }
0xec: {  	s1 =	ssub.s32 @!p0 $0x0, s1;
	[sflag:s0] =	ssyncset.done @!p0 $0x0  }
0xed: {  	[sflag:s0] =	ssyncadd.s32 @!p0 s1  }
0xee: {  	[bflag:$0x3] =	sbarrier.arrive $0xFFFF  }
0xef: {  	_ =	shalt  }

</sc_bundles>
